<compile_context>
chip_gen: v7x
topology: tpu7x:2x2x1
jax: 0.10.2.dev20260603
libtpu: 0.0.44.dev20260713+nightly
codegen_flags: <defaults>
</compile_context>

<pallas_src>
import functools

import jax
import jax.numpy as jnp
from jax import lax
from jax.experimental import pallas as pl
from jax.experimental.pallas import tpu as pltpu
from jax.experimental.pallas import tpu_sc as plsc

N = 10000
E = 320000
IN = 128
H = 8
D = 16
FD = H * D
HID = 128
OUT = 8

NC = 2
NS = 16
NW = NC * NS
ROW = FD + 16
N_PAD = 10112
RPT = N_PAD // NS
CH = 96
E_T = 10176
E_PAD = NW * E_T
CHUNKS = E_T // CH
HPAIR = CHUNKS // 2


def _pre_body(h_ref, w0_ref, al0_ref, ar0_ref, w1_ref, al1_ref, ar1_ref,
              f0_ref, e0_ref, f1_ref, e1_ref):
    gi = lax.broadcasted_iota(jnp.int32, (FD, 16), 0) // D
    ji = lax.broadcasted_iota(jnp.int32, (FD, 16), 1)
    mask16 = (gi == ji).astype(jnp.float32)
    hh = h_ref[...]
    for w_ref, al_ref, ar_ref, f_ref, e_ref in (
        (w0_ref, al0_ref, ar0_ref, f0_ref, e0_ref),
        (w1_ref, al1_ref, ar1_ref, f1_ref, e1_ref),
    ):
        feat = jnp.dot(hh, w_ref[...], preferred_element_type=jnp.float32)
        el16 = jnp.dot(feat * al_ref[...], mask16,
                       preferred_element_type=jnp.float32)
        er16 = jnp.dot(feat * ar_ref[...], mask16,
                       preferred_element_type=jnp.float32)
        f_ref[...] = jnp.zeros((N_PAD, ROW), jnp.float32)
        f_ref[0:N, 0:FD] = feat
        f_ref[0:N, FD:ROW] = el16
        e_ref[...] = jnp.zeros((N_PAD, 16), jnp.float32)
        e_ref[0:N, :] = er16


def _sc_body(f0_ref, e0_ref, sd0_ref, f1_ref, e1_ref, sd1_ref, zc_ref,
             o0_ref, o1_ref,
             acc_s, sd_a, sd_b, rows_a, rows_b, er_a, er_b, sem_a, sem_b):
    cid = lax.axis_index("c")
    sid = lax.axis_index("s")
    wid = cid * NS + sid

    for fl, er, sdr, outr in (
        (f0_ref, e0_ref, sd0_ref, o0_ref),
        (f1_ref, e1_ref, sd1_ref, o1_ref),
    ):
        pltpu.sync_copy(zc_ref, acc_s.at[pl.ds(sid * RPT, RPT)])
        plsc.subcore_barrier()

        def idxload(c, sd):
            pltpu.sync_copy(sdr.at[wid * CHUNKS + c], sd)

        def gather(sd, rows, erv, sem):
            pltpu.async_copy(fl.at[sd.at[0]], rows, sem)
            pltpu.async_copy(er.at[sd.at[1]], erv, sem)

        def waitg(sd, rows, erv, sem):
            pltpu.make_async_copy(fl.at[sd.at[0]], rows, sem).wait()
            pltpu.make_async_copy(er.at[sd.at[1]], erv, sem).wait()

        lane_j = [jnp.full((16,), j, jnp.int32) for j in range(H)]

        def compute(rows, erv):
            @plsc.parallel_loop(0, CH, 1, unroll=4)
            def _edge(e):
                el16 = rows[e, pl.ds(FD, 16)]
                er16 = erv[e, :]
                fs = [rows[e, pl.ds(j * D, 16)] for j in range(H)]
                x = el16 + er16
                x = jnp.maximum(x, 0.2 * x)
                w = jnp.exp(x)
                rows[e, pl.ds(FD, 16)] = w
                for j in range(H):
                    wj = jnp.take(w, lane_j[j])
                    rows[e, pl.ds(j * D, 16)] = fs[j] * wj

        idxload(0, sd_a)
        gather(sd_a, rows_a, er_a, sem_a)

        def pair_body(i, carry):
            c_a = 2 * i
            c_b = c_a + 1
            idxload(c_b, sd_b)
            gather(sd_b, rows_b, er_b, sem_b)
            waitg(sd_a, rows_a, er_a, sem_a)
            compute(rows_a, er_a)
            pltpu.sync_copy(rows_a, acc_s.at[sd_a.at[1]], add=True)

            @pl.when(i < HPAIR - 1)
            def _():
                idxload(c_a + 2, sd_a)
                gather(sd_a, rows_a, er_a, sem_a)

            waitg(sd_b, rows_b, er_b, sem_b)
            compute(rows_b, er_b)
            pltpu.sync_copy(rows_b, acc_s.at[sd_b.at[1]], add=True)
            return carry

        lax.fori_loop(0, HPAIR, pair_body, 0)
        plsc.subcore_barrier()
        pltpu.sync_copy(acc_s.at[pl.ds(sid * RPT, RPT)],
                        outr.at[cid, pl.ds(sid * RPT, RPT)])
        plsc.subcore_barrier()


def _post_body(a0_ref, a1_ref, b0_ref, b1_ref, sw1_ref, sb1_ref, sw2_ref,
               pw_ref, pb_ref, o_ref):
    hi = lax.broadcasted_iota(jnp.int32, (H, FD), 0)
    gi = lax.broadcasted_iota(jnp.int32, (H, FD), 1) // D
    expand = (hi == gi).astype(jnp.float32)
    outs = []
    for a_ref, b_ref in ((a0_ref, b0_ref), (a1_ref, b1_ref)):
        a = a_ref[0] + a_ref[1]
        f = a[0:N, 0:FD]
        s8 = a[0:N, FD:FD + H]
        s16 = jnp.dot(s8, expand, preferred_element_type=jnp.float32)
        z = f / (s16 + 1e-9) + b_ref[...]
        z = jnp.where(z > 0, z, jnp.exp(jnp.minimum(z, 0.0)) - 1.0)
        t = jnp.tanh(jnp.dot(z, sw1_ref[...],
                             preferred_element_type=jnp.float32)
                     + sb1_ref[...])
        wv = jnp.sum(t * sw2_ref[...], axis=1, keepdims=True)
        ew = jnp.exp(wv - jnp.max(wv))
        agg = jnp.sum(z * ew, axis=0, keepdims=True) / jnp.sum(ew)
        outs.append(jnp.dot(agg, pw_ref[...],
                            preferred_element_type=jnp.float32)
                    + pb_ref[...])
    o_ref[...] = jnp.concatenate(outs, axis=0)


@jax.jit
def kernel(h, edge_index_0, edge_index_1, W0, al0, ar0, b0,
           W1, al1, ar1, b1, sW1, sb1, sW2, pW, pb):
    f32 = jnp.float32

    featl0, er0, featl1, er1 = pl.pallas_call(
        _pre_body,
        out_shape=[
            jax.ShapeDtypeStruct((N_PAD, ROW), f32),
            jax.ShapeDtypeStruct((N_PAD, 16), f32),
            jax.ShapeDtypeStruct((N_PAD, ROW), f32),
            jax.ShapeDtypeStruct((N_PAD, 16), f32),
        ],
    )(h, W0, al0.reshape(1, FD), ar0.reshape(1, FD),
      W1, al1.reshape(1, FD), ar1.reshape(1, FD))

    pad = jnp.full((2, E_PAD - E), N, jnp.int32)
    sd0 = jnp.concatenate([edge_index_0, pad], axis=1) \
        .reshape(2, E_PAD // CH, CH).transpose(1, 0, 2)
    sd1 = jnp.concatenate([edge_index_1, pad], axis=1) \
        .reshape(2, E_PAD // CH, CH).transpose(1, 0, 2)
    zc = jnp.zeros((RPT, ROW), f32)

    mesh = plsc.VectorSubcoreMesh(core_axis_name="c", subcore_axis_name="s",
                                  num_cores=NC, num_subcores=NS)
    acc0, acc1 = pl.kernel(
        _sc_body,
        out_type=[
            jax.ShapeDtypeStruct((NC, N_PAD, ROW), f32),
            jax.ShapeDtypeStruct((NC, N_PAD, ROW), f32),
        ],
        mesh=mesh,
        compiler_params=pltpu.CompilerParams(use_tc_tiling_on_sc=False),
        scratch_types=[
            pltpu.VMEM_SHARED((N_PAD, ROW), f32),
            pltpu.VMEM((2, CH), jnp.int32),
            pltpu.VMEM((2, CH), jnp.int32),
            pltpu.VMEM((CH, ROW), f32),
            pltpu.VMEM((CH, ROW), f32),
            pltpu.VMEM((CH, 16), f32),
            pltpu.VMEM((CH, 16), f32),
            pltpu.SemaphoreType.DMA,
            pltpu.SemaphoreType.DMA,
        ],
    )(featl0, er0, sd0, featl1, er1, sd1, zc)

    out = pl.pallas_call(
        _post_body,
        out_shape=jax.ShapeDtypeStruct((2, OUT), f32),
    )(acc0, acc1, b0.reshape(1, FD), b1.reshape(1, FD), sW1,
      sb1.reshape(1, HID), sW2.reshape(1, HID), pW, pb.reshape(1, OUT))
    return out

# --- scband reference (transcript-rebuilt; emitter-appended) ---
"""Pipeline reference for scband-s3-gnn-77386720739970 (READ-ONLY COPY).

The authoritative reference and input builder live on the scoring server;
editing this copy changes nothing except your own understanding.
"""

import jax, jax.numpy as jnp
import numpy as np

N = 10000
E = 320000
IN = 128
H = 8
D = 16
FD = H * D
HID = 128
OUT = 8


def _gat(h, ei, W, al, ar, b):
    # DGL-style GATConv: linear proj, per-head additive attention, edge softmax over dst, elu activation
    src = ei[0]
    dst = ei[1]
    feat = (h @ W).reshape(N, H, D)
    el = (feat * al[None, :, :]).sum(-1)  # [N, H]
    er = (feat * ar[None, :, :]).sum(-1)  # [N, H]
    e = jax.nn.leaky_relu(el[src] + er[dst], 0.2)  # [E, H]
    m = jax.ops.segment_max(e, dst, num_segments=N)
    m = jnp.where(jnp.isfinite(m), m, 0.0)
    ex = jnp.exp(e - m[dst])
    s = jax.ops.segment_sum(ex, dst, num_segments=N)
    a = ex / (s[dst] + 1e-9)  # [E, H]
    msg = feat[src] * a[:, :, None]  # [E, H, D]
    out = jax.ops.segment_sum(msg, dst, num_segments=N)  # [N, H, D]
    out = out + b.reshape(1, H, D)
    return jax.nn.elu(out).reshape(N, FD)


def setup_inputs(seed: int = 0):
    key = jax.random.key(seed)
    ks = jax.random.split(key, 16)
    sc = 0.1
    inp = {}
    inp['h'] = jax.random.normal(ks[0], (N, IN), jnp.float32)
    inp['edge_index_0'] = jax.random.randint(ks[1], (2, E), 0, N, dtype=jnp.int32)
    inp['edge_index_1'] = jax.random.randint(ks[2], (2, E), 0, N, dtype=jnp.int32)
    inp['W0'] = jax.random.normal(ks[3], (IN, FD), jnp.float32) * sc
    inp['al0'] = jax.random.normal(ks[4], (H, D), jnp.float32) * sc
    inp['ar0'] = jax.random.normal(ks[5], (H, D), jnp.float32) * sc
    inp['b0'] = jnp.zeros((FD,), jnp.float32)
    inp['W1'] = jax.random.normal(ks[6], (IN, FD), jnp.float32) * sc
    inp['al1'] = jax.random.normal(ks[7], (H, D), jnp.float32) * sc
    inp['ar1'] = jax.random.normal(ks[8], (H, D), jnp.float32) * sc
    inp['b1'] = jnp.zeros((FD,), jnp.float32)
    inp['sW1'] = jax.random.normal(ks[9], (FD, HID), jnp.float32) * sc
    inp['sb1'] = jnp.zeros((HID,), jnp.float32)
    inp['sW2'] = jax.random.normal(ks[10], (HID, 1), jnp.float32) * sc
    inp['pW'] = jax.random.normal(ks[11], (FD, OUT), jnp.float32) * sc
    inp['pb'] = jnp.zeros((OUT,), jnp.float32)
    return inp


def reference(h, edge_index_0, edge_index_1, W0, al0, ar0, b0, W1, al1, ar1, b1, sW1, sb1, sW2, pW, pb):
    z0 = _gat(h, edge_index_0, W0, al0, ar0, b0)
    z1 = _gat(h, edge_index_1, W1, al1, ar1, b1)
    z = jnp.stack([z0, z1], axis=1)  # [N, M, FD]
    w = jnp.tanh(z @ sW1 + sb1[None, None, :]) @ sW2  # [N, M, 1]
    beta = jax.nn.softmax(w, axis=0)  # softmax over dim 0 as in original torch code
    agg = (beta * z).sum(0)  # [M, FD]
    return agg @ pW + pb  # [M, OUT]

if __name__ == "__main__":
    import jax
    _d = setup_inputs()
    print(jax.jit(kernel)(*tuple(_d.values())))

</pallas_src>

<mosaic_0001>
#map = affine_map<(d0, d1) -> (0, 0)>
#map1 = affine_map<(d0, d1) -> (0, 0, 0)>
module attributes {stable_mosaic.version = 14 : i64} {
  func.func @_sc_body(%arg0: i32, %arg1: i32, %arg2: memref<10112x144xf32, #tpu.memory_space<hbm>>, %arg3: memref<10112x16xf32, #tpu.memory_space<hbm>>, %arg4: memref<3392x2x96xi32, #tpu.memory_space<hbm>>, %arg5: memref<10112x144xf32, #tpu.memory_space<hbm>>, %arg6: memref<10112x16xf32, #tpu.memory_space<hbm>>, %arg7: memref<3392x2x96xi32, #tpu.memory_space<hbm>>, %arg8: memref<632x144xf32, #tpu.memory_space<hbm>>, %arg9: memref<2x10112x144xf32, #tpu.memory_space<hbm>>, %arg10: memref<2x10112x144xf32, #tpu.memory_space<hbm>>, %arg11: memref<10112x144xf32, #tpu.memory_space<vmem_shared>>, %arg12: memref<2x96xi32, #tpu.memory_space<vmem>>, %arg13: memref<2x96xi32, #tpu.memory_space<vmem>>, %arg14: memref<96x144xf32, #tpu.memory_space<vmem>>, %arg15: memref<96x144xf32, #tpu.memory_space<vmem>>, %arg16: memref<96x16xf32, #tpu.memory_space<vmem>>, %arg17: memref<96x16xf32, #tpu.memory_space<vmem>>, %arg18: memref<!tpu.dma_semaphore, #tpu.memory_space<semaphore_mem>>, %arg19: memref<!tpu.dma_semaphore, #tpu.memory_space<semaphore_mem>>) attributes {dimension_semantics = [#tpu.dimension_semantics<core_parallel>, #tpu.dimension_semantics<subcore_parallel>], iteration_bounds = array<i64: 2, 16>, scalar_prefetch = 0 : i64, scratch_operands = 9 : i64, tpu.core_type = #tpu.core_type<sc_vector_subcore>, window_params = [{transform_indices = #map}, {transform_indices = #map}, {transform_indices = #map1}, {transform_indices = #map}, {transform_indices = #map}, {transform_indices = #map1}, {transform_indices = #map}, {transform_indices = #map1}, {transform_indices = #map1}]} {
    %mul3A = arith.constant 16 : i32
    %mul3A_0 = arith.muli %arg0, %mul3A : i32
    %add3A = arith.addi %mul3A_0, %arg1 : i32
    %mul3A_1 = arith.constant 632 : i32
    %mul3A_2 = arith.muli %arg1, %mul3A_1 : i32
    "tpu.region"() ({
      %run_scoped3A = tpu.sem_alloc : memref<!tpu.dma_semaphore, #tpu.memory_space<semaphore_mem>>
      %dma_start3A_95 = arith.constant 0 : i32
      %dma_start3A_96 = tpu.memref_slice %arg11[%mul3A_2, %dma_start3A_95] : memref<10112x144xf32, #tpu.memory_space<vmem_shared>> -> memref<632x144xf32, #tpu.memory_space<vmem_shared>>
      tpu.enqueue_dma source(%arg8 : memref<632x144xf32, #tpu.memory_space<hbm>>) target(%dma_start3A_96 : memref<632x144xf32, #tpu.memory_space<vmem_shared>>) target_semaphore(%run_scoped3A : memref<!tpu.dma_semaphore, #tpu.memory_space<semaphore_mem>>)
      %dma_wait3A = arith.constant 0 : i32
      %dma_wait3A_97 = tpu.memref_slice %arg11[%mul3A_2, %dma_wait3A] : memref<10112x144xf32, #tpu.memory_space<vmem_shared>> -> memref<632x144xf32, #tpu.memory_space<vmem_shared>>
      tpu.wait_dma2 semaphore(%run_scoped3A : memref<!tpu.dma_semaphore, #tpu.memory_space<semaphore_mem>>) src(%arg8 : memref<632x144xf32, #tpu.memory_space<hbm>>) dst(%dma_wait3A_97 : memref<632x144xf32, #tpu.memory_space<vmem_shared>>)
      tpu.yield
    }) : () -> ()
    %barrier3A = arith.constant 0 : index
    tpu.barrier barrier_id(%barrier3A)
    %broadcast_in_dim3A = arith.constant 0 : i32
    %broadcast_in_dim3A_3 = vector.broadcast %broadcast_in_dim3A : i32 to vector<16xi32>
    %broadcast_in_dim3A_4 = arith.constant 1 : i32
    %broadcast_in_dim3A_5 = vector.broadcast %broadcast_in_dim3A_4 : i32 to vector<16xi32>
    %broadcast_in_dim3A_6 = arith.constant 2 : i32
    %broadcast_in_dim3A_7 = vector.broadcast %broadcast_in_dim3A_6 : i32 to vector<16xi32>
    %broadcast_in_dim3A_8 = arith.constant 3 : i32
    %broadcast_in_dim3A_9 = vector.broadcast %broadcast_in_dim3A_8 : i32 to vector<16xi32>
    %broadcast_in_dim3A_10 = arith.constant 4 : i32
    %broadcast_in_dim3A_11 = vector.broadcast %broadcast_in_dim3A_10 : i32 to vector<16xi32>
    %broadcast_in_dim3A_12 = arith.constant 5 : i32
    %broadcast_in_dim3A_13 = vector.broadcast %broadcast_in_dim3A_12 : i32 to vector<16xi32>
    %broadcast_in_dim3A_14 = arith.constant 6 : i32
    %broadcast_in_dim3A_15 = vector.broadcast %broadcast_in_dim3A_14 : i32 to vector<16xi32>
    %broadcast_in_dim3A_16 = arith.constant 7 : i32
    %broadcast_in_dim3A_17 = vector.broadcast %broadcast_in_dim3A_16 : i32 to vector<16xi32>
    %mul3A_18 = arith.constant 106 : i32
    %mul3A_19 = arith.muli %add3A, %mul3A_18 : i32
    %add3A_20 = arith.constant 0 : i32
    %add3A_21 = arith.addi %mul3A_19, %add3A_20 : i32
    "tpu.region"() ({
      %run_scoped3A = tpu.sem_alloc : memref<!tpu.dma_semaphore, #tpu.memory_space<semaphore_mem>>
      %dma_start3A_95 = arith.constant 0 : i32
      %dma_start3A_96 = arith.constant 0 : i32
      %dma_start3A_97 = tpu.memref_slice %arg4[%add3A_21, %dma_start3A_95, %dma_start3A_96] : memref<3392x2x96xi32, #tpu.memory_space<hbm>> -> memref<1x2x96xi32, #tpu.memory_space<hbm>>
      %dma_start3A_98 = tpu.memref_squeeze %dma_start3A_97 : memref<1x2x96xi32, #tpu.memory_space<hbm>> -> memref<2x96xi32, #tpu.memory_space<hbm>>
      %dma_start3A_99 = arith.constant 0 : i32
      %dma_start3A_100 = arith.constant 0 : i32
      %dma_start3A_101 = tpu.memref_slice %arg4[%add3A_21, %dma_start3A_99, %dma_start3A_100] : memref<3392x2x96xi32, #tpu.memory_space<hbm>> -> memref<1x2x96xi32, #tpu.memory_space<hbm>>
      %dma_start3A_102 = tpu.memref_squeeze %dma_start3A_101 : memref<1x2x96xi32, #tpu.memory_space<hbm>> -> memref<2x96xi32, #tpu.memory_space<hbm>>
      tpu.enqueue_dma source(%dma_start3A_102 : memref<2x96xi32, #tpu.memory_space<hbm>>) target(%arg12 : memref<2x96xi32, #tpu.memory_space<vmem>>) target_semaphore(%run_scoped3A : memref<!tpu.dma_semaphore, #tpu.memory_space<semaphore_mem>>)
      %dma_wait3A = arith.constant 0 : i32
      %dma_wait3A_103 = arith.constant 0 : i32
      %dma_wait3A_104 = tpu.memref_slice %arg4[%add3A_21, %dma_wait3A, %dma_wait3A_103] : memref<3392x2x96xi32, #tpu.memory_space<hbm>> -> memref<1x2x96xi32, #tpu.memory_space<hbm>>
      %dma_wait3A_105 = tpu.memref_squeeze %dma_wait3A_104 : memref<1x2x96xi32, #tpu.memory_space<hbm>> -> memref<2x96xi32, #tpu.memory_space<hbm>>
      %dma_wait3A_106 = arith.constant 0 : i32
      %dma_wait3A_107 = arith.constant 0 : i32
      %dma_wait3A_108 = tpu.memref_slice %arg4[%add3A_21, %dma_wait3A_106, %dma_wait3A_107] : memref<3392x2x96xi32, #tpu.memory_space<hbm>> -> memref<1x2x96xi32, #tpu.memory_space<hbm>>
      %dma_wait3A_109 = tpu.memref_squeeze %dma_wait3A_108 : memref<1x2x96xi32, #tpu.memory_space<hbm>> -> memref<2x96xi32, #tpu.memory_space<hbm>>
      tpu.wait_dma2 semaphore(%run_scoped3A : memref<!tpu.dma_semaphore, #tpu.memory_space<semaphore_mem>>) src(%dma_wait3A_109 : memref<2x96xi32, #tpu.memory_space<hbm>>) dst(%arg12 : memref<2x96xi32, #tpu.memory_space<vmem>>)
      tpu.yield
    }) : () -> ()
    %dma_start3A = arith.constant 0 : i32
    %dma_start3A_22 = arith.constant 0 : i32
    %dma_start3A_23 = tpu.memref_slice %arg12[%dma_start3A, %dma_start3A_22] : memref<2x96xi32, #tpu.memory_space<vmem>> -> memref<1x96xi32, #tpu.memory_space<vmem>>
    %dma_start3A_24 = tpu.memref_squeeze %dma_start3A_23 : memref<1x96xi32, #tpu.memory_space<vmem>> -> memref<96xi32, #tpu.memory_space<vmem>>
    %dma_start3A_25 = arith.constant 0 : i32
    %dma_start3A_26 = arith.constant 0 : i32
    %dma_start3A_27 = tpu.memref_slice %arg2[%dma_start3A_25, %dma_start3A_26] : memref<10112x144xf32, #tpu.memory_space<hbm>> -> memref<10112x144xf32, #tpu.memory_space<hbm>>
    tpu.enqueue_indirect_dma source(%dma_start3A_27 : memref<10112x144xf32, #tpu.memory_space<hbm>>) target(%arg14 : memref<96x144xf32, #tpu.memory_space<vmem>>) offsets(%dma_start3A_24 : memref<96xi32, #tpu.memory_space<vmem>>) semaphore(%arg18 : memref<!tpu.dma_semaphore, #tpu.memory_space<semaphore_mem>>)
    %dma_start3A_28 = arith.constant 1 : i32
    %dma_start3A_29 = arith.constant 0 : i32
    %dma_start3A_30 = tpu.memref_slice %arg12[%dma_start3A_28, %dma_start3A_29] : memref<2x96xi32, #tpu.memory_space<vmem>> -> memref<1x96xi32, #tpu.memory_space<vmem>>
    %dma_start3A_31 = tpu.memref_squeeze %dma_start3A_30 : memref<1x96xi32, #tpu.memory_space<vmem>> -> memref<96xi32, #tpu.memory_space<vmem>>
    %dma_start3A_32 = arith.constant 0 : i32
    %dma_start3A_33 = arith.constant 0 : i32
    %dma_start3A_34 = tpu.memref_slice %arg3[%dma_start3A_32, %dma_start3A_33] : memref<10112x16xf32, #tpu.memory_space<hbm>> -> memref<10112x16xf32, #tpu.memory_space<hbm>>
    tpu.enqueue_indirect_dma source(%dma_start3A_34 : memref<10112x16xf32, #tpu.memory_space<hbm>>) target(%arg16 : memref<96x16xf32, #tpu.memory_space<vmem>>) offsets(%dma_start3A_31 : memref<96xi32, #tpu.memory_space<vmem>>) semaphore(%arg18 : memref<!tpu.dma_semaphore, #tpu.memory_space<semaphore_mem>>)
    %scan3A = arith.constant 0 : i32
    %scan3A_35 = arith.constant 0 : i32
    %scan3A_36 = arith.constant 53 : i32
    %scan3A_37 = arith.addi %scan3A_35, %scan3A_36 : i32
    %scan3A_38 = arith.constant 1 : i32
    scf.for %scan3A_95 = %scan3A_35 to %scan3A_37 step %scan3A_38  : i32 {
      %mul3A_96 = arith.constant 2 : i32
      %mul3A_97 = arith.muli %mul3A_96, %scan3A_95 : i32
      %add3A_98 = arith.constant 1 : i32
      %add3A_99 = arith.addi %mul3A_97, %add3A_98 : i32
      %mul3A_100 = arith.constant 106 : i32
      %mul3A_101 = arith.muli %add3A, %mul3A_100 : i32
      %add3A_102 = arith.addi %mul3A_101, %add3A_99 : i32
      "tpu.region"() ({
        %run_scoped3A_152 = tpu.sem_alloc : memref<!tpu.dma_semaphore, #tpu.memory_space<semaphore_mem>>
        %dma_start3A_153 = arith.constant 0 : i32
        %dma_start3A_154 = arith.constant 0 : i32
        %dma_start3A_155 = tpu.memref_slice %arg4[%add3A_102, %dma_start3A_153, %dma_start3A_154] : memref<3392x2x96xi32, #tpu.memory_space<hbm>> -> memref<1x2x96xi32, #tpu.memory_space<hbm>>
        %dma_start3A_156 = tpu.memref_squeeze %dma_start3A_155 : memref<1x2x96xi32, #tpu.memory_space<hbm>> -> memref<2x96xi32, #tpu.memory_space<hbm>>
        %dma_start3A_157 = arith.constant 0 : i32
        %dma_start3A_158 = arith.constant 0 : i32
        %dma_start3A_159 = tpu.memref_slice %arg4[%add3A_102, %dma_start3A_157, %dma_start3A_158] : memref<3392x2x96xi32, #tpu.memory_space<hbm>> -> memref<1x2x96xi32, #tpu.memory_space<hbm>>
        %dma_start3A_160 = tpu.memref_squeeze %dma_start3A_159 : memref<1x2x96xi32, #tpu.memory_space<hbm>> -> memref<2x96xi32, #tpu.memory_space<hbm>>
        tpu.enqueue_dma source(%dma_start3A_160 : memref<2x96xi32, #tpu.memory_space<hbm>>) target(%arg13 : memref<2x96xi32, #tpu.memory_space<vmem>>) target_semaphore(%run_scoped3A_152 : memref<!tpu.dma_semaphore, #tpu.memory_space<semaphore_mem>>)
        %dma_wait3A_161 = arith.constant 0 : i32
        %dma_wait3A_162 = arith.constant 0 : i32
        %dma_wait3A_163 = tpu.memref_slice %arg4[%add3A_102, %dma_wait3A_161, %dma_wait3A_162] : memref<3392x2x96xi32, #tpu.memory_space<hbm>> -> memref<1x2x96xi32, #tpu.memory_space<hbm>>
        %dma_wait3A_164 = tpu.memref_squeeze %dma_wait3A_163 : memref<1x2x96xi32, #tpu.memory_space<hbm>> -> memref<2x96xi32, #tpu.memory_space<hbm>>
        %dma_wait3A_165 = arith.constant 0 : i32
        %dma_wait3A_166 = arith.constant 0 : i32
        %dma_wait3A_167 = tpu.memref_slice %arg4[%add3A_102, %dma_wait3A_165, %dma_wait3A_166] : memref<3392x2x96xi32, #tpu.memory_space<hbm>> -> memref<1x2x96xi32, #tpu.memory_space<hbm>>
        %dma_wait3A_168 = tpu.memref_squeeze %dma_wait3A_167 : memref<1x2x96xi32, #tpu.memory_space<hbm>> -> memref<2x96xi32, #tpu.memory_space<hbm>>
        tpu.wait_dma2 semaphore(%run_scoped3A_152 : memref<!tpu.dma_semaphore, #tpu.memory_space<semaphore_mem>>) src(%dma_wait3A_168 : memref<2x96xi32, #tpu.memory_space<hbm>>) dst(%arg13 : memref<2x96xi32, #tpu.memory_space<vmem>>)
        tpu.yield
      }) : () -> ()
      %dma_start3A_103 = arith.constant 0 : i32
      %dma_start3A_104 = arith.constant 0 : i32
      %dma_start3A_105 = tpu.memref_slice %arg13[%dma_start3A_103, %dma_start3A_104] : memref<2x96xi32, #tpu.memory_space<vmem>> -> memref<1x96xi32, #tpu.memory_space<vmem>>
      %dma_start3A_106 = tpu.memref_squeeze %dma_start3A_105 : memref<1x96xi32, #tpu.memory_space<vmem>> -> memref<96xi32, #tpu.memory_space<vmem>>
      %dma_start3A_107 = arith.constant 0 : i32
      %dma_start3A_108 = arith.constant 0 : i32
      %dma_start3A_109 = tpu.memref_slice %arg2[%dma_start3A_107, %dma_start3A_108] : memref<10112x144xf32, #tpu.memory_space<hbm>> -> memref<10112x144xf32, #tpu.memory_space<hbm>>
      tpu.enqueue_indirect_dma source(%dma_start3A_109 : memref<10112x144xf32, #tpu.memory_space<hbm>>) target(%arg15 : memref<96x144xf32, #tpu.memory_space<vmem>>) offsets(%dma_start3A_106 : memref<96xi32, #tpu.memory_space<vmem>>) semaphore(%arg19 : memref<!tpu.dma_semaphore, #tpu.memory_space<semaphore_mem>>)
      %dma_start3A_110 = arith.constant 1 : i32
      %dma_start3A_111 = arith.constant 0 : i32
      %dma_start3A_112 = tpu.memref_slice %arg13[%dma_start3A_110, %dma_start3A_111] : memref<2x96xi32, #tpu.memory_space<vmem>> -> memref<1x96xi32, #tpu.memory_space<vmem>>
      %dma_start3A_113 = tpu.memref_squeeze %dma_start3A_112 : memref<1x96xi32, #tpu.memory_space<vmem>> -> memref<96xi32, #tpu.memory_space<vmem>>
      %dma_start3A_114 = arith.constant 0 : i32
      %dma_start3A_115 = arith.constant 0 : i32
      %dma_start3A_116 = tpu.memref_slice %arg3[%dma_start3A_114, %dma_start3A_115] : memref<10112x16xf32, #tpu.memory_space<hbm>> -> memref<10112x16xf32, #tpu.memory_space<hbm>>
      tpu.enqueue_indirect_dma source(%dma_start3A_116 : memref<10112x16xf32, #tpu.memory_space<hbm>>) target(%arg17 : memref<96x16xf32, #tpu.memory_space<vmem>>) offsets(%dma_start3A_113 : memref<96xi32, #tpu.memory_space<vmem>>) semaphore(%arg19 : memref<!tpu.dma_semaphore, #tpu.memory_space<semaphore_mem>>)
      %dma_wait3A = arith.constant 0 : i32
      %dma_wait3A_117 = arith.constant 0 : i32
      %dma_wait3A_118 = tpu.memref_slice %arg12[%dma_wait3A, %dma_wait3A_117] : memref<2x96xi32, #tpu.memory_space<vmem>> -> memref<1x96xi32, #tpu.memory_space<vmem>>
      %dma_wait3A_119 = tpu.memref_squeeze %dma_wait3A_118 : memref<1x96xi32, #tpu.memory_space<vmem>> -> memref<96xi32, #tpu.memory_space<vmem>>
      %dma_wait3A_120 = arith.constant 0 : i32
      %dma_wait3A_121 = arith.constant 0 : i32
      %dma_wait3A_122 = tpu.memref_slice %arg2[%dma_wait3A_120, %dma_wait3A_121] : memref<10112x144xf32, #tpu.memory_space<hbm>> -> memref<10112x144xf32, #tpu.memory_space<hbm>>
      tpu.wait_indirect_dma semaphore(%arg18 : memref<!tpu.dma_semaphore, #tpu.memory_space<semaphore_mem>>) src(%dma_wait3A_122 : memref<10112x144xf32, #tpu.memory_space<hbm>>) dst(%arg14 : memref<96x144xf32, #tpu.memory_space<vmem>>)
      %dma_wait3A_123 = arith.constant 1 : i32
      %dma_wait3A_124 = arith.constant 0 : i32
      %dma_wait3A_125 = tpu.memref_slice %arg12[%dma_wait3A_123, %dma_wait3A_124] : memref<2x96xi32, #tpu.memory_space<vmem>> -> memref<1x96xi32, #tpu.memory_space<vmem>>
      %dma_wait3A_126 = tpu.memref_squeeze %dma_wait3A_125 : memref<1x96xi32, #tpu.memory_space<vmem>> -> memref<96xi32, #tpu.memory_space<vmem>>
      %dma_wait3A_127 = arith.constant 0 : i32
      %dma_wait3A_128 = arith.constant 0 : i32
      %dma_wait3A_129 = tpu.memref_slice %arg3[%dma_wait3A_127, %dma_wait3A_128] : memref<10112x16xf32, #tpu.memory_space<hbm>> -> memref<10112x16xf32, #tpu.memory_space<hbm>>
      tpu.wait_indirect_dma semaphore(%arg18 : memref<!tpu.dma_semaphore, #tpu.memory_space<semaphore_mem>>) src(%dma_wait3A_129 : memref<10112x16xf32, #tpu.memory_space<hbm>>) dst(%arg16 : memref<96x16xf32, #tpu.memory_space<vmem>>)
      %parallel_loop3A = arith.constant 0 : i32
      %parallel_loop3A_130 = arith.constant 96 : i32
      %parallel_loop3A_131 = arith.constant 1 : i32
      scf.for %parallel_loop3A_152 = %parallel_loop3A to %parallel_loop3A_130 step %parallel_loop3A_131  : i32 {
        %parallel_loop3A_153 = arith.index_cast %parallel_loop3A_152 : i32 to index
        %parallel_loop3A_154 = arith.constant 128 : index
        %parallel_loop3A_155 = tpu.vector_load %arg14[%parallel_loop3A_153, %parallel_loop3A_154] {strides = array<i32>} : memref<96x144xf32, #tpu.memory_space<vmem>>, vector<1x16xf32>,
        %parallel_loop3A_156 = vector.shape_cast %parallel_loop3A_155 : vector<1x16xf32> to vector<16xf32>
        %parallel_loop3A_157 = arith.index_cast %parallel_loop3A_152 : i32 to index
        %parallel_loop3A_158 = arith.constant 0 : index
        %parallel_loop3A_159 = tpu.vector_load %arg16[%parallel_loop3A_157, %parallel_loop3A_158] {strides = array<i32>} : memref<96x16xf32, #tpu.memory_space<vmem>>, vector<1x16xf32>,
        %parallel_loop3A_160 = vector.shape_cast %parallel_loop3A_159 : vector<1x16xf32> to vector<16xf32>
        %parallel_loop3A_161 = arith.index_cast %parallel_loop3A_152 : i32 to index
        %parallel_loop3A_162 = arith.constant 0 : index
        %parallel_loop3A_163 = tpu.vector_load %arg14[%parallel_loop3A_161, %parallel_loop3A_162] {strides = array<i32>} : memref<96x144xf32, #tpu.memory_space<vmem>>, vector<1x16xf32>,
        %parallel_loop3A_164 = vector.shape_cast %parallel_loop3A_163 : vector<1x16xf32> to vector<16xf32>
        %parallel_loop3A_165 = arith.index_cast %parallel_loop3A_152 : i32 to index
        %parallel_loop3A_166 = arith.constant 16 : index
        %parallel_loop3A_167 = tpu.vector_load %arg14[%parallel_loop3A_165, %parallel_loop3A_166] {strides = array<i32>} : memref<96x144xf32, #tpu.memory_space<vmem>>, vector<1x16xf32>,
        %parallel_loop3A_168 = vector.shape_cast %parallel_loop3A_167 : vector<1x16xf32> to vector<16xf32>
        %parallel_loop3A_169 = arith.index_cast %parallel_loop3A_152 : i32 to index
        %parallel_loop3A_170 = arith.constant 32 : index
        %parallel_loop3A_171 = tpu.vector_load %arg14[%parallel_loop3A_169, %parallel_loop3A_170] {strides = array<i32>} : memref<96x144xf32, #tpu.memory_space<vmem>>, vector<1x16xf32>,
        %parallel_loop3A_172 = vector.shape_cast %parallel_loop3A_171 : vector<1x16xf32> to vector<16xf32>
        %parallel_loop3A_173 = arith.index_cast %parallel_loop3A_152 : i32 to index
        %parallel_loop3A_174 = arith.constant 48 : index
        %parallel_loop3A_175 = tpu.vector_load %arg14[%parallel_loop3A_173, %parallel_loop3A_174] {strides = array<i32>} : memref<96x144xf32, #tpu.memory_space<vmem>>, vector<1x16xf32>,
        %parallel_loop3A_176 = vector.shape_cast %parallel_loop3A_175 : vector<1x16xf32> to vector<16xf32>
        %parallel_loop3A_177 = arith.index_cast %parallel_loop3A_152 : i32 to index
        %parallel_loop3A_178 = arith.constant 64 : index
        %parallel_loop3A_179 = tpu.vector_load %arg14[%parallel_loop3A_177, %parallel_loop3A_178] {strides = array<i32>} : memref<96x144xf32, #tpu.memory_space<vmem>>, vector<1x16xf32>,
        %parallel_loop3A_180 = vector.shape_cast %parallel_loop3A_179 : vector<1x16xf32> to vector<16xf32>
        %parallel_loop3A_181 = arith.index_cast %parallel_loop3A_152 : i32 to index
        %parallel_loop3A_182 = arith.constant 80 : index
        %parallel_loop3A_183 = tpu.vector_load %arg14[%parallel_loop3A_181, %parallel_loop3A_182] {strides = array<i32>} : memref<96x144xf32, #tpu.memory_space<vmem>>, vector<1x16xf32>,
        %parallel_loop3A_184 = vector.shape_cast %parallel_loop3A_183 : vector<1x16xf32> to vector<16xf32>
        %parallel_loop3A_185 = arith.index_cast %parallel_loop3A_152 : i32 to index
        %parallel_loop3A_186 = arith.constant 96 : index
        %parallel_loop3A_187 = tpu.vector_load %arg14[%parallel_loop3A_185, %parallel_loop3A_186] {strides = array<i32>} : memref<96x144xf32, #tpu.memory_space<vmem>>, vector<1x16xf32>,
        %parallel_loop3A_188 = vector.shape_cast %parallel_loop3A_187 : vector<1x16xf32> to vector<16xf32>
        %parallel_loop3A_189 = arith.index_cast %parallel_loop3A_152 : i32 to index
        %parallel_loop3A_190 = arith.constant 112 : index
        %parallel_loop3A_191 = tpu.vector_load %arg14[%parallel_loop3A_189, %parallel_loop3A_190] {strides = array<i32>} : memref<96x144xf32, #tpu.memory_space<vmem>>, vector<1x16xf32>,
        %parallel_loop3A_192 = vector.shape_cast %parallel_loop3A_191 : vector<1x16xf32> to vector<16xf32>
        %parallel_loop3A_193 = arith.addf %parallel_loop3A_156, %parallel_loop3A_160 : vector<16xf32>
        %parallel_loop3A_194 = arith.constant 2.000000e-01 : f32
        %parallel_loop3A_195 = vector.broadcast %parallel_loop3A_194 : f32 to vector<16xf32>
        %parallel_loop3A_196 = arith.mulf %parallel_loop3A_195, %parallel_loop3A_193 : vector<16xf32>
        %parallel_loop3A_197 = arith.maximumf %parallel_loop3A_193, %parallel_loop3A_196 : vector<16xf32>
        %parallel_loop3A_198 = math.exp %parallel_loop3A_197 : vector<16xf32>
        %parallel_loop3A_199 = arith.index_cast %parallel_loop3A_152 : i32 to index
        %parallel_loop3A_200 = arith.constant 128 : index
        %parallel_loop3A_201 = tpu.vector_load %arg14[%parallel_loop3A_199, %parallel_loop3A_200] {strides = array<i32>} : memref<96x144xf32, #tpu.memory_space<vmem>>, vector<1x16xf32>,
        %parallel_loop3A_202 = vector.shape_cast %parallel_loop3A_201 : vector<1x16xf32> to vector<16xf32>
        %parallel_loop3A_203 = vector.shape_cast %parallel_loop3A_198 : vector<16xf32> to vector<1x16xf32>
        tpu.vector_store %arg14[%parallel_loop3A_199, %parallel_loop3A_200], %parallel_loop3A_203 {strides = array<i32>} : memref<96x144xf32, #tpu.memory_space<vmem>>, vector<1x16xf32>,
        %parallel_loop3A_204 = arith.constant 0 : i32
        %parallel_loop3A_205 = vector.broadcast %parallel_loop3A_204 : i32 to vector<16xi32>
        %parallel_loop3A_206 = arith.cmpi slt, %broadcast_in_dim3A_3, %parallel_loop3A_205 : vector<16xi32>
        %parallel_loop3A_207 = arith.constant 16 : i32
        %parallel_loop3A_208 = vector.broadcast %parallel_loop3A_207 : i32 to vector<16xi32>
        %parallel_loop3A_209 = arith.addi %broadcast_in_dim3A_3, %parallel_loop3A_208 : vector<16xi32>
        %parallel_loop3A_210 = arith.select %parallel_loop3A_206, %parallel_loop3A_209, %broadcast_in_dim3A_3 : vector<16xi1>, vector<16xi32>
        %parallel_loop3A_211 = vector.shape_cast %parallel_loop3A_210 : vector<16xi32> to vector<16x1xi32>
        %parallel_loop3A_212 = vector.shape_cast %parallel_loop3A_211 : vector<16x1xi32> to vector<16xi32>
        %parallel_loop3A_213 = tpu.dynamic_gather %parallel_loop3A_198[%parallel_loop3A_212] in [0] : vector<16xf32>, vector<16xi32> -> vector<16xf32>
        %parallel_loop3A_214 = arith.mulf %parallel_loop3A_164, %parallel_loop3A_213 : vector<16xf32>
        %parallel_loop3A_215 = arith.index_cast %parallel_loop3A_152 : i32 to index
        %parallel_loop3A_216 = arith.constant 0 : index
        %parallel_loop3A_217 = tpu.vector_load %arg14[%parallel_loop3A_215, %parallel_loop3A_216] {strides = array<i32>} : memref<96x144xf32, #tpu.memory_space<vmem>>, vector<1x16xf32>,
        %parallel_loop3A_218 = vector.shape_cast %parallel_loop3A_217 : vector<1x16xf32> to vector<16xf32>
        %parallel_loop3A_219 = vector.shape_cast %parallel_loop3A_214 : vector<16xf32> to vector<1x16xf32>
        tpu.vector_store %arg14[%parallel_loop3A_215, %parallel_loop3A_216], %parallel_loop3A_219 {strides = array<i32>} : memref<96x144xf32, #tpu.memory_space<vmem>>, vector<1x16xf32>,
        %parallel_loop3A_220 = arith.constant 0 : i32
        %parallel_loop3A_221 = vector.broadcast %parallel_loop3A_220 : i32 to vector<16xi32>
        %parallel_loop3A_222 = arith.cmpi slt, %broadcast_in_dim3A_5, %parallel_loop3A_221 : vector<16xi32>
        %parallel_loop3A_223 = arith.constant 16 : i32
        %parallel_loop3A_224 = vector.broadcast %parallel_loop3A_223 : i32 to vector<16xi32>
        %parallel_loop3A_225 = arith.addi %broadcast_in_dim3A_5, %parallel_loop3A_224 : vector<16xi32>
        %parallel_loop3A_226 = arith.select %parallel_loop3A_222, %parallel_loop3A_225, %broadcast_in_dim3A_5 : vector<16xi1>, vector<16xi32>
        %parallel_loop3A_227 = vector.shape_cast %parallel_loop3A_226 : vector<16xi32> to vector<16x1xi32>
        %parallel_loop3A_228 = vector.shape_cast %parallel_loop3A_227 : vector<16x1xi32> to vector<16xi32>
        %parallel_loop3A_229 = tpu.dynamic_gather %parallel_loop3A_198[%parallel_loop3A_228] in [0] : vector<16xf32>, vector<16xi32> -> vector<16xf32>
        %parallel_loop3A_230 = arith.mulf %parallel_loop3A_168, %parallel_loop3A_229 : vector<16xf32>
        %parallel_loop3A_231 = arith.index_cast %parallel_loop3A_152 : i32 to index
        %parallel_loop3A_232 = arith.constant 16 : index
        %parallel_loop3A_233 = tpu.vector_load %arg14[%parallel_loop3A_231, %parallel_loop3A_232] {strides = array<i32>} : memref<96x144xf32, #tpu.memory_space<vmem>>, vector<1x16xf32>,
        %parallel_loop3A_234 = vector.shape_cast %parallel_loop3A_233 : vector<1x16xf32> to vector<16xf32>
        %parallel_loop3A_235 = vector.shape_cast %parallel_loop3A_230 : vector<16xf32> to vector<1x16xf32>
        tpu.vector_store %arg14[%parallel_loop3A_231, %parallel_loop3A_232], %parallel_loop3A_235 {strides = array<i32>} : memref<96x144xf32, #tpu.memory_space<vmem>>, vector<1x16xf32>,
        %parallel_loop3A_236 = arith.constant 0 : i32
        %parallel_loop3A_237 = vector.broadcast %parallel_loop3A_236 : i32 to vector<16xi32>
        %parallel_loop3A_238 = arith.cmpi slt, %broadcast_in_dim3A_7, %parallel_loop3A_237 : vector<16xi32>
        %parallel_loop3A_239 = arith.constant 16 : i32
        %parallel_loop3A_240 = vector.broadcast %parallel_loop3A_239 : i32 to vector<16xi32>
        %parallel_loop3A_241 = arith.addi %broadcast_in_dim3A_7, %parallel_loop3A_240 : vector<16xi32>
        %parallel_loop3A_242 = arith.select %parallel_loop3A_238, %parallel_loop3A_241, %broadcast_in_dim3A_7 : vector<16xi1>, vector<16xi32>
        %parallel_loop3A_243 = vector.shape_cast %parallel_loop3A_242 : vector<16xi32> to vector<16x1xi32>
        %parallel_loop3A_244 = vector.shape_cast %parallel_loop3A_243 : vector<16x1xi32> to vector<16xi32>
        %parallel_loop3A_245 = tpu.dynamic_gather %parallel_loop3A_198[%parallel_loop3A_244] in [0] : vector<16xf32>, vector<16xi32> -> vector<16xf32>
        %parallel_loop3A_246 = arith.mulf %parallel_loop3A_172, %parallel_loop3A_245 : vector<16xf32>
        %parallel_loop3A_247 = arith.index_cast %parallel_loop3A_152 : i32 to index
        %parallel_loop3A_248 = arith.constant 32 : index
        %parallel_loop3A_249 = tpu.vector_load %arg14[%parallel_loop3A_247, %parallel_loop3A_248] {strides = array<i32>} : memref<96x144xf32, #tpu.memory_space<vmem>>, vector<1x16xf32>,
        %parallel_loop3A_250 = vector.shape_cast %parallel_loop3A_249 : vector<1x16xf32> to vector<16xf32>
        %parallel_loop3A_251 = vector.shape_cast %parallel_loop3A_246 : vector<16xf32> to vector<1x16xf32>
        tpu.vector_store %arg14[%parallel_loop3A_247, %parallel_loop3A_248], %parallel_loop3A_251 {strides = array<i32>} : memref<96x144xf32, #tpu.memory_space<vmem>>, vector<1x16xf32>,
        %parallel_loop3A_252 = arith.constant 0 : i32
        %parallel_loop3A_253 = vector.broadcast %parallel_loop3A_252 : i32 to vector<16xi32>
        %parallel_loop3A_254 = arith.cmpi slt, %broadcast_in_dim3A_9, %parallel_loop3A_253 : vector<16xi32>
        %parallel_loop3A_255 = arith.constant 16 : i32
        %parallel_loop3A_256 = vector.broadcast %parallel_loop3A_255 : i32 to vector<16xi32>
        %parallel_loop3A_257 = arith.addi %broadcast_in_dim3A_9, %parallel_loop3A_256 : vector<16xi32>
        %parallel_loop3A_258 = arith.select %parallel_loop3A_254, %parallel_loop3A_257, %broadcast_in_dim3A_9 : vector<16xi1>, vector<16xi32>
        %parallel_loop3A_259 = vector.shape_cast %parallel_loop3A_258 : vector<16xi32> to vector<16x1xi32>
        %parallel_loop3A_260 = vector.shape_cast %parallel_loop3A_259 : vector<16x1xi32> to vector<16xi32>
        %parallel_loop3A_261 = tpu.dynamic_gather %parallel_loop3A_198[%parallel_loop3A_260] in [0] : vector<16xf32>, vector<16xi32> -> vector<16xf32>
        %parallel_loop3A_262 = arith.mulf %parallel_loop3A_176, %parallel_loop3A_261 : vector<16xf32>
        %parallel_loop3A_263 = arith.index_cast %parallel_loop3A_152 : i32 to index
        %parallel_loop3A_264 = arith.constant 48 : index
        %parallel_loop3A_265 = tpu.vector_load %arg14[%parallel_loop3A_263, %parallel_loop3A_264] {strides = array<i32>} : memref<96x144xf32, #tpu.memory_space<vmem>>, vector<1x16xf32>,
        %parallel_loop3A_266 = vector.shape_cast %parallel_loop3A_265 : vector<1x16xf32> to vector<16xf32>
        %parallel_loop3A_267 = vector.shape_cast %parallel_loop3A_262 : vector<16xf32> to vector<1x16xf32>
        tpu.vector_store %arg14[%parallel_loop3A_263, %parallel_loop3A_264], %parallel_loop3A_267 {strides = array<i32>} : memref<96x144xf32, #tpu.memory_space<vmem>>, vector<1x16xf32>,
        %parallel_loop3A_268 = arith.constant 0 : i32
        %parallel_loop3A_269 = vector.broadcast %parallel_loop3A_268 : i32 to vector<16xi32>
        %parallel_loop3A_270 = arith.cmpi slt, %broadcast_in_dim3A_11, %parallel_loop3A_269 : vector<16xi32>
        %parallel_loop3A_271 = arith.constant 16 : i32
        %parallel_loop3A_272 = vector.broadcast %parallel_loop3A_271 : i32 to vector<16xi32>
        %parallel_loop3A_273 = arith.addi %broadcast_in_dim3A_11, %parallel_loop3A_272 : vector<16xi32>
        %parallel_loop3A_274 = arith.select %parallel_loop3A_270, %parallel_loop3A_273, %broadcast_in_dim3A_11 : vector<16xi1>, vector<16xi32>
        %parallel_loop3A_275 = vector.shape_cast %parallel_loop3A_274 : vector<16xi32> to vector<16x1xi32>
        %parallel_loop3A_276 = vector.shape_cast %parallel_loop3A_275 : vector<16x1xi32> to vector<16xi32>
        %parallel_loop3A_277 = tpu.dynamic_gather %parallel_loop3A_198[%parallel_loop3A_276] in [0] : vector<16xf32>, vector<16xi32> -> vector<16xf32>
        %parallel_loop3A_278 = arith.mulf %parallel_loop3A_180, %parallel_loop3A_277 : vector<16xf32>
        %parallel_loop3A_279 = arith.index_cast %parallel_loop3A_152 : i32 to index
        %parallel_loop3A_280 = arith.constant 64 : index
        %parallel_loop3A_281 = tpu.vector_load %arg14[%parallel_loop3A_279, %parallel_loop3A_280] {strides = array<i32>} : memref<96x144xf32, #tpu.memory_space<vmem>>, vector<1x16xf32>,
        %parallel_loop3A_282 = vector.shape_cast %parallel_loop3A_281 : vector<1x16xf32> to vector<16xf32>
        %parallel_loop3A_283 = vector.shape_cast %parallel_loop3A_278 : vector<16xf32> to vector<1x16xf32>
        tpu.vector_store %arg14[%parallel_loop3A_279, %parallel_loop3A_280], %parallel_loop3A_283 {strides = array<i32>} : memref<96x144xf32, #tpu.memory_space<vmem>>, vector<1x16xf32>,
        %parallel_loop3A_284 = arith.constant 0 : i32
        %parallel_loop3A_285 = vector.broadcast %parallel_loop3A_284 : i32 to vector<16xi32>
        %parallel_loop3A_286 = arith.cmpi slt, %broadcast_in_dim3A_13, %parallel_loop3A_285 : vector<16xi32>
        %parallel_loop3A_287 = arith.constant 16 : i32
        %parallel_loop3A_288 = vector.broadcast %parallel_loop3A_287 : i32 to vector<16xi32>
        %parallel_loop3A_289 = arith.addi %broadcast_in_dim3A_13, %parallel_loop3A_288 : vector<16xi32>
        %parallel_loop3A_290 = arith.select %parallel_loop3A_286, %parallel_loop3A_289, %broadcast_in_dim3A_13 : vector<16xi1>, vector<16xi32>
        %parallel_loop3A_291 = vector.shape_cast %parallel_loop3A_290 : vector<16xi32> to vector<16x1xi32>
        %parallel_loop3A_292 = vector.shape_cast %parallel_loop3A_291 : vector<16x1xi32> to vector<16xi32>
        %parallel_loop3A_293 = tpu.dynamic_gather %parallel_loop3A_198[%parallel_loop3A_292] in [0] : vector<16xf32>, vector<16xi32> -> vector<16xf32>
        %parallel_loop3A_294 = arith.mulf %parallel_loop3A_184, %parallel_loop3A_293 : vector<16xf32>
        %parallel_loop3A_295 = arith.index_cast %parallel_loop3A_152 : i32 to index
        %parallel_loop3A_296 = arith.constant 80 : index
        %parallel_loop3A_297 = tpu.vector_load %arg14[%parallel_loop3A_295, %parallel_loop3A_296] {strides = array<i32>} : memref<96x144xf32, #tpu.memory_space<vmem>>, vector<1x16xf32>,
        %parallel_loop3A_298 = vector.shape_cast %parallel_loop3A_297 : vector<1x16xf32> to vector<16xf32>
        %parallel_loop3A_299 = vector.shape_cast %parallel_loop3A_294 : vector<16xf32> to vector<1x16xf32>
        tpu.vector_store %arg14[%parallel_loop3A_295, %parallel_loop3A_296], %parallel_loop3A_299 {strides = array<i32>} : memref<96x144xf32, #tpu.memory_space<vmem>>, vector<1x16xf32>,
        %parallel_loop3A_300 = arith.constant 0 : i32
        %parallel_loop3A_301 = vector.broadcast %parallel_loop3A_300 : i32 to vector<16xi32>
        %parallel_loop3A_302 = arith.cmpi slt, %broadcast_in_dim3A_15, %parallel_loop3A_301 : vector<16xi32>
        %parallel_loop3A_303 = arith.constant 16 : i32
        %parallel_loop3A_304 = vector.broadcast %parallel_loop3A_303 : i32 to vector<16xi32>
        %parallel_loop3A_305 = arith.addi %broadcast_in_dim3A_15, %parallel_loop3A_304 : vector<16xi32>
        %parallel_loop3A_306 = arith.select %parallel_loop3A_302, %parallel_loop3A_305, %broadcast_in_dim3A_15 : vector<16xi1>, vector<16xi32>
        %parallel_loop3A_307 = vector.shape_cast %parallel_loop3A_306 : vector<16xi32> to vector<16x1xi32>
        %parallel_loop3A_308 = vector.shape_cast %parallel_loop3A_307 : vector<16x1xi32> to vector<16xi32>
        %parallel_loop3A_309 = tpu.dynamic_gather %parallel_loop3A_198[%parallel_loop3A_308] in [0] : vector<16xf32>, vector<16xi32> -> vector<16xf32>
        %parallel_loop3A_310 = arith.mulf %parallel_loop3A_188, %parallel_loop3A_309 : vector<16xf32>
        %parallel_loop3A_311 = arith.index_cast %parallel_loop3A_152 : i32 to index
        %parallel_loop3A_312 = arith.constant 96 : index
        %parallel_loop3A_313 = tpu.vector_load %arg14[%parallel_loop3A_311, %parallel_loop3A_312] {strides = array<i32>} : memref<96x144xf32, #tpu.memory_space<vmem>>, vector<1x16xf32>,
        %parallel_loop3A_314 = vector.shape_cast %parallel_loop3A_313 : vector<1x16xf32> to vector<16xf32>
        %parallel_loop3A_315 = vector.shape_cast %parallel_loop3A_310 : vector<16xf32> to vector<1x16xf32>
        tpu.vector_store %arg14[%parallel_loop3A_311, %parallel_loop3A_312], %parallel_loop3A_315 {strides = array<i32>} : memref<96x144xf32, #tpu.memory_space<vmem>>, vector<1x16xf32>,
        %parallel_loop3A_316 = arith.constant 0 : i32
        %parallel_loop3A_317 = vector.broadcast %parallel_loop3A_316 : i32 to vector<16xi32>
        %parallel_loop3A_318 = arith.cmpi slt, %broadcast_in_dim3A_17, %parallel_loop3A_317 : vector<16xi32>
        %parallel_loop3A_319 = arith.constant 16 : i32
        %parallel_loop3A_320 = vector.broadcast %parallel_loop3A_319 : i32 to vector<16xi32>
        %parallel_loop3A_321 = arith.addi %broadcast_in_dim3A_17, %parallel_loop3A_320 : vector<16xi32>
        %parallel_loop3A_322 = arith.select %parallel_loop3A_318, %parallel_loop3A_321, %broadcast_in_dim3A_17 : vector<16xi1>, vector<16xi32>
        %parallel_loop3A_323 = vector.shape_cast %parallel_loop3A_322 : vector<16xi32> to vector<16x1xi32>
        %parallel_loop3A_324 = vector.shape_cast %parallel_loop3A_323 : vector<16x1xi32> to vector<16xi32>
        %parallel_loop3A_325 = tpu.dynamic_gather %parallel_loop3A_198[%parallel_loop3A_324] in [0] : vector<16xf32>, vector<16xi32> -> vector<16xf32>
        %parallel_loop3A_326 = arith.mulf %parallel_loop3A_192, %parallel_loop3A_325 : vector<16xf32>
        %parallel_loop3A_327 = arith.index_cast %parallel_loop3A_152 : i32 to index
        %parallel_loop3A_328 = arith.constant 112 : index
        %parallel_loop3A_329 = tpu.vector_load %arg14[%parallel_loop3A_327, %parallel_loop3A_328] {strides = array<i32>} : memref<96x144xf32, #tpu.memory_space<vmem>>, vector<1x16xf32>,
        %parallel_loop3A_330 = vector.shape_cast %parallel_loop3A_329 : vector<1x16xf32> to vector<16xf32>
        %parallel_loop3A_331 = vector.shape_cast %parallel_loop3A_326 : vector<16xf32> to vector<1x16xf32>
        tpu.vector_store %arg14[%parallel_loop3A_327, %parallel_loop3A_328], %parallel_loop3A_331 {strides = array<i32>} : memref<96x144xf32, #tpu.memory_space<vmem>>, vector<1x16xf32>,
      } {sc.loop_unroll_factor = 4 : i64, sc.parallel_access}
      %run_scoped3A = arith.constant 1 : i32
      "tpu.region"() ({
        %run_scoped3A_152 = tpu.sem_alloc : memref<!tpu.dma_semaphore, #tpu.memory_space<semaphore_mem>>
        %dma_start3A_153 = arith.constant 0 : i32
        %dma_start3A_154 = tpu.memref_slice %arg12[%run_scoped3A, %dma_start3A_153] : memref<2x96xi32, #tpu.memory_space<vmem>> -> memref<1x96xi32, #tpu.memory_space<vmem>>
        %dma_start3A_155 = tpu.memref_squeeze %dma_start3A_154 : memref<1x96xi32, #tpu.memory_space<vmem>> -> memref<96xi32, #tpu.memory_space<vmem>>
        %dma_start3A_156 = arith.constant 0 : i32
        %dma_start3A_157 = arith.constant 0 : i32
        %dma_start3A_158 = tpu.memref_slice %arg11[%dma_start3A_156, %dma_start3A_157] : memref<10112x144xf32, #tpu.memory_space<vmem_shared>> -> memref<10112x144xf32, #tpu.memory_space<vmem_shared>>
        tpu.enqueue_indirect_dma source(%arg14 : memref<96x144xf32, #tpu.memory_space<vmem>>) target(%dma_start3A_158 : memref<10112x144xf32, #tpu.memory_space<vmem_shared>>) offsets(%dma_start3A_155 : memref<96xi32, #tpu.memory_space<vmem>>) semaphore(%run_scoped3A_152 : memref<!tpu.dma_semaphore, #tpu.memory_space<semaphore_mem>>) {add = true}
        %dma_wait3A_159 = arith.constant 0 : i32
        %dma_wait3A_160 = tpu.memref_slice %arg12[%run_scoped3A, %dma_wait3A_159] : memref<2x96xi32, #tpu.memory_space<vmem>> -> memref<1x96xi32, #tpu.memory_space<vmem>>
        %dma_wait3A_161 = tpu.memref_squeeze %dma_wait3A_160 : memref<1x96xi32, #tpu.memory_space<vmem>> -> memref<96xi32, #tpu.memory_space<vmem>>
        %dma_wait3A_162 = arith.constant 0 : i32
        %dma_wait3A_163 = arith.constant 0 : i32
        %dma_wait3A_164 = tpu.memref_slice %arg11[%dma_wait3A_162, %dma_wait3A_163] : memref<10112x144xf32, #tpu.memory_space<vmem_shared>> -> memref<10112x144xf32, #tpu.memory_space<vmem_shared>>
        tpu.wait_indirect_dma semaphore(%run_scoped3A_152 : memref<!tpu.dma_semaphore, #tpu.memory_space<semaphore_mem>>) src(%arg14 : memref<96x144xf32, #tpu.memory_space<vmem>>) dst(%dma_wait3A_164 : memref<10112x144xf32, #tpu.memory_space<vmem_shared>>)
        tpu.yield
      }) : () -> ()
      %lt3A = arith.constant 52 : i32
      %lt3A_132 = arith.cmpi slt, %scan3A_95, %lt3A : i32
      %convert_element_type3A = arith.extui %lt3A_132 : i1 to i32
      %cond3A = arith.constant 0 : i32
      %cond3A_133 = arith.cmpi ne, %convert_element_type3A, %cond3A : i32
      scf.if %cond3A_133 {
        %add3A_152 = arith.constant 2 : i32
        %add3A_153 = arith.addi %mul3A_97, %add3A_152 : i32
        %mul3A_154 = arith.constant 106 : i32
        %mul3A_155 = arith.muli %add3A, %mul3A_154 : i32
        %add3A_156 = arith.addi %mul3A_155, %add3A_153 : i32
        "tpu.region"() ({
          %run_scoped3A_171 = tpu.sem_alloc : memref<!tpu.dma_semaphore, #tpu.memory_space<semaphore_mem>>
          %dma_start3A_172 = arith.constant 0 : i32
          %dma_start3A_173 = arith.constant 0 : i32
          %dma_start3A_174 = tpu.memref_slice %arg4[%add3A_156, %dma_start3A_172, %dma_start3A_173] : memref<3392x2x96xi32, #tpu.memory_space<hbm>> -> memref<1x2x96xi32, #tpu.memory_space<hbm>>
          %dma_start3A_175 = tpu.memref_squeeze %dma_start3A_174 : memref<1x2x96xi32, #tpu.memory_space<hbm>> -> memref<2x96xi32, #tpu.memory_space<hbm>>
          %dma_start3A_176 = arith.constant 0 : i32
          %dma_start3A_177 = arith.constant 0 : i32
          %dma_start3A_178 = tpu.memref_slice %arg4[%add3A_156, %dma_start3A_176, %dma_start3A_177] : memref<3392x2x96xi32, #tpu.memory_space<hbm>> -> memref<1x2x96xi32, #tpu.memory_space<hbm>>
          %dma_start3A_179 = tpu.memref_squeeze %dma_start3A_178 : memref<1x2x96xi32, #tpu.memory_space<hbm>> -> memref<2x96xi32, #tpu.memory_space<hbm>>
          tpu.enqueue_dma source(%dma_start3A_179 : memref<2x96xi32, #tpu.memory_space<hbm>>) target(%arg12 : memref<2x96xi32, #tpu.memory_space<vmem>>) target_semaphore(%run_scoped3A_171 : memref<!tpu.dma_semaphore, #tpu.memory_space<semaphore_mem>>)
          %dma_wait3A_180 = arith.constant 0 : i32
          %dma_wait3A_181 = arith.constant 0 : i32
          %dma_wait3A_182 = tpu.memref_slice %arg4[%add3A_156, %dma_wait3A_180, %dma_wait3A_181] : memref<3392x2x96xi32, #tpu.memory_space<hbm>> -> memref<1x2x96xi32, #tpu.memory_space<hbm>>
          %dma_wait3A_183 = tpu.memref_squeeze %dma_wait3A_182 : memref<1x2x96xi32, #tpu.memory_space<hbm>> -> memref<2x96xi32, #tpu.memory_space<hbm>>
          %dma_wait3A_184 = arith.constant 0 : i32
          %dma_wait3A_185 = arith.constant 0 : i32
          %dma_wait3A_186 = tpu.memref_slice %arg4[%add3A_156, %dma_wait3A_184, %dma_wait3A_185] : memref<3392x2x96xi32, #tpu.memory_space<hbm>> -> memref<1x2x96xi32, #tpu.memory_space<hbm>>
          %dma_wait3A_187 = tpu.memref_squeeze %dma_wait3A_186 : memref<1x2x96xi32, #tpu.memory_space<hbm>> -> memref<2x96xi32, #tpu.memory_space<hbm>>
          tpu.wait_dma2 semaphore(%run_scoped3A_171 : memref<!tpu.dma_semaphore, #tpu.memory_space<semaphore_mem>>) src(%dma_wait3A_187 : memref<2x96xi32, #tpu.memory_space<hbm>>) dst(%arg12 : memref<2x96xi32, #tpu.memory_space<vmem>>)
          tpu.yield
        }) : () -> ()
        %dma_start3A_157 = arith.constant 0 : i32
        %dma_start3A_158 = arith.constant 0 : i32
        %dma_start3A_159 = tpu.memref_slice %arg12[%dma_start3A_157, %dma_start3A_158] : memref<2x96xi32, #tpu.memory_space<vmem>> -> memref<1x96xi32, #tpu.memory_space<vmem>>
        %dma_start3A_160 = tpu.memref_squeeze %dma_start3A_159 : memref<1x96xi32, #tpu.memory_space<vmem>> -> memref<96xi32, #tpu.memory_space<vmem>>
        %dma_start3A_161 = arith.constant 0 : i32
        %dma_start3A_162 = arith.constant 0 : i32
        %dma_start3A_163 = tpu.memref_slice %arg2[%dma_start3A_161, %dma_start3A_162] : memref<10112x144xf32, #tpu.memory_space<hbm>> -> memref<10112x144xf32, #tpu.memory_space<hbm>>
        tpu.enqueue_indirect_dma source(%dma_start3A_163 : memref<10112x144xf32, #tpu.memory_space<hbm>>) target(%arg14 : memref<96x144xf32, #tpu.memory_space<vmem>>) offsets(%dma_start3A_160 : memref<96xi32, #tpu.memory_space<vmem>>) semaphore(%arg18 : memref<!tpu.dma_semaphore, #tpu.memory_space<semaphore_mem>>)
        %dma_start3A_164 = arith.constant 1 : i32
        %dma_start3A_165 = arith.constant 0 : i32
        %dma_start3A_166 = tpu.memref_slice %arg12[%dma_start3A_164, %dma_start3A_165] : memref<2x96xi32, #tpu.memory_space<vmem>> -> memref<1x96xi32, #tpu.memory_space<vmem>>
        %dma_start3A_167 = tpu.memref_squeeze %dma_start3A_166 : memref<1x96xi32, #tpu.memory_space<vmem>> -> memref<96xi32, #tpu.memory_space<vmem>>
        %dma_start3A_168 = arith.constant 0 : i32
        %dma_start3A_169 = arith.constant 0 : i32
        %dma_start3A_170 = tpu.memref_slice %arg3[%dma_start3A_168, %dma_start3A_169] : memref<10112x16xf32, #tpu.memory_space<hbm>> -> memref<10112x16xf32, #tpu.memory_space<hbm>>
        tpu.enqueue_indirect_dma source(%dma_start3A_170 : memref<10112x16xf32, #tpu.memory_space<hbm>>) target(%arg16 : memref<96x16xf32, #tpu.memory_space<vmem>>) offsets(%dma_start3A_167 : memref<96xi32, #tpu.memory_space<vmem>>) semaphore(%arg18 : memref<!tpu.dma_semaphore, #tpu.memory_space<semaphore_mem>>)
      } else {
      }
      %dma_wait3A_134 = arith.constant 0 : i32
      %dma_wait3A_135 = arith.constant 0 : i32
      %dma_wait3A_136 = tpu.memref_slice %arg13[%dma_wait3A_134, %dma_wait3A_135] : memref<2x96xi32, #tpu.memory_space<vmem>> -> memref<1x96xi32, #tpu.memory_space<vmem>>
      %dma_wait3A_137 = tpu.memref_squeeze %dma_wait3A_136 : memref<1x96xi32, #tpu.memory_space<vmem>> -> memref<96xi32, #tpu.memory_space<vmem>>
      %dma_wait3A_138 = arith.constant 0 : i32
      %dma_wait3A_139 = arith.constant 0 : i32
      %dma_wait3A_140 = tpu.memref_slice %arg2[%dma_wait3A_138, %dma_wait3A_139] : memref<10112x144xf32, #tpu.memory_space<hbm>> -> memref<10112x144xf32, #tpu.memory_space<hbm>>
      tpu.wait_indirect_dma semaphore(%arg19 : memref<!tpu.dma_semaphore, #tpu.memory_space<semaphore_mem>>) src(%dma_wait3A_140 : memref<10112x144xf32, #tpu.memory_space<hbm>>) dst(%arg15 : memref<96x144xf32, #tpu.memory_space<vmem>>)
      %dma_wait3A_141 = arith.constant 1 : i32
      %dma_wait3A_142 = arith.constant 0 : i32
      %dma_wait3A_143 = tpu.memref_slice %arg13[%dma_wait3A_141, %dma_wait3A_142] : memref<2x96xi32, #tpu.memory_space<vmem>> -> memref<1x96xi32, #tpu.memory_space<vmem>>
      %dma_wait3A_144 = tpu.memref_squeeze %dma_wait3A_143 : memref<1x96xi32, #tpu.memory_space<vmem>> -> memref<96xi32, #tpu.memory_space<vmem>>
      %dma_wait3A_145 = arith.constant 0 : i32
      %dma_wait3A_146 = arith.constant 0 : i32
      %dma_wait3A_147 = tpu.memref_slice %arg3[%dma_wait3A_145, %dma_wait3A_146] : memref<10112x16xf32, #tpu.memory_space<hbm>> -> memref<10112x16xf32, #tpu.memory_space<hbm>>
      tpu.wait_indirect_dma semaphore(%arg19 : memref<!tpu.dma_semaphore, #tpu.memory_space<semaphore_mem>>) src(%dma_wait3A_147 : memref<10112x16xf32, #tpu.memory_space<hbm>>) dst(%arg17 : memref<96x16xf32, #tpu.memory_space<vmem>>)
      %parallel_loop3A_148 = arith.constant 0 : i32
      %parallel_loop3A_149 = arith.constant 96 : i32
      %parallel_loop3A_150 = arith.constant 1 : i32
      scf.for %parallel_loop3A_152 = %parallel_loop3A_148 to %parallel_loop3A_149 step %parallel_loop3A_150  : i32 {
        %parallel_loop3A_153 = arith.index_cast %parallel_loop3A_152 : i32 to index
        %parallel_loop3A_154 = arith.constant 128 : index
        %parallel_loop3A_155 = tpu.vector_load %arg15[%parallel_loop3A_153, %parallel_loop3A_154] {strides = array<i32>} : memref<96x144xf32, #tpu.memory_space<vmem>>, vector<1x16xf32>,
        %parallel_loop3A_156 = vector.shape_cast %parallel_loop3A_155 : vector<1x16xf32> to vector<16xf32>
        %parallel_loop3A_157 = arith.index_cast %parallel_loop3A_152 : i32 to index
        %parallel_loop3A_158 = arith.constant 0 : index
        %parallel_loop3A_159 = tpu.vector_load %arg17[%parallel_loop3A_157, %parallel_loop3A_158] {strides = array<i32>} : memref<96x16xf32, #tpu.memory_space<vmem>>, vector<1x16xf32>,
        %parallel_loop3A_160 = vector.shape_cast %parallel_loop3A_159 : vector<1x16xf32> to vector<16xf32>
        %parallel_loop3A_161 = arith.index_cast %parallel_loop3A_152 : i32 to index
        %parallel_loop3A_162 = arith.constant 0 : index
        %parallel_loop3A_163 = tpu.vector_load %arg15[%parallel_loop3A_161, %parallel_loop3A_162] {strides = array<i32>} : memref<96x144xf32, #tpu.memory_space<vmem>>, vector<1x16xf32>,
        %parallel_loop3A_164 = vector.shape_cast %parallel_loop3A_163 : vector<1x16xf32> to vector<16xf32>
        %parallel_loop3A_165 = arith.index_cast %parallel_loop3A_152 : i32 to index
        %parallel_loop3A_166 = arith.constant 16 : index
        %parallel_loop3A_167 = tpu.vector_load %arg15[%parallel_loop3A_165, %parallel_loop3A_166] {strides = array<i32>} : memref<96x144xf32, #tpu.memory_space<vmem>>, vector<1x16xf32>,
        %parallel_loop3A_168 = vector.shape_cast %parallel_loop3A_167 : vector<1x16xf32> to vector<16xf32>
        %parallel_loop3A_169 = arith.index_cast %parallel_loop3A_152 : i32 to index
        %parallel_loop3A_170 = arith.constant 32 : index
        %parallel_loop3A_171 = tpu.vector_load %arg15[%parallel_loop3A_169, %parallel_loop3A_170] {strides = array<i32>} : memref<96x144xf32, #tpu.memory_space<vmem>>, vector<1x16xf32>,
        %parallel_loop3A_172 = vector.shape_cast %parallel_loop3A_171 : vector<1x16xf32> to vector<16xf32>
        %parallel_loop3A_173 = arith.index_cast %parallel_loop3A_152 : i32 to index
        %parallel_loop3A_174 = arith.constant 48 : index
        %parallel_loop3A_175 = tpu.vector_load %arg15[%parallel_loop3A_173, %parallel_loop3A_174] {strides = array<i32>} : memref<96x144xf32, #tpu.memory_space<vmem>>, vector<1x16xf32>,
        %parallel_loop3A_176 = vector.shape_cast %parallel_loop3A_175 : vector<1x16xf32> to vector<16xf32>
        %parallel_loop3A_177 = arith.index_cast %parallel_loop3A_152 : i32 to index
        %parallel_loop3A_178 = arith.constant 64 : index
        %parallel_loop3A_179 = tpu.vector_load %arg15[%parallel_loop3A_177, %parallel_loop3A_178] {strides = array<i32>} : memref<96x144xf32, #tpu.memory_space<vmem>>, vector<1x16xf32>,
        %parallel_loop3A_180 = vector.shape_cast %parallel_loop3A_179 : vector<1x16xf32> to vector<16xf32>
        %parallel_loop3A_181 = arith.index_cast %parallel_loop3A_152 : i32 to index
        %parallel_loop3A_182 = arith.constant 80 : index
        %parallel_loop3A_183 = tpu.vector_load %arg15[%parallel_loop3A_181, %parallel_loop3A_182] {strides = array<i32>} : memref<96x144xf32, #tpu.memory_space<vmem>>, vector<1x16xf32>,
        %parallel_loop3A_184 = vector.shape_cast %parallel_loop3A_183 : vector<1x16xf32> to vector<16xf32>
        %parallel_loop3A_185 = arith.index_cast %parallel_loop3A_152 : i32 to index
        %parallel_loop3A_186 = arith.constant 96 : index
        %parallel_loop3A_187 = tpu.vector_load %arg15[%parallel_loop3A_185, %parallel_loop3A_186] {strides = array<i32>} : memref<96x144xf32, #tpu.memory_space<vmem>>, vector<1x16xf32>,
        %parallel_loop3A_188 = vector.shape_cast %parallel_loop3A_187 : vector<1x16xf32> to vector<16xf32>
        %parallel_loop3A_189 = arith.index_cast %parallel_loop3A_152 : i32 to index
        %parallel_loop3A_190 = arith.constant 112 : index
        %parallel_loop3A_191 = tpu.vector_load %arg15[%parallel_loop3A_189, %parallel_loop3A_190] {strides = array<i32>} : memref<96x144xf32, #tpu.memory_space<vmem>>, vector<1x16xf32>,
        %parallel_loop3A_192 = vector.shape_cast %parallel_loop3A_191 : vector<1x16xf32> to vector<16xf32>
        %parallel_loop3A_193 = arith.addf %parallel_loop3A_156, %parallel_loop3A_160 : vector<16xf32>
        %parallel_loop3A_194 = arith.constant 2.000000e-01 : f32
        %parallel_loop3A_195 = vector.broadcast %parallel_loop3A_194 : f32 to vector<16xf32>
        %parallel_loop3A_196 = arith.mulf %parallel_loop3A_195, %parallel_loop3A_193 : vector<16xf32>
        %parallel_loop3A_197 = arith.maximumf %parallel_loop3A_193, %parallel_loop3A_196 : vector<16xf32>
        %parallel_loop3A_198 = math.exp %parallel_loop3A_197 : vector<16xf32>
        %parallel_loop3A_199 = arith.index_cast %parallel_loop3A_152 : i32 to index
        %parallel_loop3A_200 = arith.constant 128 : index
        %parallel_loop3A_201 = tpu.vector_load %arg15[%parallel_loop3A_199, %parallel_loop3A_200] {strides = array<i32>} : memref<96x144xf32, #tpu.memory_space<vmem>>, vector<1x16xf32>,
        %parallel_loop3A_202 = vector.shape_cast %parallel_loop3A_201 : vector<1x16xf32> to vector<16xf32>
        %parallel_loop3A_203 = vector.shape_cast %parallel_loop3A_198 : vector<16xf32> to vector<1x16xf32>
        tpu.vector_store %arg15[%parallel_loop3A_199, %parallel_loop3A_200], %parallel_loop3A_203 {strides = array<i32>} : memref<96x144xf32, #tpu.memory_space<vmem>>, vector<1x16xf32>,
        %parallel_loop3A_204 = arith.constant 0 : i32
        %parallel_loop3A_205 = vector.broadcast %parallel_loop3A_204 : i32 to vector<16xi32>
        %parallel_loop3A_206 = arith.cmpi slt, %broadcast_in_dim3A_3, %parallel_loop3A_205 : vector<16xi32>
        %parallel_loop3A_207 = arith.constant 16 : i32
        %parallel_loop3A_208 = vector.broadcast %parallel_loop3A_207 : i32 to vector<16xi32>
        %parallel_loop3A_209 = arith.addi %broadcast_in_dim3A_3, %parallel_loop3A_208 : vector<16xi32>
        %parallel_loop3A_210 = arith.select %parallel_loop3A_206, %parallel_loop3A_209, %broadcast_in_dim3A_3 : vector<16xi1>, vector<16xi32>
        %parallel_loop3A_211 = vector.shape_cast %parallel_loop3A_210 : vector<16xi32> to vector<16x1xi32>
        %parallel_loop3A_212 = vector.shape_cast %parallel_loop3A_211 : vector<16x1xi32> to vector<16xi32>
        %parallel_loop3A_213 = tpu.dynamic_gather %parallel_loop3A_198[%parallel_loop3A_212] in [0] : vector<16xf32>, vector<16xi32> -> vector<16xf32>
        %parallel_loop3A_214 = arith.mulf %parallel_loop3A_164, %parallel_loop3A_213 : vector<16xf32>
        %parallel_loop3A_215 = arith.index_cast %parallel_loop3A_152 : i32 to index
        %parallel_loop3A_216 = arith.constant 0 : index
        %parallel_loop3A_217 = tpu.vector_load %arg15[%parallel_loop3A_215, %parallel_loop3A_216] {strides = array<i32>} : memref<96x144xf32, #tpu.memory_space<vmem>>, vector<1x16xf32>,
        %parallel_loop3A_218 = vector.shape_cast %parallel_loop3A_217 : vector<1x16xf32> to vector<16xf32>
        %parallel_loop3A_219 = vector.shape_cast %parallel_loop3A_214 : vector<16xf32> to vector<1x16xf32>
        tpu.vector_store %arg15[%parallel_loop3A_215, %parallel_loop3A_216], %parallel_loop3A_219 {strides = array<i32>} : memref<96x144xf32, #tpu.memory_space<vmem>>, vector<1x16xf32>,
        %parallel_loop3A_220 = arith.constant 0 : i32
        %parallel_loop3A_221 = vector.broadcast %parallel_loop3A_220 : i32 to vector<16xi32>
        %parallel_loop3A_222 = arith.cmpi slt, %broadcast_in_dim3A_5, %parallel_loop3A_221 : vector<16xi32>
        %parallel_loop3A_223 = arith.constant 16 : i32
        %parallel_loop3A_224 = vector.broadcast %parallel_loop3A_223 : i32 to vector<16xi32>
        %parallel_loop3A_225 = arith.addi %broadcast_in_dim3A_5, %parallel_loop3A_224 : vector<16xi32>
        %parallel_loop3A_226 = arith.select %parallel_loop3A_222, %parallel_loop3A_225, %broadcast_in_dim3A_5 : vector<16xi1>, vector<16xi32>
        %parallel_loop3A_227 = vector.shape_cast %parallel_loop3A_226 : vector<16xi32> to vector<16x1xi32>
        %parallel_loop3A_228 = vector.shape_cast %parallel_loop3A_227 : vector<16x1xi32> to vector<16xi32>
        %parallel_loop3A_229 = tpu.dynamic_gather %parallel_loop3A_198[%parallel_loop3A_228] in [0] : vector<16xf32>, vector<16xi32> -> vector<16xf32>
        %parallel_loop3A_230 = arith.mulf %parallel_loop3A_168, %parallel_loop3A_229 : vector<16xf32>
        %parallel_loop3A_231 = arith.index_cast %parallel_loop3A_152 : i32 to index
        %parallel_loop3A_232 = arith.constant 16 : index
        %parallel_loop3A_233 = tpu.vector_load %arg15[%parallel_loop3A_231, %parallel_loop3A_232] {strides = array<i32>} : memref<96x144xf32, #tpu.memory_space<vmem>>, vector<1x16xf32>,
        %parallel_loop3A_234 = vector.shape_cast %parallel_loop3A_233 : vector<1x16xf32> to vector<16xf32>
        %parallel_loop3A_235 = vector.shape_cast %parallel_loop3A_230 : vector<16xf32> to vector<1x16xf32>
        tpu.vector_store %arg15[%parallel_loop3A_231, %parallel_loop3A_232], %parallel_loop3A_235 {strides = array<i32>} : memref<96x144xf32, #tpu.memory_space<vmem>>, vector<1x16xf32>,
        %parallel_loop3A_236 = arith.constant 0 : i32
        %parallel_loop3A_237 = vector.broadcast %parallel_loop3A_236 : i32 to vector<16xi32>
        %parallel_loop3A_238 = arith.cmpi slt, %broadcast_in_dim3A_7, %parallel_loop3A_237 : vector<16xi32>
        %parallel_loop3A_239 = arith.constant 16 : i32
        %parallel_loop3A_240 = vector.broadcast %parallel_loop3A_239 : i32 to vector<16xi32>
        %parallel_loop3A_241 = arith.addi %broadcast_in_dim3A_7, %parallel_loop3A_240 : vector<16xi32>
        %parallel_loop3A_242 = arith.select %parallel_loop3A_238, %parallel_loop3A_241, %broadcast_in_dim3A_7 : vector<16xi1>, vector<16xi32>
        %parallel_loop3A_243 = vector.shape_cast %parallel_loop3A_242 : vector<16xi32> to vector<16x1xi32>
        %parallel_loop3A_244 = vector.shape_cast %parallel_loop3A_243 : vector<16x1xi32> to vector<16xi32>
        %parallel_loop3A_245 = tpu.dynamic_gather %parallel_loop3A_198[%parallel_loop3A_244] in [0] : vector<16xf32>, vector<16xi32> -> vector<16xf32>
        %parallel_loop3A_246 = arith.mulf %parallel_loop3A_172, %parallel_loop3A_245 : vector<16xf32>
        %parallel_loop3A_247 = arith.index_cast %parallel_loop3A_152 : i32 to index
        %parallel_loop3A_248 = arith.constant 32 : index
        %parallel_loop3A_249 = tpu.vector_load %arg15[%parallel_loop3A_247, %parallel_loop3A_248] {strides = array<i32>} : memref<96x144xf32, #tpu.memory_space<vmem>>, vector<1x16xf32>,
        %parallel_loop3A_250 = vector.shape_cast %parallel_loop3A_249 : vector<1x16xf32> to vector<16xf32>
        %parallel_loop3A_251 = vector.shape_cast %parallel_loop3A_246 : vector<16xf32> to vector<1x16xf32>
        tpu.vector_store %arg15[%parallel_loop3A_247, %parallel_loop3A_248], %parallel_loop3A_251 {strides = array<i32>} : memref<96x144xf32, #tpu.memory_space<vmem>>, vector<1x16xf32>,
        %parallel_loop3A_252 = arith.constant 0 : i32
        %parallel_loop3A_253 = vector.broadcast %parallel_loop3A_252 : i32 to vector<16xi32>
        %parallel_loop3A_254 = arith.cmpi slt, %broadcast_in_dim3A_9, %parallel_loop3A_253 : vector<16xi32>
        %parallel_loop3A_255 = arith.constant 16 : i32
        %parallel_loop3A_256 = vector.broadcast %parallel_loop3A_255 : i32 to vector<16xi32>
        %parallel_loop3A_257 = arith.addi %broadcast_in_dim3A_9, %parallel_loop3A_256 : vector<16xi32>
        %parallel_loop3A_258 = arith.select %parallel_loop3A_254, %parallel_loop3A_257, %broadcast_in_dim3A_9 : vector<16xi1>, vector<16xi32>
        %parallel_loop3A_259 = vector.shape_cast %parallel_loop3A_258 : vector<16xi32> to vector<16x1xi32>
        %parallel_loop3A_260 = vector.shape_cast %parallel_loop3A_259 : vector<16x1xi32> to vector<16xi32>
        %parallel_loop3A_261 = tpu.dynamic_gather %parallel_loop3A_198[%parallel_loop3A_260] in [0] : vector<16xf32>, vector<16xi32> -> vector<16xf32>
        %parallel_loop3A_262 = arith.mulf %parallel_loop3A_176, %parallel_loop3A_261 : vector<16xf32>
        %parallel_loop3A_263 = arith.index_cast %parallel_loop3A_152 : i32 to index
        %parallel_loop3A_264 = arith.constant 48 : index
        %parallel_loop3A_265 = tpu.vector_load %arg15[%parallel_loop3A_263, %parallel_loop3A_264] {strides = array<i32>} : memref<96x144xf32, #tpu.memory_space<vmem>>, vector<1x16xf32>,
        %parallel_loop3A_266 = vector.shape_cast %parallel_loop3A_265 : vector<1x16xf32> to vector<16xf32>
        %parallel_loop3A_267 = vector.shape_cast %parallel_loop3A_262 : vector<16xf32> to vector<1x16xf32>
        tpu.vector_store %arg15[%parallel_loop3A_263, %parallel_loop3A_264], %parallel_loop3A_267 {strides = array<i32>} : memref<96x144xf32, #tpu.memory_space<vmem>>, vector<1x16xf32>,
        %parallel_loop3A_268 = arith.constant 0 : i32
        %parallel_loop3A_269 = vector.broadcast %parallel_loop3A_268 : i32 to vector<16xi32>
        %parallel_loop3A_270 = arith.cmpi slt, %broadcast_in_dim3A_11, %parallel_loop3A_269 : vector<16xi32>
        %parallel_loop3A_271 = arith.constant 16 : i32
        %parallel_loop3A_272 = vector.broadcast %parallel_loop3A_271 : i32 to vector<16xi32>
        %parallel_loop3A_273 = arith.addi %broadcast_in_dim3A_11, %parallel_loop3A_272 : vector<16xi32>
        %parallel_loop3A_274 = arith.select %parallel_loop3A_270, %parallel_loop3A_273, %broadcast_in_dim3A_11 : vector<16xi1>, vector<16xi32>
        %parallel_loop3A_275 = vector.shape_cast %parallel_loop3A_274 : vector<16xi32> to vector<16x1xi32>
        %parallel_loop3A_276 = vector.shape_cast %parallel_loop3A_275 : vector<16x1xi32> to vector<16xi32>
        %parallel_loop3A_277 = tpu.dynamic_gather %parallel_loop3A_198[%parallel_loop3A_276] in [0] : vector<16xf32>, vector<16xi32> -> vector<16xf32>
        %parallel_loop3A_278 = arith.mulf %parallel_loop3A_180, %parallel_loop3A_277 : vector<16xf32>
        %parallel_loop3A_279 = arith.index_cast %parallel_loop3A_152 : i32 to index
        %parallel_loop3A_280 = arith.constant 64 : index
        %parallel_loop3A_281 = tpu.vector_load %arg15[%parallel_loop3A_279, %parallel_loop3A_280] {strides = array<i32>} : memref<96x144xf32, #tpu.memory_space<vmem>>, vector<1x16xf32>,
        %parallel_loop3A_282 = vector.shape_cast %parallel_loop3A_281 : vector<1x16xf32> to vector<16xf32>
        %parallel_loop3A_283 = vector.shape_cast %parallel_loop3A_278 : vector<16xf32> to vector<1x16xf32>
        tpu.vector_store %arg15[%parallel_loop3A_279, %parallel_loop3A_280], %parallel_loop3A_283 {strides = array<i32>} : memref<96x144xf32, #tpu.memory_space<vmem>>, vector<1x16xf32>,
        %parallel_loop3A_284 = arith.constant 0 : i32
        %parallel_loop3A_285 = vector.broadcast %parallel_loop3A_284 : i32 to vector<16xi32>
        %parallel_loop3A_286 = arith.cmpi slt, %broadcast_in_dim3A_13, %parallel_loop3A_285 : vector<16xi32>
        %parallel_loop3A_287 = arith.constant 16 : i32
        %parallel_loop3A_288 = vector.broadcast %parallel_loop3A_287 : i32 to vector<16xi32>
        %parallel_loop3A_289 = arith.addi %broadcast_in_dim3A_13, %parallel_loop3A_288 : vector<16xi32>
        %parallel_loop3A_290 = arith.select %parallel_loop3A_286, %parallel_loop3A_289, %broadcast_in_dim3A_13 : vector<16xi1>, vector<16xi32>
        %parallel_loop3A_291 = vector.shape_cast %parallel_loop3A_290 : vector<16xi32> to vector<16x1xi32>
        %parallel_loop3A_292 = vector.shape_cast %parallel_loop3A_291 : vector<16x1xi32> to vector<16xi32>
        %parallel_loop3A_293 = tpu.dynamic_gather %parallel_loop3A_198[%parallel_loop3A_292] in [0] : vector<16xf32>, vector<16xi32> -> vector<16xf32>
        %parallel_loop3A_294 = arith.mulf %parallel_loop3A_184, %parallel_loop3A_293 : vector<16xf32>
        %parallel_loop3A_295 = arith.index_cast %parallel_loop3A_152 : i32 to index
        %parallel_loop3A_296 = arith.constant 80 : index
        %parallel_loop3A_297 = tpu.vector_load %arg15[%parallel_loop3A_295, %parallel_loop3A_296] {strides = array<i32>} : memref<96x144xf32, #tpu.memory_space<vmem>>, vector<1x16xf32>,
        %parallel_loop3A_298 = vector.shape_cast %parallel_loop3A_297 : vector<1x16xf32> to vector<16xf32>
        %parallel_loop3A_299 = vector.shape_cast %parallel_loop3A_294 : vector<16xf32> to vector<1x16xf32>
        tpu.vector_store %arg15[%parallel_loop3A_295, %parallel_loop3A_296], %parallel_loop3A_299 {strides = array<i32>} : memref<96x144xf32, #tpu.memory_space<vmem>>, vector<1x16xf32>,
        %parallel_loop3A_300 = arith.constant 0 : i32
        %parallel_loop3A_301 = vector.broadcast %parallel_loop3A_300 : i32 to vector<16xi32>
        %parallel_loop3A_302 = arith.cmpi slt, %broadcast_in_dim3A_15, %parallel_loop3A_301 : vector<16xi32>
        %parallel_loop3A_303 = arith.constant 16 : i32
        %parallel_loop3A_304 = vector.broadcast %parallel_loop3A_303 : i32 to vector<16xi32>
        %parallel_loop3A_305 = arith.addi %broadcast_in_dim3A_15, %parallel_loop3A_304 : vector<16xi32>
        %parallel_loop3A_306 = arith.select %parallel_loop3A_302, %parallel_loop3A_305, %broadcast_in_dim3A_15 : vector<16xi1>, vector<16xi32>
        %parallel_loop3A_307 = vector.shape_cast %parallel_loop3A_306 : vector<16xi32> to vector<16x1xi32>
        %parallel_loop3A_308 = vector.shape_cast %parallel_loop3A_307 : vector<16x1xi32> to vector<16xi32>
        %parallel_loop3A_309 = tpu.dynamic_gather %parallel_loop3A_198[%parallel_loop3A_308] in [0] : vector<16xf32>, vector<16xi32> -> vector<16xf32>
        %parallel_loop3A_310 = arith.mulf %parallel_loop3A_188, %parallel_loop3A_309 : vector<16xf32>
        %parallel_loop3A_311 = arith.index_cast %parallel_loop3A_152 : i32 to index
        %parallel_loop3A_312 = arith.constant 96 : index
        %parallel_loop3A_313 = tpu.vector_load %arg15[%parallel_loop3A_311, %parallel_loop3A_312] {strides = array<i32>} : memref<96x144xf32, #tpu.memory_space<vmem>>, vector<1x16xf32>,
        %parallel_loop3A_314 = vector.shape_cast %parallel_loop3A_313 : vector<1x16xf32> to vector<16xf32>
        %parallel_loop3A_315 = vector.shape_cast %parallel_loop3A_310 : vector<16xf32> to vector<1x16xf32>
        tpu.vector_store %arg15[%parallel_loop3A_311, %parallel_loop3A_312], %parallel_loop3A_315 {strides = array<i32>} : memref<96x144xf32, #tpu.memory_space<vmem>>, vector<1x16xf32>,
        %parallel_loop3A_316 = arith.constant 0 : i32
        %parallel_loop3A_317 = vector.broadcast %parallel_loop3A_316 : i32 to vector<16xi32>
        %parallel_loop3A_318 = arith.cmpi slt, %broadcast_in_dim3A_17, %parallel_loop3A_317 : vector<16xi32>
        %parallel_loop3A_319 = arith.constant 16 : i32
        %parallel_loop3A_320 = vector.broadcast %parallel_loop3A_319 : i32 to vector<16xi32>
        %parallel_loop3A_321 = arith.addi %broadcast_in_dim3A_17, %parallel_loop3A_320 : vector<16xi32>
        %parallel_loop3A_322 = arith.select %parallel_loop3A_318, %parallel_loop3A_321, %broadcast_in_dim3A_17 : vector<16xi1>, vector<16xi32>
        %parallel_loop3A_323 = vector.shape_cast %parallel_loop3A_322 : vector<16xi32> to vector<16x1xi32>
        %parallel_loop3A_324 = vector.shape_cast %parallel_loop3A_323 : vector<16x1xi32> to vector<16xi32>
        %parallel_loop3A_325 = tpu.dynamic_gather %parallel_loop3A_198[%parallel_loop3A_324] in [0] : vector<16xf32>, vector<16xi32> -> vector<16xf32>
        %parallel_loop3A_326 = arith.mulf %parallel_loop3A_192, %parallel_loop3A_325 : vector<16xf32>
        %parallel_loop3A_327 = arith.index_cast %parallel_loop3A_152 : i32 to index
        %parallel_loop3A_328 = arith.constant 112 : index
        %parallel_loop3A_329 = tpu.vector_load %arg15[%parallel_loop3A_327, %parallel_loop3A_328] {strides = array<i32>} : memref<96x144xf32, #tpu.memory_space<vmem>>, vector<1x16xf32>,
        %parallel_loop3A_330 = vector.shape_cast %parallel_loop3A_329 : vector<1x16xf32> to vector<16xf32>
        %parallel_loop3A_331 = vector.shape_cast %parallel_loop3A_326 : vector<16xf32> to vector<1x16xf32>
        tpu.vector_store %arg15[%parallel_loop3A_327, %parallel_loop3A_328], %parallel_loop3A_331 {strides = array<i32>} : memref<96x144xf32, #tpu.memory_space<vmem>>, vector<1x16xf32>,
      } {sc.loop_unroll_factor = 4 : i64, sc.parallel_access}
      %run_scoped3A_151 = arith.constant 1 : i32
      "tpu.region"() ({
        %run_scoped3A_152 = tpu.sem_alloc : memref<!tpu.dma_semaphore, #tpu.memory_space<semaphore_mem>>
        %dma_start3A_153 = arith.constant 0 : i32
        %dma_start3A_154 = tpu.memref_slice %arg13[%run_scoped3A_151, %dma_start3A_153] : memref<2x96xi32, #tpu.memory_space<vmem>> -> memref<1x96xi32, #tpu.memory_space<vmem>>
        %dma_start3A_155 = tpu.memref_squeeze %dma_start3A_154 : memref<1x96xi32, #tpu.memory_space<vmem>> -> memref<96xi32, #tpu.memory_space<vmem>>
        %dma_start3A_156 = arith.constant 0 : i32
        %dma_start3A_157 = arith.constant 0 : i32
        %dma_start3A_158 = tpu.memref_slice %arg11[%dma_start3A_156, %dma_start3A_157] : memref<10112x144xf32, #tpu.memory_space<vmem_shared>> -> memref<10112x144xf32, #tpu.memory_space<vmem_shared>>
        tpu.enqueue_indirect_dma source(%arg15 : memref<96x144xf32, #tpu.memory_space<vmem>>) target(%dma_start3A_158 : memref<10112x144xf32, #tpu.memory_space<vmem_shared>>) offsets(%dma_start3A_155 : memref<96xi32, #tpu.memory_space<vmem>>) semaphore(%run_scoped3A_152 : memref<!tpu.dma_semaphore, #tpu.memory_space<semaphore_mem>>) {add = true}
        %dma_wait3A_159 = arith.constant 0 : i32
        %dma_wait3A_160 = tpu.memref_slice %arg13[%run_scoped3A_151, %dma_wait3A_159] : memref<2x96xi32, #tpu.memory_space<vmem>> -> memref<1x96xi32, #tpu.memory_space<vmem>>
        %dma_wait3A_161 = tpu.memref_squeeze %dma_wait3A_160 : memref<1x96xi32, #tpu.memory_space<vmem>> -> memref<96xi32, #tpu.memory_space<vmem>>
        %dma_wait3A_162 = arith.constant 0 : i32
        %dma_wait3A_163 = arith.constant 0 : i32
        %dma_wait3A_164 = tpu.memref_slice %arg11[%dma_wait3A_162, %dma_wait3A_163] : memref<10112x144xf32, #tpu.memory_space<vmem_shared>> -> memref<10112x144xf32, #tpu.memory_space<vmem_shared>>
        tpu.wait_indirect_dma semaphore(%run_scoped3A_152 : memref<!tpu.dma_semaphore, #tpu.memory_space<semaphore_mem>>) src(%arg15 : memref<96x144xf32, #tpu.memory_space<vmem>>) dst(%dma_wait3A_164 : memref<10112x144xf32, #tpu.memory_space<vmem_shared>>)
        tpu.yield
      }) : () -> ()
    }
    %scan3A_39 = arith.constant 53 : i32
    %barrier3A_40 = arith.constant 0 : index
    tpu.barrier barrier_id(%barrier3A_40)
    %mul3A_41 = arith.constant 632 : i32
    %mul3A_42 = arith.muli %arg1, %mul3A_41 : i32
    %mul3A_43 = arith.constant 632 : i32
    %mul3A_44 = arith.muli %arg1, %mul3A_43 : i32
    "tpu.region"() ({
      %run_scoped3A = tpu.sem_alloc : memref<!tpu.dma_semaphore, #tpu.memory_space<semaphore_mem>>
      %dma_start3A_95 = arith.constant 0 : i32
      %dma_start3A_96 = tpu.memref_slice %arg9[%arg0, %mul3A_44, %dma_start3A_95] : memref<2x10112x144xf32, #tpu.memory_space<hbm>> -> memref<1x632x144xf32, #tpu.memory_space<hbm>>
      %dma_start3A_97 = tpu.memref_squeeze %dma_start3A_96 : memref<1x632x144xf32, #tpu.memory_space<hbm>> -> memref<632x144xf32, #tpu.memory_space<hbm>>
      %dma_start3A_98 = arith.constant 0 : i32
      %dma_start3A_99 = tpu.memref_slice %arg11[%mul3A_42, %dma_start3A_98] : memref<10112x144xf32, #tpu.memory_space<vmem_shared>> -> memref<632x144xf32, #tpu.memory_space<vmem_shared>>
      tpu.enqueue_dma source(%dma_start3A_99 : memref<632x144xf32, #tpu.memory_space<vmem_shared>>) target(%dma_start3A_97 : memref<632x144xf32, #tpu.memory_space<hbm>>) target_semaphore(%run_scoped3A : memref<!tpu.dma_semaphore, #tpu.memory_space<semaphore_mem>>)
      %dma_wait3A = arith.constant 0 : i32
      %dma_wait3A_100 = tpu.memref_slice %arg9[%arg0, %mul3A_44, %dma_wait3A] : memref<2x10112x144xf32, #tpu.memory_space<hbm>> -> memref<1x632x144xf32, #tpu.memory_space<hbm>>
      %dma_wait3A_101 = tpu.memref_squeeze %dma_wait3A_100 : memref<1x632x144xf32, #tpu.memory_space<hbm>> -> memref<632x144xf32, #tpu.memory_space<hbm>>
      %dma_wait3A_102 = arith.constant 0 : i32
      %dma_wait3A_103 = tpu.memref_slice %arg11[%mul3A_42, %dma_wait3A_102] : memref<10112x144xf32, #tpu.memory_space<vmem_shared>> -> memref<632x144xf32, #tpu.memory_space<vmem_shared>>
      tpu.wait_dma2 semaphore(%run_scoped3A : memref<!tpu.dma_semaphore, #tpu.memory_space<semaphore_mem>>) src(%dma_wait3A_103 : memref<632x144xf32, #tpu.memory_space<vmem_shared>>) dst(%dma_wait3A_101 : memref<632x144xf32, #tpu.memory_space<hbm>>)
      tpu.yield
    }) : () -> ()
    %barrier3A_45 = arith.constant 0 : index
    tpu.barrier barrier_id(%barrier3A_45)
    %mul3A_46 = arith.constant 632 : i32
    %mul3A_47 = arith.muli %arg1, %mul3A_46 : i32
    "tpu.region"() ({
      %run_scoped3A = tpu.sem_alloc : memref<!tpu.dma_semaphore, #tpu.memory_space<semaphore_mem>>
      %dma_start3A_95 = arith.constant 0 : i32
      %dma_start3A_96 = tpu.memref_slice %arg11[%mul3A_47, %dma_start3A_95] : memref<10112x144xf32, #tpu.memory_space<vmem_shared>> -> memref<632x144xf32, #tpu.memory_space<vmem_shared>>
      tpu.enqueue_dma source(%arg8 : memref<632x144xf32, #tpu.memory_space<hbm>>) target(%dma_start3A_96 : memref<632x144xf32, #tpu.memory_space<vmem_shared>>) target_semaphore(%run_scoped3A : memref<!tpu.dma_semaphore, #tpu.memory_space<semaphore_mem>>)
      %dma_wait3A = arith.constant 0 : i32
      %dma_wait3A_97 = tpu.memref_slice %arg11[%mul3A_47, %dma_wait3A] : memref<10112x144xf32, #tpu.memory_space<vmem_shared>> -> memref<632x144xf32, #tpu.memory_space<vmem_shared>>
      tpu.wait_dma2 semaphore(%run_scoped3A : memref<!tpu.dma_semaphore, #tpu.memory_space<semaphore_mem>>) src(%arg8 : memref<632x144xf32, #tpu.memory_space<hbm>>) dst(%dma_wait3A_97 : memref<632x144xf32, #tpu.memory_space<vmem_shared>>)
      tpu.yield
    }) : () -> ()
    %barrier3A_48 = arith.constant 0 : index
    tpu.barrier barrier_id(%barrier3A_48)
    %broadcast_in_dim3A_49 = arith.constant 0 : i32
    %broadcast_in_dim3A_50 = vector.broadcast %broadcast_in_dim3A_49 : i32 to vector<16xi32>
    %broadcast_in_dim3A_51 = arith.constant 1 : i32
    %broadcast_in_dim3A_52 = vector.broadcast %broadcast_in_dim3A_51 : i32 to vector<16xi32>
    %broadcast_in_dim3A_53 = arith.constant 2 : i32
    %broadcast_in_dim3A_54 = vector.broadcast %broadcast_in_dim3A_53 : i32 to vector<16xi32>
    %broadcast_in_dim3A_55 = arith.constant 3 : i32
    %broadcast_in_dim3A_56 = vector.broadcast %broadcast_in_dim3A_55 : i32 to vector<16xi32>
    %broadcast_in_dim3A_57 = arith.constant 4 : i32
    %broadcast_in_dim3A_58 = vector.broadcast %broadcast_in_dim3A_57 : i32 to vector<16xi32>
    %broadcast_in_dim3A_59 = arith.constant 5 : i32
    %broadcast_in_dim3A_60 = vector.broadcast %broadcast_in_dim3A_59 : i32 to vector<16xi32>
    %broadcast_in_dim3A_61 = arith.constant 6 : i32
    %broadcast_in_dim3A_62 = vector.broadcast %broadcast_in_dim3A_61 : i32 to vector<16xi32>
    %broadcast_in_dim3A_63 = arith.constant 7 : i32
    %broadcast_in_dim3A_64 = vector.broadcast %broadcast_in_dim3A_63 : i32 to vector<16xi32>
    %mul3A_65 = arith.constant 106 : i32
    %mul3A_66 = arith.muli %add3A, %mul3A_65 : i32
    %add3A_67 = arith.constant 0 : i32
    %add3A_68 = arith.addi %mul3A_66, %add3A_67 : i32
    "tpu.region"() ({
      %run_scoped3A = tpu.sem_alloc : memref<!tpu.dma_semaphore, #tpu.memory_space<semaphore_mem>>
      %dma_start3A_95 = arith.constant 0 : i32
      %dma_start3A_96 = arith.constant 0 : i32
      %dma_start3A_97 = tpu.memref_slice %arg7[%add3A_68, %dma_start3A_95, %dma_start3A_96] : memref<3392x2x96xi32, #tpu.memory_space<hbm>> -> memref<1x2x96xi32, #tpu.memory_space<hbm>>
      %dma_start3A_98 = tpu.memref_squeeze %dma_start3A_97 : memref<1x2x96xi32, #tpu.memory_space<hbm>> -> memref<2x96xi32, #tpu.memory_space<hbm>>
      %dma_start3A_99 = arith.constant 0 : i32
      %dma_start3A_100 = arith.constant 0 : i32
      %dma_start3A_101 = tpu.memref_slice %arg7[%add3A_68, %dma_start3A_99, %dma_start3A_100] : memref<3392x2x96xi32, #tpu.memory_space<hbm>> -> memref<1x2x96xi32, #tpu.memory_space<hbm>>
      %dma_start3A_102 = tpu.memref_squeeze %dma_start3A_101 : memref<1x2x96xi32, #tpu.memory_space<hbm>> -> memref<2x96xi32, #tpu.memory_space<hbm>>
      tpu.enqueue_dma source(%dma_start3A_102 : memref<2x96xi32, #tpu.memory_space<hbm>>) target(%arg12 : memref<2x96xi32, #tpu.memory_space<vmem>>) target_semaphore(%run_scoped3A : memref<!tpu.dma_semaphore, #tpu.memory_space<semaphore_mem>>)
      %dma_wait3A = arith.constant 0 : i32
      %dma_wait3A_103 = arith.constant 0 : i32
      %dma_wait3A_104 = tpu.memref_slice %arg7[%add3A_68, %dma_wait3A, %dma_wait3A_103] : memref<3392x2x96xi32, #tpu.memory_space<hbm>> -> memref<1x2x96xi32, #tpu.memory_space<hbm>>
      %dma_wait3A_105 = tpu.memref_squeeze %dma_wait3A_104 : memref<1x2x96xi32, #tpu.memory_space<hbm>> -> memref<2x96xi32, #tpu.memory_space<hbm>>
      %dma_wait3A_106 = arith.constant 0 : i32
      %dma_wait3A_107 = arith.constant 0 : i32
      %dma_wait3A_108 = tpu.memref_slice %arg7[%add3A_68, %dma_wait3A_106, %dma_wait3A_107] : memref<3392x2x96xi32, #tpu.memory_space<hbm>> -> memref<1x2x96xi32, #tpu.memory_space<hbm>>
      %dma_wait3A_109 = tpu.memref_squeeze %dma_wait3A_108 : memref<1x2x96xi32, #tpu.memory_space<hbm>> -> memref<2x96xi32, #tpu.memory_space<hbm>>
      tpu.wait_dma2 semaphore(%run_scoped3A : memref<!tpu.dma_semaphore, #tpu.memory_space<semaphore_mem>>) src(%dma_wait3A_109 : memref<2x96xi32, #tpu.memory_space<hbm>>) dst(%arg12 : memref<2x96xi32, #tpu.memory_space<vmem>>)
      tpu.yield
    }) : () -> ()
    %dma_start3A_69 = arith.constant 0 : i32
    %dma_start3A_70 = arith.constant 0 : i32
    %dma_start3A_71 = tpu.memref_slice %arg12[%dma_start3A_69, %dma_start3A_70] : memref<2x96xi32, #tpu.memory_space<vmem>> -> memref<1x96xi32, #tpu.memory_space<vmem>>
    %dma_start3A_72 = tpu.memref_squeeze %dma_start3A_71 : memref<1x96xi32, #tpu.memory_space<vmem>> -> memref<96xi32, #tpu.memory_space<vmem>>
    %dma_start3A_73 = arith.constant 0 : i32
    %dma_start3A_74 = arith.constant 0 : i32
    %dma_start3A_75 = tpu.memref_slice %arg5[%dma_start3A_73, %dma_start3A_74] : memref<10112x144xf32, #tpu.memory_space<hbm>> -> memref<10112x144xf32, #tpu.memory_space<hbm>>
    tpu.enqueue_indirect_dma source(%dma_start3A_75 : memref<10112x144xf32, #tpu.memory_space<hbm>>) target(%arg14 : memref<96x144xf32, #tpu.memory_space<vmem>>) offsets(%dma_start3A_72 : memref<96xi32, #tpu.memory_space<vmem>>) semaphore(%arg18 : memref<!tpu.dma_semaphore, #tpu.memory_space<semaphore_mem>>)
    %dma_start3A_76 = arith.constant 1 : i32
    %dma_start3A_77 = arith.constant 0 : i32
    %dma_start3A_78 = tpu.memref_slice %arg12[%dma_start3A_76, %dma_start3A_77] : memref<2x96xi32, #tpu.memory_space<vmem>> -> memref<1x96xi32, #tpu.memory_space<vmem>>
    %dma_start3A_79 = tpu.memref_squeeze %dma_start3A_78 : memref<1x96xi32, #tpu.memory_space<vmem>> -> memref<96xi32, #tpu.memory_space<vmem>>
    %dma_start3A_80 = arith.constant 0 : i32
    %dma_start3A_81 = arith.constant 0 : i32
    %dma_start3A_82 = tpu.memref_slice %arg6[%dma_start3A_80, %dma_start3A_81] : memref<10112x16xf32, #tpu.memory_space<hbm>> -> memref<10112x16xf32, #tpu.memory_space<hbm>>
    tpu.enqueue_indirect_dma source(%dma_start3A_82 : memref<10112x16xf32, #tpu.memory_space<hbm>>) target(%arg16 : memref<96x16xf32, #tpu.memory_space<vmem>>) offsets(%dma_start3A_79 : memref<96xi32, #tpu.memory_space<vmem>>) semaphore(%arg18 : memref<!tpu.dma_semaphore, #tpu.memory_space<semaphore_mem>>)
    %scan3A_83 = arith.constant 0 : i32
    %scan3A_84 = arith.constant 0 : i32
    %scan3A_85 = arith.constant 53 : i32
    %scan3A_86 = arith.addi %scan3A_84, %scan3A_85 : i32
    %scan3A_87 = arith.constant 1 : i32
    scf.for %scan3A_95 = %scan3A_84 to %scan3A_86 step %scan3A_87  : i32 {
      %mul3A_96 = arith.constant 2 : i32
      %mul3A_97 = arith.muli %mul3A_96, %scan3A_95 : i32
      %add3A_98 = arith.constant 1 : i32
      %add3A_99 = arith.addi %mul3A_97, %add3A_98 : i32
      %mul3A_100 = arith.constant 106 : i32
      %mul3A_101 = arith.muli %add3A, %mul3A_100 : i32
      %add3A_102 = arith.addi %mul3A_101, %add3A_99 : i32
      "tpu.region"() ({
        %run_scoped3A_152 = tpu.sem_alloc : memref<!tpu.dma_semaphore, #tpu.memory_space<semaphore_mem>>
        %dma_start3A_153 = arith.constant 0 : i32
        %dma_start3A_154 = arith.constant 0 : i32
        %dma_start3A_155 = tpu.memref_slice %arg7[%add3A_102, %dma_start3A_153, %dma_start3A_154] : memref<3392x2x96xi32, #tpu.memory_space<hbm>> -> memref<1x2x96xi32, #tpu.memory_space<hbm>>
        %dma_start3A_156 = tpu.memref_squeeze %dma_start3A_155 : memref<1x2x96xi32, #tpu.memory_space<hbm>> -> memref<2x96xi32, #tpu.memory_space<hbm>>
        %dma_start3A_157 = arith.constant 0 : i32
        %dma_start3A_158 = arith.constant 0 : i32
        %dma_start3A_159 = tpu.memref_slice %arg7[%add3A_102, %dma_start3A_157, %dma_start3A_158] : memref<3392x2x96xi32, #tpu.memory_space<hbm>> -> memref<1x2x96xi32, #tpu.memory_space<hbm>>
        %dma_start3A_160 = tpu.memref_squeeze %dma_start3A_159 : memref<1x2x96xi32, #tpu.memory_space<hbm>> -> memref<2x96xi32, #tpu.memory_space<hbm>>
        tpu.enqueue_dma source(%dma_start3A_160 : memref<2x96xi32, #tpu.memory_space<hbm>>) target(%arg13 : memref<2x96xi32, #tpu.memory_space<vmem>>) target_semaphore(%run_scoped3A_152 : memref<!tpu.dma_semaphore, #tpu.memory_space<semaphore_mem>>)
        %dma_wait3A_161 = arith.constant 0 : i32
        %dma_wait3A_162 = arith.constant 0 : i32
        %dma_wait3A_163 = tpu.memref_slice %arg7[%add3A_102, %dma_wait3A_161, %dma_wait3A_162] : memref<3392x2x96xi32, #tpu.memory_space<hbm>> -> memref<1x2x96xi32, #tpu.memory_space<hbm>>
        %dma_wait3A_164 = tpu.memref_squeeze %dma_wait3A_163 : memref<1x2x96xi32, #tpu.memory_space<hbm>> -> memref<2x96xi32, #tpu.memory_space<hbm>>
        %dma_wait3A_165 = arith.constant 0 : i32
        %dma_wait3A_166 = arith.constant 0 : i32
        %dma_wait3A_167 = tpu.memref_slice %arg7[%add3A_102, %dma_wait3A_165, %dma_wait3A_166] : memref<3392x2x96xi32, #tpu.memory_space<hbm>> -> memref<1x2x96xi32, #tpu.memory_space<hbm>>
        %dma_wait3A_168 = tpu.memref_squeeze %dma_wait3A_167 : memref<1x2x96xi32, #tpu.memory_space<hbm>> -> memref<2x96xi32, #tpu.memory_space<hbm>>
        tpu.wait_dma2 semaphore(%run_scoped3A_152 : memref<!tpu.dma_semaphore, #tpu.memory_space<semaphore_mem>>) src(%dma_wait3A_168 : memref<2x96xi32, #tpu.memory_space<hbm>>) dst(%arg13 : memref<2x96xi32, #tpu.memory_space<vmem>>)
        tpu.yield
      }) : () -> ()
      %dma_start3A_103 = arith.constant 0 : i32
      %dma_start3A_104 = arith.constant 0 : i32
      %dma_start3A_105 = tpu.memref_slice %arg13[%dma_start3A_103, %dma_start3A_104] : memref<2x96xi32, #tpu.memory_space<vmem>> -> memref<1x96xi32, #tpu.memory_space<vmem>>
      %dma_start3A_106 = tpu.memref_squeeze %dma_start3A_105 : memref<1x96xi32, #tpu.memory_space<vmem>> -> memref<96xi32, #tpu.memory_space<vmem>>
      %dma_start3A_107 = arith.constant 0 : i32
      %dma_start3A_108 = arith.constant 0 : i32
      %dma_start3A_109 = tpu.memref_slice %arg5[%dma_start3A_107, %dma_start3A_108] : memref<10112x144xf32, #tpu.memory_space<hbm>> -> memref<10112x144xf32, #tpu.memory_space<hbm>>
      tpu.enqueue_indirect_dma source(%dma_start3A_109 : memref<10112x144xf32, #tpu.memory_space<hbm>>) target(%arg15 : memref<96x144xf32, #tpu.memory_space<vmem>>) offsets(%dma_start3A_106 : memref<96xi32, #tpu.memory_space<vmem>>) semaphore(%arg19 : memref<!tpu.dma_semaphore, #tpu.memory_space<semaphore_mem>>)
      %dma_start3A_110 = arith.constant 1 : i32
      %dma_start3A_111 = arith.constant 0 : i32
      %dma_start3A_112 = tpu.memref_slice %arg13[%dma_start3A_110, %dma_start3A_111] : memref<2x96xi32, #tpu.memory_space<vmem>> -> memref<1x96xi32, #tpu.memory_space<vmem>>
      %dma_start3A_113 = tpu.memref_squeeze %dma_start3A_112 : memref<1x96xi32, #tpu.memory_space<vmem>> -> memref<96xi32, #tpu.memory_space<vmem>>
      %dma_start3A_114 = arith.constant 0 : i32
      %dma_start3A_115 = arith.constant 0 : i32
      %dma_start3A_116 = tpu.memref_slice %arg6[%dma_start3A_114, %dma_start3A_115] : memref<10112x16xf32, #tpu.memory_space<hbm>> -> memref<10112x16xf32, #tpu.memory_space<hbm>>
      tpu.enqueue_indirect_dma source(%dma_start3A_116 : memref<10112x16xf32, #tpu.memory_space<hbm>>) target(%arg17 : memref<96x16xf32, #tpu.memory_space<vmem>>) offsets(%dma_start3A_113 : memref<96xi32, #tpu.memory_space<vmem>>) semaphore(%arg19 : memref<!tpu.dma_semaphore, #tpu.memory_space<semaphore_mem>>)
      %dma_wait3A = arith.constant 0 : i32
      %dma_wait3A_117 = arith.constant 0 : i32
      %dma_wait3A_118 = tpu.memref_slice %arg12[%dma_wait3A, %dma_wait3A_117] : memref<2x96xi32, #tpu.memory_space<vmem>> -> memref<1x96xi32, #tpu.memory_space<vmem>>
      %dma_wait3A_119 = tpu.memref_squeeze %dma_wait3A_118 : memref<1x96xi32, #tpu.memory_space<vmem>> -> memref<96xi32, #tpu.memory_space<vmem>>
      %dma_wait3A_120 = arith.constant 0 : i32
      %dma_wait3A_121 = arith.constant 0 : i32
      %dma_wait3A_122 = tpu.memref_slice %arg5[%dma_wait3A_120, %dma_wait3A_121] : memref<10112x144xf32, #tpu.memory_space<hbm>> -> memref<10112x144xf32, #tpu.memory_space<hbm>>
      tpu.wait_indirect_dma semaphore(%arg18 : memref<!tpu.dma_semaphore, #tpu.memory_space<semaphore_mem>>) src(%dma_wait3A_122 : memref<10112x144xf32, #tpu.memory_space<hbm>>) dst(%arg14 : memref<96x144xf32, #tpu.memory_space<vmem>>)
      %dma_wait3A_123 = arith.constant 1 : i32
      %dma_wait3A_124 = arith.constant 0 : i32
      %dma_wait3A_125 = tpu.memref_slice %arg12[%dma_wait3A_123, %dma_wait3A_124] : memref<2x96xi32, #tpu.memory_space<vmem>> -> memref<1x96xi32, #tpu.memory_space<vmem>>
      %dma_wait3A_126 = tpu.memref_squeeze %dma_wait3A_125 : memref<1x96xi32, #tpu.memory_space<vmem>> -> memref<96xi32, #tpu.memory_space<vmem>>
      %dma_wait3A_127 = arith.constant 0 : i32
      %dma_wait3A_128 = arith.constant 0 : i32
      %dma_wait3A_129 = tpu.memref_slice %arg6[%dma_wait3A_127, %dma_wait3A_128] : memref<10112x16xf32, #tpu.memory_space<hbm>> -> memref<10112x16xf32, #tpu.memory_space<hbm>>
      tpu.wait_indirect_dma semaphore(%arg18 : memref<!tpu.dma_semaphore, #tpu.memory_space<semaphore_mem>>) src(%dma_wait3A_129 : memref<10112x16xf32, #tpu.memory_space<hbm>>) dst(%arg16 : memref<96x16xf32, #tpu.memory_space<vmem>>)
      %parallel_loop3A = arith.constant 0 : i32
      %parallel_loop3A_130 = arith.constant 96 : i32
      %parallel_loop3A_131 = arith.constant 1 : i32
      scf.for %parallel_loop3A_152 = %parallel_loop3A to %parallel_loop3A_130 step %parallel_loop3A_131  : i32 {
        %parallel_loop3A_153 = arith.index_cast %parallel_loop3A_152 : i32 to index
        %parallel_loop3A_154 = arith.constant 128 : index
        %parallel_loop3A_155 = tpu.vector_load %arg14[%parallel_loop3A_153, %parallel_loop3A_154] {strides = array<i32>} : memref<96x144xf32, #tpu.memory_space<vmem>>, vector<1x16xf32>,
        %parallel_loop3A_156 = vector.shape_cast %parallel_loop3A_155 : vector<1x16xf32> to vector<16xf32>
        %parallel_loop3A_157 = arith.index_cast %parallel_loop3A_152 : i32 to index
        %parallel_loop3A_158 = arith.constant 0 : index
        %parallel_loop3A_159 = tpu.vector_load %arg16[%parallel_loop3A_157, %parallel_loop3A_158] {strides = array<i32>} : memref<96x16xf32, #tpu.memory_space<vmem>>, vector<1x16xf32>,
        %parallel_loop3A_160 = vector.shape_cast %parallel_loop3A_159 : vector<1x16xf32> to vector<16xf32>
        %parallel_loop3A_161 = arith.index_cast %parallel_loop3A_152 : i32 to index
        %parallel_loop3A_162 = arith.constant 0 : index
        %parallel_loop3A_163 = tpu.vector_load %arg14[%parallel_loop3A_161, %parallel_loop3A_162] {strides = array<i32>} : memref<96x144xf32, #tpu.memory_space<vmem>>, vector<1x16xf32>,
        %parallel_loop3A_164 = vector.shape_cast %parallel_loop3A_163 : vector<1x16xf32> to vector<16xf32>
        %parallel_loop3A_165 = arith.index_cast %parallel_loop3A_152 : i32 to index
        %parallel_loop3A_166 = arith.constant 16 : index
        %parallel_loop3A_167 = tpu.vector_load %arg14[%parallel_loop3A_165, %parallel_loop3A_166] {strides = array<i32>} : memref<96x144xf32, #tpu.memory_space<vmem>>, vector<1x16xf32>,
        %parallel_loop3A_168 = vector.shape_cast %parallel_loop3A_167 : vector<1x16xf32> to vector<16xf32>
        %parallel_loop3A_169 = arith.index_cast %parallel_loop3A_152 : i32 to index
        %parallel_loop3A_170 = arith.constant 32 : index
        %parallel_loop3A_171 = tpu.vector_load %arg14[%parallel_loop3A_169, %parallel_loop3A_170] {strides = array<i32>} : memref<96x144xf32, #tpu.memory_space<vmem>>, vector<1x16xf32>,
        %parallel_loop3A_172 = vector.shape_cast %parallel_loop3A_171 : vector<1x16xf32> to vector<16xf32>
        %parallel_loop3A_173 = arith.index_cast %parallel_loop3A_152 : i32 to index
        %parallel_loop3A_174 = arith.constant 48 : index
        %parallel_loop3A_175 = tpu.vector_load %arg14[%parallel_loop3A_173, %parallel_loop3A_174] {strides = array<i32>} : memref<96x144xf32, #tpu.memory_space<vmem>>, vector<1x16xf32>,
        %parallel_loop3A_176 = vector.shape_cast %parallel_loop3A_175 : vector<1x16xf32> to vector<16xf32>
        %parallel_loop3A_177 = arith.index_cast %parallel_loop3A_152 : i32 to index
        %parallel_loop3A_178 = arith.constant 64 : index
        %parallel_loop3A_179 = tpu.vector_load %arg14[%parallel_loop3A_177, %parallel_loop3A_178] {strides = array<i32>} : memref<96x144xf32, #tpu.memory_space<vmem>>, vector<1x16xf32>,
        %parallel_loop3A_180 = vector.shape_cast %parallel_loop3A_179 : vector<1x16xf32> to vector<16xf32>
        %parallel_loop3A_181 = arith.index_cast %parallel_loop3A_152 : i32 to index
        %parallel_loop3A_182 = arith.constant 80 : index
        %parallel_loop3A_183 = tpu.vector_load %arg14[%parallel_loop3A_181, %parallel_loop3A_182] {strides = array<i32>} : memref<96x144xf32, #tpu.memory_space<vmem>>, vector<1x16xf32>,
        %parallel_loop3A_184 = vector.shape_cast %parallel_loop3A_183 : vector<1x16xf32> to vector<16xf32>
        %parallel_loop3A_185 = arith.index_cast %parallel_loop3A_152 : i32 to index
        %parallel_loop3A_186 = arith.constant 96 : index
        %parallel_loop3A_187 = tpu.vector_load %arg14[%parallel_loop3A_185, %parallel_loop3A_186] {strides = array<i32>} : memref<96x144xf32, #tpu.memory_space<vmem>>, vector<1x16xf32>,
        %parallel_loop3A_188 = vector.shape_cast %parallel_loop3A_187 : vector<1x16xf32> to vector<16xf32>
        %parallel_loop3A_189 = arith.index_cast %parallel_loop3A_152 : i32 to index
        %parallel_loop3A_190 = arith.constant 112 : index
        %parallel_loop3A_191 = tpu.vector_load %arg14[%parallel_loop3A_189, %parallel_loop3A_190] {strides = array<i32>} : memref<96x144xf32, #tpu.memory_space<vmem>>, vector<1x16xf32>,
        %parallel_loop3A_192 = vector.shape_cast %parallel_loop3A_191 : vector<1x16xf32> to vector<16xf32>
        %parallel_loop3A_193 = arith.addf %parallel_loop3A_156, %parallel_loop3A_160 : vector<16xf32>
        %parallel_loop3A_194 = arith.constant 2.000000e-01 : f32
        %parallel_loop3A_195 = vector.broadcast %parallel_loop3A_194 : f32 to vector<16xf32>
        %parallel_loop3A_196 = arith.mulf %parallel_loop3A_195, %parallel_loop3A_193 : vector<16xf32>
        %parallel_loop3A_197 = arith.maximumf %parallel_loop3A_193, %parallel_loop3A_196 : vector<16xf32>
        %parallel_loop3A_198 = math.exp %parallel_loop3A_197 : vector<16xf32>
        %parallel_loop3A_199 = arith.index_cast %parallel_loop3A_152 : i32 to index
        %parallel_loop3A_200 = arith.constant 128 : index
        %parallel_loop3A_201 = tpu.vector_load %arg14[%parallel_loop3A_199, %parallel_loop3A_200] {strides = array<i32>} : memref<96x144xf32, #tpu.memory_space<vmem>>, vector<1x16xf32>,
        %parallel_loop3A_202 = vector.shape_cast %parallel_loop3A_201 : vector<1x16xf32> to vector<16xf32>
        %parallel_loop3A_203 = vector.shape_cast %parallel_loop3A_198 : vector<16xf32> to vector<1x16xf32>
        tpu.vector_store %arg14[%parallel_loop3A_199, %parallel_loop3A_200], %parallel_loop3A_203 {strides = array<i32>} : memref<96x144xf32, #tpu.memory_space<vmem>>, vector<1x16xf32>,
        %parallel_loop3A_204 = arith.constant 0 : i32
        %parallel_loop3A_205 = vector.broadcast %parallel_loop3A_204 : i32 to vector<16xi32>
        %parallel_loop3A_206 = arith.cmpi slt, %broadcast_in_dim3A_50, %parallel_loop3A_205 : vector<16xi32>
        %parallel_loop3A_207 = arith.constant 16 : i32
        %parallel_loop3A_208 = vector.broadcast %parallel_loop3A_207 : i32 to vector<16xi32>
        %parallel_loop3A_209 = arith.addi %broadcast_in_dim3A_50, %parallel_loop3A_208 : vector<16xi32>
        %parallel_loop3A_210 = arith.select %parallel_loop3A_206, %parallel_loop3A_209, %broadcast_in_dim3A_50 : vector<16xi1>, vector<16xi32>
        %parallel_loop3A_211 = vector.shape_cast %parallel_loop3A_210 : vector<16xi32> to vector<16x1xi32>
        %parallel_loop3A_212 = vector.shape_cast %parallel_loop3A_211 : vector<16x1xi32> to vector<16xi32>
        %parallel_loop3A_213 = tpu.dynamic_gather %parallel_loop3A_198[%parallel_loop3A_212] in [0] : vector<16xf32>, vector<16xi32> -> vector<16xf32>
        %parallel_loop3A_214 = arith.mulf %parallel_loop3A_164, %parallel_loop3A_213 : vector<16xf32>
        %parallel_loop3A_215 = arith.index_cast %parallel_loop3A_152 : i32 to index
        %parallel_loop3A_216 = arith.constant 0 : index
        %parallel_loop3A_217 = tpu.vector_load %arg14[%parallel_loop3A_215, %parallel_loop3A_216] {strides = array<i32>} : memref<96x144xf32, #tpu.memory_space<vmem>>, vector<1x16xf32>,
        %parallel_loop3A_218 = vector.shape_cast %parallel_loop3A_217 : vector<1x16xf32> to vector<16xf32>
        %parallel_loop3A_219 = vector.shape_cast %parallel_loop3A_214 : vector<16xf32> to vector<1x16xf32>
        tpu.vector_store %arg14[%parallel_loop3A_215, %parallel_loop3A_216], %parallel_loop3A_219 {strides = array<i32>} : memref<96x144xf32, #tpu.memory_space<vmem>>, vector<1x16xf32>,
        %parallel_loop3A_220 = arith.constant 0 : i32
        %parallel_loop3A_221 = vector.broadcast %parallel_loop3A_220 : i32 to vector<16xi32>
        %parallel_loop3A_222 = arith.cmpi slt, %broadcast_in_dim3A_52, %parallel_loop3A_221 : vector<16xi32>
        %parallel_loop3A_223 = arith.constant 16 : i32
        %parallel_loop3A_224 = vector.broadcast %parallel_loop3A_223 : i32 to vector<16xi32>
        %parallel_loop3A_225 = arith.addi %broadcast_in_dim3A_52, %parallel_loop3A_224 : vector<16xi32>
        %parallel_loop3A_226 = arith.select %parallel_loop3A_222, %parallel_loop3A_225, %broadcast_in_dim3A_52 : vector<16xi1>, vector<16xi32>
        %parallel_loop3A_227 = vector.shape_cast %parallel_loop3A_226 : vector<16xi32> to vector<16x1xi32>
        %parallel_loop3A_228 = vector.shape_cast %parallel_loop3A_227 : vector<16x1xi32> to vector<16xi32>
        %parallel_loop3A_229 = tpu.dynamic_gather %parallel_loop3A_198[%parallel_loop3A_228] in [0] : vector<16xf32>, vector<16xi32> -> vector<16xf32>
        %parallel_loop3A_230 = arith.mulf %parallel_loop3A_168, %parallel_loop3A_229 : vector<16xf32>
        %parallel_loop3A_231 = arith.index_cast %parallel_loop3A_152 : i32 to index
        %parallel_loop3A_232 = arith.constant 16 : index
        %parallel_loop3A_233 = tpu.vector_load %arg14[%parallel_loop3A_231, %parallel_loop3A_232] {strides = array<i32>} : memref<96x144xf32, #tpu.memory_space<vmem>>, vector<1x16xf32>,
        %parallel_loop3A_234 = vector.shape_cast %parallel_loop3A_233 : vector<1x16xf32> to vector<16xf32>
        %parallel_loop3A_235 = vector.shape_cast %parallel_loop3A_230 : vector<16xf32> to vector<1x16xf32>
        tpu.vector_store %arg14[%parallel_loop3A_231, %parallel_loop3A_232], %parallel_loop3A_235 {strides = array<i32>} : memref<96x144xf32, #tpu.memory_space<vmem>>, vector<1x16xf32>,
        %parallel_loop3A_236 = arith.constant 0 : i32
        %parallel_loop3A_237 = vector.broadcast %parallel_loop3A_236 : i32 to vector<16xi32>
        %parallel_loop3A_238 = arith.cmpi slt, %broadcast_in_dim3A_54, %parallel_loop3A_237 : vector<16xi32>
        %parallel_loop3A_239 = arith.constant 16 : i32
        %parallel_loop3A_240 = vector.broadcast %parallel_loop3A_239 : i32 to vector<16xi32>
        %parallel_loop3A_241 = arith.addi %broadcast_in_dim3A_54, %parallel_loop3A_240 : vector<16xi32>
        %parallel_loop3A_242 = arith.select %parallel_loop3A_238, %parallel_loop3A_241, %broadcast_in_dim3A_54 : vector<16xi1>, vector<16xi32>
        %parallel_loop3A_243 = vector.shape_cast %parallel_loop3A_242 : vector<16xi32> to vector<16x1xi32>
        %parallel_loop3A_244 = vector.shape_cast %parallel_loop3A_243 : vector<16x1xi32> to vector<16xi32>
        %parallel_loop3A_245 = tpu.dynamic_gather %parallel_loop3A_198[%parallel_loop3A_244] in [0] : vector<16xf32>, vector<16xi32> -> vector<16xf32>
        %parallel_loop3A_246 = arith.mulf %parallel_loop3A_172, %parallel_loop3A_245 : vector<16xf32>
        %parallel_loop3A_247 = arith.index_cast %parallel_loop3A_152 : i32 to index
        %parallel_loop3A_248 = arith.constant 32 : index
        %parallel_loop3A_249 = tpu.vector_load %arg14[%parallel_loop3A_247, %parallel_loop3A_248] {strides = array<i32>} : memref<96x144xf32, #tpu.memory_space<vmem>>, vector<1x16xf32>,
        %parallel_loop3A_250 = vector.shape_cast %parallel_loop3A_249 : vector<1x16xf32> to vector<16xf32>
        %parallel_loop3A_251 = vector.shape_cast %parallel_loop3A_246 : vector<16xf32> to vector<1x16xf32>
        tpu.vector_store %arg14[%parallel_loop3A_247, %parallel_loop3A_248], %parallel_loop3A_251 {strides = array<i32>} : memref<96x144xf32, #tpu.memory_space<vmem>>, vector<1x16xf32>,
        %parallel_loop3A_252 = arith.constant 0 : i32
        %parallel_loop3A_253 = vector.broadcast %parallel_loop3A_252 : i32 to vector<16xi32>
        %parallel_loop3A_254 = arith.cmpi slt, %broadcast_in_dim3A_56, %parallel_loop3A_253 : vector<16xi32>
        %parallel_loop3A_255 = arith.constant 16 : i32
        %parallel_loop3A_256 = vector.broadcast %parallel_loop3A_255 : i32 to vector<16xi32>
        %parallel_loop3A_257 = arith.addi %broadcast_in_dim3A_56, %parallel_loop3A_256 : vector<16xi32>
        %parallel_loop3A_258 = arith.select %parallel_loop3A_254, %parallel_loop3A_257, %broadcast_in_dim3A_56 : vector<16xi1>, vector<16xi32>
        %parallel_loop3A_259 = vector.shape_cast %parallel_loop3A_258 : vector<16xi32> to vector<16x1xi32>
        %parallel_loop3A_260 = vector.shape_cast %parallel_loop3A_259 : vector<16x1xi32> to vector<16xi32>
        %parallel_loop3A_261 = tpu.dynamic_gather %parallel_loop3A_198[%parallel_loop3A_260] in [0] : vector<16xf32>, vector<16xi32> -> vector<16xf32>
        %parallel_loop3A_262 = arith.mulf %parallel_loop3A_176, %parallel_loop3A_261 : vector<16xf32>
        %parallel_loop3A_263 = arith.index_cast %parallel_loop3A_152 : i32 to index
        %parallel_loop3A_264 = arith.constant 48 : index
        %parallel_loop3A_265 = tpu.vector_load %arg14[%parallel_loop3A_263, %parallel_loop3A_264] {strides = array<i32>} : memref<96x144xf32, #tpu.memory_space<vmem>>, vector<1x16xf32>,
        %parallel_loop3A_266 = vector.shape_cast %parallel_loop3A_265 : vector<1x16xf32> to vector<16xf32>
        %parallel_loop3A_267 = vector.shape_cast %parallel_loop3A_262 : vector<16xf32> to vector<1x16xf32>
        tpu.vector_store %arg14[%parallel_loop3A_263, %parallel_loop3A_264], %parallel_loop3A_267 {strides = array<i32>} : memref<96x144xf32, #tpu.memory_space<vmem>>, vector<1x16xf32>,
        %parallel_loop3A_268 = arith.constant 0 : i32
        %parallel_loop3A_269 = vector.broadcast %parallel_loop3A_268 : i32 to vector<16xi32>
        %parallel_loop3A_270 = arith.cmpi slt, %broadcast_in_dim3A_58, %parallel_loop3A_269 : vector<16xi32>
        %parallel_loop3A_271 = arith.constant 16 : i32
        %parallel_loop3A_272 = vector.broadcast %parallel_loop3A_271 : i32 to vector<16xi32>
        %parallel_loop3A_273 = arith.addi %broadcast_in_dim3A_58, %parallel_loop3A_272 : vector<16xi32>
        %parallel_loop3A_274 = arith.select %parallel_loop3A_270, %parallel_loop3A_273, %broadcast_in_dim3A_58 : vector<16xi1>, vector<16xi32>
        %parallel_loop3A_275 = vector.shape_cast %parallel_loop3A_274 : vector<16xi32> to vector<16x1xi32>
        %parallel_loop3A_276 = vector.shape_cast %parallel_loop3A_275 : vector<16x1xi32> to vector<16xi32>
        %parallel_loop3A_277 = tpu.dynamic_gather %parallel_loop3A_198[%parallel_loop3A_276] in [0] : vector<16xf32>, vector<16xi32> -> vector<16xf32>
        %parallel_loop3A_278 = arith.mulf %parallel_loop3A_180, %parallel_loop3A_277 : vector<16xf32>
        %parallel_loop3A_279 = arith.index_cast %parallel_loop3A_152 : i32 to index
        %parallel_loop3A_280 = arith.constant 64 : index
        %parallel_loop3A_281 = tpu.vector_load %arg14[%parallel_loop3A_279, %parallel_loop3A_280] {strides = array<i32>} : memref<96x144xf32, #tpu.memory_space<vmem>>, vector<1x16xf32>,
        %parallel_loop3A_282 = vector.shape_cast %parallel_loop3A_281 : vector<1x16xf32> to vector<16xf32>
        %parallel_loop3A_283 = vector.shape_cast %parallel_loop3A_278 : vector<16xf32> to vector<1x16xf32>
        tpu.vector_store %arg14[%parallel_loop3A_279, %parallel_loop3A_280], %parallel_loop3A_283 {strides = array<i32>} : memref<96x144xf32, #tpu.memory_space<vmem>>, vector<1x16xf32>,
        %parallel_loop3A_284 = arith.constant 0 : i32
        %parallel_loop3A_285 = vector.broadcast %parallel_loop3A_284 : i32 to vector<16xi32>
        %parallel_loop3A_286 = arith.cmpi slt, %broadcast_in_dim3A_60, %parallel_loop3A_285 : vector<16xi32>
        %parallel_loop3A_287 = arith.constant 16 : i32
        %parallel_loop3A_288 = vector.broadcast %parallel_loop3A_287 : i32 to vector<16xi32>
        %parallel_loop3A_289 = arith.addi %broadcast_in_dim3A_60, %parallel_loop3A_288 : vector<16xi32>
        %parallel_loop3A_290 = arith.select %parallel_loop3A_286, %parallel_loop3A_289, %broadcast_in_dim3A_60 : vector<16xi1>, vector<16xi32>
        %parallel_loop3A_291 = vector.shape_cast %parallel_loop3A_290 : vector<16xi32> to vector<16x1xi32>
        %parallel_loop3A_292 = vector.shape_cast %parallel_loop3A_291 : vector<16x1xi32> to vector<16xi32>
        %parallel_loop3A_293 = tpu.dynamic_gather %parallel_loop3A_198[%parallel_loop3A_292] in [0] : vector<16xf32>, vector<16xi32> -> vector<16xf32>
        %parallel_loop3A_294 = arith.mulf %parallel_loop3A_184, %parallel_loop3A_293 : vector<16xf32>
        %parallel_loop3A_295 = arith.index_cast %parallel_loop3A_152 : i32 to index
        %parallel_loop3A_296 = arith.constant 80 : index
        %parallel_loop3A_297 = tpu.vector_load %arg14[%parallel_loop3A_295, %parallel_loop3A_296] {strides = array<i32>} : memref<96x144xf32, #tpu.memory_space<vmem>>, vector<1x16xf32>,
        %parallel_loop3A_298 = vector.shape_cast %parallel_loop3A_297 : vector<1x16xf32> to vector<16xf32>
        %parallel_loop3A_299 = vector.shape_cast %parallel_loop3A_294 : vector<16xf32> to vector<1x16xf32>
        tpu.vector_store %arg14[%parallel_loop3A_295, %parallel_loop3A_296], %parallel_loop3A_299 {strides = array<i32>} : memref<96x144xf32, #tpu.memory_space<vmem>>, vector<1x16xf32>,
        %parallel_loop3A_300 = arith.constant 0 : i32
        %parallel_loop3A_301 = vector.broadcast %parallel_loop3A_300 : i32 to vector<16xi32>
        %parallel_loop3A_302 = arith.cmpi slt, %broadcast_in_dim3A_62, %parallel_loop3A_301 : vector<16xi32>
        %parallel_loop3A_303 = arith.constant 16 : i32
        %parallel_loop3A_304 = vector.broadcast %parallel_loop3A_303 : i32 to vector<16xi32>
        %parallel_loop3A_305 = arith.addi %broadcast_in_dim3A_62, %parallel_loop3A_304 : vector<16xi32>
        %parallel_loop3A_306 = arith.select %parallel_loop3A_302, %parallel_loop3A_305, %broadcast_in_dim3A_62 : vector<16xi1>, vector<16xi32>
        %parallel_loop3A_307 = vector.shape_cast %parallel_loop3A_306 : vector<16xi32> to vector<16x1xi32>
        %parallel_loop3A_308 = vector.shape_cast %parallel_loop3A_307 : vector<16x1xi32> to vector<16xi32>
        %parallel_loop3A_309 = tpu.dynamic_gather %parallel_loop3A_198[%parallel_loop3A_308] in [0] : vector<16xf32>, vector<16xi32> -> vector<16xf32>
        %parallel_loop3A_310 = arith.mulf %parallel_loop3A_188, %parallel_loop3A_309 : vector<16xf32>
        %parallel_loop3A_311 = arith.index_cast %parallel_loop3A_152 : i32 to index
        %parallel_loop3A_312 = arith.constant 96 : index
        %parallel_loop3A_313 = tpu.vector_load %arg14[%parallel_loop3A_311, %parallel_loop3A_312] {strides = array<i32>} : memref<96x144xf32, #tpu.memory_space<vmem>>, vector<1x16xf32>,
        %parallel_loop3A_314 = vector.shape_cast %parallel_loop3A_313 : vector<1x16xf32> to vector<16xf32>
        %parallel_loop3A_315 = vector.shape_cast %parallel_loop3A_310 : vector<16xf32> to vector<1x16xf32>
        tpu.vector_store %arg14[%parallel_loop3A_311, %parallel_loop3A_312], %parallel_loop3A_315 {strides = array<i32>} : memref<96x144xf32, #tpu.memory_space<vmem>>, vector<1x16xf32>,
        %parallel_loop3A_316 = arith.constant 0 : i32
        %parallel_loop3A_317 = vector.broadcast %parallel_loop3A_316 : i32 to vector<16xi32>
        %parallel_loop3A_318 = arith.cmpi slt, %broadcast_in_dim3A_64, %parallel_loop3A_317 : vector<16xi32>
        %parallel_loop3A_319 = arith.constant 16 : i32
        %parallel_loop3A_320 = vector.broadcast %parallel_loop3A_319 : i32 to vector<16xi32>
        %parallel_loop3A_321 = arith.addi %broadcast_in_dim3A_64, %parallel_loop3A_320 : vector<16xi32>
        %parallel_loop3A_322 = arith.select %parallel_loop3A_318, %parallel_loop3A_321, %broadcast_in_dim3A_64 : vector<16xi1>, vector<16xi32>
        %parallel_loop3A_323 = vector.shape_cast %parallel_loop3A_322 : vector<16xi32> to vector<16x1xi32>
        %parallel_loop3A_324 = vector.shape_cast %parallel_loop3A_323 : vector<16x1xi32> to vector<16xi32>
        %parallel_loop3A_325 = tpu.dynamic_gather %parallel_loop3A_198[%parallel_loop3A_324] in [0] : vector<16xf32>, vector<16xi32> -> vector<16xf32>
        %parallel_loop3A_326 = arith.mulf %parallel_loop3A_192, %parallel_loop3A_325 : vector<16xf32>
        %parallel_loop3A_327 = arith.index_cast %parallel_loop3A_152 : i32 to index
        %parallel_loop3A_328 = arith.constant 112 : index
        %parallel_loop3A_329 = tpu.vector_load %arg14[%parallel_loop3A_327, %parallel_loop3A_328] {strides = array<i32>} : memref<96x144xf32, #tpu.memory_space<vmem>>, vector<1x16xf32>,
        %parallel_loop3A_330 = vector.shape_cast %parallel_loop3A_329 : vector<1x16xf32> to vector<16xf32>
        %parallel_loop3A_331 = vector.shape_cast %parallel_loop3A_326 : vector<16xf32> to vector<1x16xf32>
        tpu.vector_store %arg14[%parallel_loop3A_327, %parallel_loop3A_328], %parallel_loop3A_331 {strides = array<i32>} : memref<96x144xf32, #tpu.memory_space<vmem>>, vector<1x16xf32>,
      } {sc.loop_unroll_factor = 4 : i64, sc.parallel_access}
      %run_scoped3A = arith.constant 1 : i32
      "tpu.region"() ({
        %run_scoped3A_152 = tpu.sem_alloc : memref<!tpu.dma_semaphore, #tpu.memory_space<semaphore_mem>>
        %dma_start3A_153 = arith.constant 0 : i32
        %dma_start3A_154 = tpu.memref_slice %arg12[%run_scoped3A, %dma_start3A_153] : memref<2x96xi32, #tpu.memory_space<vmem>> -> memref<1x96xi32, #tpu.memory_space<vmem>>
        %dma_start3A_155 = tpu.memref_squeeze %dma_start3A_154 : memref<1x96xi32, #tpu.memory_space<vmem>> -> memref<96xi32, #tpu.memory_space<vmem>>
        %dma_start3A_156 = arith.constant 0 : i32
        %dma_start3A_157 = arith.constant 0 : i32
        %dma_start3A_158 = tpu.memref_slice %arg11[%dma_start3A_156, %dma_start3A_157] : memref<10112x144xf32, #tpu.memory_space<vmem_shared>> -> memref<10112x144xf32, #tpu.memory_space<vmem_shared>>
        tpu.enqueue_indirect_dma source(%arg14 : memref<96x144xf32, #tpu.memory_space<vmem>>) target(%dma_start3A_158 : memref<10112x144xf32, #tpu.memory_space<vmem_shared>>) offsets(%dma_start3A_155 : memref<96xi32, #tpu.memory_space<vmem>>) semaphore(%run_scoped3A_152 : memref<!tpu.dma_semaphore, #tpu.memory_space<semaphore_mem>>) {add = true}
        %dma_wait3A_159 = arith.constant 0 : i32
        %dma_wait3A_160 = tpu.memref_slice %arg12[%run_scoped3A, %dma_wait3A_159] : memref<2x96xi32, #tpu.memory_space<vmem>> -> memref<1x96xi32, #tpu.memory_space<vmem>>
        %dma_wait3A_161 = tpu.memref_squeeze %dma_wait3A_160 : memref<1x96xi32, #tpu.memory_space<vmem>> -> memref<96xi32, #tpu.memory_space<vmem>>
        %dma_wait3A_162 = arith.constant 0 : i32
        %dma_wait3A_163 = arith.constant 0 : i32
        %dma_wait3A_164 = tpu.memref_slice %arg11[%dma_wait3A_162, %dma_wait3A_163] : memref<10112x144xf32, #tpu.memory_space<vmem_shared>> -> memref<10112x144xf32, #tpu.memory_space<vmem_shared>>
        tpu.wait_indirect_dma semaphore(%run_scoped3A_152 : memref<!tpu.dma_semaphore, #tpu.memory_space<semaphore_mem>>) src(%arg14 : memref<96x144xf32, #tpu.memory_space<vmem>>) dst(%dma_wait3A_164 : memref<10112x144xf32, #tpu.memory_space<vmem_shared>>)
        tpu.yield
      }) : () -> ()
      %lt3A = arith.constant 52 : i32
      %lt3A_132 = arith.cmpi slt, %scan3A_95, %lt3A : i32
      %convert_element_type3A = arith.extui %lt3A_132 : i1 to i32
      %cond3A = arith.constant 0 : i32
      %cond3A_133 = arith.cmpi ne, %convert_element_type3A, %cond3A : i32
      scf.if %cond3A_133 {
        %add3A_152 = arith.constant 2 : i32
        %add3A_153 = arith.addi %mul3A_97, %add3A_152 : i32
        %mul3A_154 = arith.constant 106 : i32
        %mul3A_155 = arith.muli %add3A, %mul3A_154 : i32
        %add3A_156 = arith.addi %mul3A_155, %add3A_153 : i32
        "tpu.region"() ({
          %run_scoped3A_171 = tpu.sem_alloc : memref<!tpu.dma_semaphore, #tpu.memory_space<semaphore_mem>>
          %dma_start3A_172 = arith.constant 0 : i32
          %dma_start3A_173 = arith.constant 0 : i32
          %dma_start3A_174 = tpu.memref_slice %arg7[%add3A_156, %dma_start3A_172, %dma_start3A_173] : memref<3392x2x96xi32, #tpu.memory_space<hbm>> -> memref<1x2x96xi32, #tpu.memory_space<hbm>>
          %dma_start3A_175 = tpu.memref_squeeze %dma_start3A_174 : memref<1x2x96xi32, #tpu.memory_space<hbm>> -> memref<2x96xi32, #tpu.memory_space<hbm>>
          %dma_start3A_176 = arith.constant 0 : i32
          %dma_start3A_177 = arith.constant 0 : i32
          %dma_start3A_178 = tpu.memref_slice %arg7[%add3A_156, %dma_start3A_176, %dma_start3A_177] : memref<3392x2x96xi32, #tpu.memory_space<hbm>> -> memref<1x2x96xi32, #tpu.memory_space<hbm>>
          %dma_start3A_179 = tpu.memref_squeeze %dma_start3A_178 : memref<1x2x96xi32, #tpu.memory_space<hbm>> -> memref<2x96xi32, #tpu.memory_space<hbm>>
          tpu.enqueue_dma source(%dma_start3A_179 : memref<2x96xi32, #tpu.memory_space<hbm>>) target(%arg12 : memref<2x96xi32, #tpu.memory_space<vmem>>) target_semaphore(%run_scoped3A_171 : memref<!tpu.dma_semaphore, #tpu.memory_space<semaphore_mem>>)
          %dma_wait3A_180 = arith.constant 0 : i32
          %dma_wait3A_181 = arith.constant 0 : i32
          %dma_wait3A_182 = tpu.memref_slice %arg7[%add3A_156, %dma_wait3A_180, %dma_wait3A_181] : memref<3392x2x96xi32, #tpu.memory_space<hbm>> -> memref<1x2x96xi32, #tpu.memory_space<hbm>>
          %dma_wait3A_183 = tpu.memref_squeeze %dma_wait3A_182 : memref<1x2x96xi32, #tpu.memory_space<hbm>> -> memref<2x96xi32, #tpu.memory_space<hbm>>
          %dma_wait3A_184 = arith.constant 0 : i32
          %dma_wait3A_185 = arith.constant 0 : i32
          %dma_wait3A_186 = tpu.memref_slice %arg7[%add3A_156, %dma_wait3A_184, %dma_wait3A_185] : memref<3392x2x96xi32, #tpu.memory_space<hbm>> -> memref<1x2x96xi32, #tpu.memory_space<hbm>>
          %dma_wait3A_187 = tpu.memref_squeeze %dma_wait3A_186 : memref<1x2x96xi32, #tpu.memory_space<hbm>> -> memref<2x96xi32, #tpu.memory_space<hbm>>
          tpu.wait_dma2 semaphore(%run_scoped3A_171 : memref<!tpu.dma_semaphore, #tpu.memory_space<semaphore_mem>>) src(%dma_wait3A_187 : memref<2x96xi32, #tpu.memory_space<hbm>>) dst(%arg12 : memref<2x96xi32, #tpu.memory_space<vmem>>)
          tpu.yield
        }) : () -> ()
        %dma_start3A_157 = arith.constant 0 : i32
        %dma_start3A_158 = arith.constant 0 : i32
        %dma_start3A_159 = tpu.memref_slice %arg12[%dma_start3A_157, %dma_start3A_158] : memref<2x96xi32, #tpu.memory_space<vmem>> -> memref<1x96xi32, #tpu.memory_space<vmem>>
        %dma_start3A_160 = tpu.memref_squeeze %dma_start3A_159 : memref<1x96xi32, #tpu.memory_space<vmem>> -> memref<96xi32, #tpu.memory_space<vmem>>
        %dma_start3A_161 = arith.constant 0 : i32
        %dma_start3A_162 = arith.constant 0 : i32
        %dma_start3A_163 = tpu.memref_slice %arg5[%dma_start3A_161, %dma_start3A_162] : memref<10112x144xf32, #tpu.memory_space<hbm>> -> memref<10112x144xf32, #tpu.memory_space<hbm>>
        tpu.enqueue_indirect_dma source(%dma_start3A_163 : memref<10112x144xf32, #tpu.memory_space<hbm>>) target(%arg14 : memref<96x144xf32, #tpu.memory_space<vmem>>) offsets(%dma_start3A_160 : memref<96xi32, #tpu.memory_space<vmem>>) semaphore(%arg18 : memref<!tpu.dma_semaphore, #tpu.memory_space<semaphore_mem>>)
        %dma_start3A_164 = arith.constant 1 : i32
        %dma_start3A_165 = arith.constant 0 : i32
        %dma_start3A_166 = tpu.memref_slice %arg12[%dma_start3A_164, %dma_start3A_165] : memref<2x96xi32, #tpu.memory_space<vmem>> -> memref<1x96xi32, #tpu.memory_space<vmem>>
        %dma_start3A_167 = tpu.memref_squeeze %dma_start3A_166 : memref<1x96xi32, #tpu.memory_space<vmem>> -> memref<96xi32, #tpu.memory_space<vmem>>
        %dma_start3A_168 = arith.constant 0 : i32
        %dma_start3A_169 = arith.constant 0 : i32
        %dma_start3A_170 = tpu.memref_slice %arg6[%dma_start3A_168, %dma_start3A_169] : memref<10112x16xf32, #tpu.memory_space<hbm>> -> memref<10112x16xf32, #tpu.memory_space<hbm>>
        tpu.enqueue_indirect_dma source(%dma_start3A_170 : memref<10112x16xf32, #tpu.memory_space<hbm>>) target(%arg16 : memref<96x16xf32, #tpu.memory_space<vmem>>) offsets(%dma_start3A_167 : memref<96xi32, #tpu.memory_space<vmem>>) semaphore(%arg18 : memref<!tpu.dma_semaphore, #tpu.memory_space<semaphore_mem>>)
      } else {
      }
      %dma_wait3A_134 = arith.constant 0 : i32
      %dma_wait3A_135 = arith.constant 0 : i32
      %dma_wait3A_136 = tpu.memref_slice %arg13[%dma_wait3A_134, %dma_wait3A_135] : memref<2x96xi32, #tpu.memory_space<vmem>> -> memref<1x96xi32, #tpu.memory_space<vmem>>
      %dma_wait3A_137 = tpu.memref_squeeze %dma_wait3A_136 : memref<1x96xi32, #tpu.memory_space<vmem>> -> memref<96xi32, #tpu.memory_space<vmem>>
      %dma_wait3A_138 = arith.constant 0 : i32
      %dma_wait3A_139 = arith.constant 0 : i32
      %dma_wait3A_140 = tpu.memref_slice %arg5[%dma_wait3A_138, %dma_wait3A_139] : memref<10112x144xf32, #tpu.memory_space<hbm>> -> memref<10112x144xf32, #tpu.memory_space<hbm>>
      tpu.wait_indirect_dma semaphore(%arg19 : memref<!tpu.dma_semaphore, #tpu.memory_space<semaphore_mem>>) src(%dma_wait3A_140 : memref<10112x144xf32, #tpu.memory_space<hbm>>) dst(%arg15 : memref<96x144xf32, #tpu.memory_space<vmem>>)
      %dma_wait3A_141 = arith.constant 1 : i32
      %dma_wait3A_142 = arith.constant 0 : i32
      %dma_wait3A_143 = tpu.memref_slice %arg13[%dma_wait3A_141, %dma_wait3A_142] : memref<2x96xi32, #tpu.memory_space<vmem>> -> memref<1x96xi32, #tpu.memory_space<vmem>>
      %dma_wait3A_144 = tpu.memref_squeeze %dma_wait3A_143 : memref<1x96xi32, #tpu.memory_space<vmem>> -> memref<96xi32, #tpu.memory_space<vmem>>
      %dma_wait3A_145 = arith.constant 0 : i32
      %dma_wait3A_146 = arith.constant 0 : i32
      %dma_wait3A_147 = tpu.memref_slice %arg6[%dma_wait3A_145, %dma_wait3A_146] : memref<10112x16xf32, #tpu.memory_space<hbm>> -> memref<10112x16xf32, #tpu.memory_space<hbm>>
      tpu.wait_indirect_dma semaphore(%arg19 : memref<!tpu.dma_semaphore, #tpu.memory_space<semaphore_mem>>) src(%dma_wait3A_147 : memref<10112x16xf32, #tpu.memory_space<hbm>>) dst(%arg17 : memref<96x16xf32, #tpu.memory_space<vmem>>)
      %parallel_loop3A_148 = arith.constant 0 : i32
      %parallel_loop3A_149 = arith.constant 96 : i32
      %parallel_loop3A_150 = arith.constant 1 : i32
      scf.for %parallel_loop3A_152 = %parallel_loop3A_148 to %parallel_loop3A_149 step %parallel_loop3A_150  : i32 {
        %parallel_loop3A_153 = arith.index_cast %parallel_loop3A_152 : i32 to index
        %parallel_loop3A_154 = arith.constant 128 : index
        %parallel_loop3A_155 = tpu.vector_load %arg15[%parallel_loop3A_153, %parallel_loop3A_154] {strides = array<i32>} : memref<96x144xf32, #tpu.memory_space<vmem>>, vector<1x16xf32>,
        %parallel_loop3A_156 = vector.shape_cast %parallel_loop3A_155 : vector<1x16xf32> to vector<16xf32>
        %parallel_loop3A_157 = arith.index_cast %parallel_loop3A_152 : i32 to index
        %parallel_loop3A_158 = arith.constant 0 : index
        %parallel_loop3A_159 = tpu.vector_load %arg17[%parallel_loop3A_157, %parallel_loop3A_158] {strides = array<i32>} : memref<96x16xf32, #tpu.memory_space<vmem>>, vector<1x16xf32>,
        %parallel_loop3A_160 = vector.shape_cast %parallel_loop3A_159 : vector<1x16xf32> to vector<16xf32>
        %parallel_loop3A_161 = arith.index_cast %parallel_loop3A_152 : i32 to index
        %parallel_loop3A_162 = arith.constant 0 : index
        %parallel_loop3A_163 = tpu.vector_load %arg15[%parallel_loop3A_161, %parallel_loop3A_162] {strides = array<i32>} : memref<96x144xf32, #tpu.memory_space<vmem>>, vector<1x16xf32>,
        %parallel_loop3A_164 = vector.shape_cast %parallel_loop3A_163 : vector<1x16xf32> to vector<16xf32>
        %parallel_loop3A_165 = arith.index_cast %parallel_loop3A_152 : i32 to index
        %parallel_loop3A_166 = arith.constant 16 : index
        %parallel_loop3A_167 = tpu.vector_load %arg15[%parallel_loop3A_165, %parallel_loop3A_166] {strides = array<i32>} : memref<96x144xf32, #tpu.memory_space<vmem>>, vector<1x16xf32>,
        %parallel_loop3A_168 = vector.shape_cast %parallel_loop3A_167 : vector<1x16xf32> to vector<16xf32>
        %parallel_loop3A_169 = arith.index_cast %parallel_loop3A_152 : i32 to index
        %parallel_loop3A_170 = arith.constant 32 : index
        %parallel_loop3A_171 = tpu.vector_load %arg15[%parallel_loop3A_169, %parallel_loop3A_170] {strides = array<i32>} : memref<96x144xf32, #tpu.memory_space<vmem>>, vector<1x16xf32>,
        %parallel_loop3A_172 = vector.shape_cast %parallel_loop3A_171 : vector<1x16xf32> to vector<16xf32>
        %parallel_loop3A_173 = arith.index_cast %parallel_loop3A_152 : i32 to index
        %parallel_loop3A_174 = arith.constant 48 : index
        %parallel_loop3A_175 = tpu.vector_load %arg15[%parallel_loop3A_173, %parallel_loop3A_174] {strides = array<i32>} : memref<96x144xf32, #tpu.memory_space<vmem>>, vector<1x16xf32>,
        %parallel_loop3A_176 = vector.shape_cast %parallel_loop3A_175 : vector<1x16xf32> to vector<16xf32>
        %parallel_loop3A_177 = arith.index_cast %parallel_loop3A_152 : i32 to index
        %parallel_loop3A_178 = arith.constant 64 : index
        %parallel_loop3A_179 = tpu.vector_load %arg15[%parallel_loop3A_177, %parallel_loop3A_178] {strides = array<i32>} : memref<96x144xf32, #tpu.memory_space<vmem>>, vector<1x16xf32>,
        %parallel_loop3A_180 = vector.shape_cast %parallel_loop3A_179 : vector<1x16xf32> to vector<16xf32>
        %parallel_loop3A_181 = arith.index_cast %parallel_loop3A_152 : i32 to index
        %parallel_loop3A_182 = arith.constant 80 : index
        %parallel_loop3A_183 = tpu.vector_load %arg15[%parallel_loop3A_181, %parallel_loop3A_182] {strides = array<i32>} : memref<96x144xf32, #tpu.memory_space<vmem>>, vector<1x16xf32>,
        %parallel_loop3A_184 = vector.shape_cast %parallel_loop3A_183 : vector<1x16xf32> to vector<16xf32>
        %parallel_loop3A_185 = arith.index_cast %parallel_loop3A_152 : i32 to index
        %parallel_loop3A_186 = arith.constant 96 : index
        %parallel_loop3A_187 = tpu.vector_load %arg15[%parallel_loop3A_185, %parallel_loop3A_186] {strides = array<i32>} : memref<96x144xf32, #tpu.memory_space<vmem>>, vector<1x16xf32>,
        %parallel_loop3A_188 = vector.shape_cast %parallel_loop3A_187 : vector<1x16xf32> to vector<16xf32>
        %parallel_loop3A_189 = arith.index_cast %parallel_loop3A_152 : i32 to index
        %parallel_loop3A_190 = arith.constant 112 : index
        %parallel_loop3A_191 = tpu.vector_load %arg15[%parallel_loop3A_189, %parallel_loop3A_190] {strides = array<i32>} : memref<96x144xf32, #tpu.memory_space<vmem>>, vector<1x16xf32>,
        %parallel_loop3A_192 = vector.shape_cast %parallel_loop3A_191 : vector<1x16xf32> to vector<16xf32>
        %parallel_loop3A_193 = arith.addf %parallel_loop3A_156, %parallel_loop3A_160 : vector<16xf32>
        %parallel_loop3A_194 = arith.constant 2.000000e-01 : f32
        %parallel_loop3A_195 = vector.broadcast %parallel_loop3A_194 : f32 to vector<16xf32>
        %parallel_loop3A_196 = arith.mulf %parallel_loop3A_195, %parallel_loop3A_193 : vector<16xf32>
        %parallel_loop3A_197 = arith.maximumf %parallel_loop3A_193, %parallel_loop3A_196 : vector<16xf32>
        %parallel_loop3A_198 = math.exp %parallel_loop3A_197 : vector<16xf32>
        %parallel_loop3A_199 = arith.index_cast %parallel_loop3A_152 : i32 to index
        %parallel_loop3A_200 = arith.constant 128 : index
        %parallel_loop3A_201 = tpu.vector_load %arg15[%parallel_loop3A_199, %parallel_loop3A_200] {strides = array<i32>} : memref<96x144xf32, #tpu.memory_space<vmem>>, vector<1x16xf32>,
        %parallel_loop3A_202 = vector.shape_cast %parallel_loop3A_201 : vector<1x16xf32> to vector<16xf32>
        %parallel_loop3A_203 = vector.shape_cast %parallel_loop3A_198 : vector<16xf32> to vector<1x16xf32>
        tpu.vector_store %arg15[%parallel_loop3A_199, %parallel_loop3A_200], %parallel_loop3A_203 {strides = array<i32>} : memref<96x144xf32, #tpu.memory_space<vmem>>, vector<1x16xf32>,
        %parallel_loop3A_204 = arith.constant 0 : i32
        %parallel_loop3A_205 = vector.broadcast %parallel_loop3A_204 : i32 to vector<16xi32>
        %parallel_loop3A_206 = arith.cmpi slt, %broadcast_in_dim3A_50, %parallel_loop3A_205 : vector<16xi32>
        %parallel_loop3A_207 = arith.constant 16 : i32
        %parallel_loop3A_208 = vector.broadcast %parallel_loop3A_207 : i32 to vector<16xi32>
        %parallel_loop3A_209 = arith.addi %broadcast_in_dim3A_50, %parallel_loop3A_208 : vector<16xi32>
        %parallel_loop3A_210 = arith.select %parallel_loop3A_206, %parallel_loop3A_209, %broadcast_in_dim3A_50 : vector<16xi1>, vector<16xi32>
        %parallel_loop3A_211 = vector.shape_cast %parallel_loop3A_210 : vector<16xi32> to vector<16x1xi32>
        %parallel_loop3A_212 = vector.shape_cast %parallel_loop3A_211 : vector<16x1xi32> to vector<16xi32>
        %parallel_loop3A_213 = tpu.dynamic_gather %parallel_loop3A_198[%parallel_loop3A_212] in [0] : vector<16xf32>, vector<16xi32> -> vector<16xf32>
        %parallel_loop3A_214 = arith.mulf %parallel_loop3A_164, %parallel_loop3A_213 : vector<16xf32>
        %parallel_loop3A_215 = arith.index_cast %parallel_loop3A_152 : i32 to index
        %parallel_loop3A_216 = arith.constant 0 : index
        %parallel_loop3A_217 = tpu.vector_load %arg15[%parallel_loop3A_215, %parallel_loop3A_216] {strides = array<i32>} : memref<96x144xf32, #tpu.memory_space<vmem>>, vector<1x16xf32>,
        %parallel_loop3A_218 = vector.shape_cast %parallel_loop3A_217 : vector<1x16xf32> to vector<16xf32>
        %parallel_loop3A_219 = vector.shape_cast %parallel_loop3A_214 : vector<16xf32> to vector<1x16xf32>
        tpu.vector_store %arg15[%parallel_loop3A_215, %parallel_loop3A_216], %parallel_loop3A_219 {strides = array<i32>} : memref<96x144xf32, #tpu.memory_space<vmem>>, vector<1x16xf32>,
        %parallel_loop3A_220 = arith.constant 0 : i32
        %parallel_loop3A_221 = vector.broadcast %parallel_loop3A_220 : i32 to vector<16xi32>
        %parallel_loop3A_222 = arith.cmpi slt, %broadcast_in_dim3A_52, %parallel_loop3A_221 : vector<16xi32>
        %parallel_loop3A_223 = arith.constant 16 : i32
        %parallel_loop3A_224 = vector.broadcast %parallel_loop3A_223 : i32 to vector<16xi32>
        %parallel_loop3A_225 = arith.addi %broadcast_in_dim3A_52, %parallel_loop3A_224 : vector<16xi32>
        %parallel_loop3A_226 = arith.select %parallel_loop3A_222, %parallel_loop3A_225, %broadcast_in_dim3A_52 : vector<16xi1>, vector<16xi32>
        %parallel_loop3A_227 = vector.shape_cast %parallel_loop3A_226 : vector<16xi32> to vector<16x1xi32>
        %parallel_loop3A_228 = vector.shape_cast %parallel_loop3A_227 : vector<16x1xi32> to vector<16xi32>
        %parallel_loop3A_229 = tpu.dynamic_gather %parallel_loop3A_198[%parallel_loop3A_228] in [0] : vector<16xf32>, vector<16xi32> -> vector<16xf32>
        %parallel_loop3A_230 = arith.mulf %parallel_loop3A_168, %parallel_loop3A_229 : vector<16xf32>
        %parallel_loop3A_231 = arith.index_cast %parallel_loop3A_152 : i32 to index
        %parallel_loop3A_232 = arith.constant 16 : index
        %parallel_loop3A_233 = tpu.vector_load %arg15[%parallel_loop3A_231, %parallel_loop3A_232] {strides = array<i32>} : memref<96x144xf32, #tpu.memory_space<vmem>>, vector<1x16xf32>,
        %parallel_loop3A_234 = vector.shape_cast %parallel_loop3A_233 : vector<1x16xf32> to vector<16xf32>
        %parallel_loop3A_235 = vector.shape_cast %parallel_loop3A_230 : vector<16xf32> to vector<1x16xf32>
        tpu.vector_store %arg15[%parallel_loop3A_231, %parallel_loop3A_232], %parallel_loop3A_235 {strides = array<i32>} : memref<96x144xf32, #tpu.memory_space<vmem>>, vector<1x16xf32>,
        %parallel_loop3A_236 = arith.constant 0 : i32
        %parallel_loop3A_237 = vector.broadcast %parallel_loop3A_236 : i32 to vector<16xi32>
        %parallel_loop3A_238 = arith.cmpi slt, %broadcast_in_dim3A_54, %parallel_loop3A_237 : vector<16xi32>
        %parallel_loop3A_239 = arith.constant 16 : i32
        %parallel_loop3A_240 = vector.broadcast %parallel_loop3A_239 : i32 to vector<16xi32>
        %parallel_loop3A_241 = arith.addi %broadcast_in_dim3A_54, %parallel_loop3A_240 : vector<16xi32>
        %parallel_loop3A_242 = arith.select %parallel_loop3A_238, %parallel_loop3A_241, %broadcast_in_dim3A_54 : vector<16xi1>, vector<16xi32>
        %parallel_loop3A_243 = vector.shape_cast %parallel_loop3A_242 : vector<16xi32> to vector<16x1xi32>
        %parallel_loop3A_244 = vector.shape_cast %parallel_loop3A_243 : vector<16x1xi32> to vector<16xi32>
        %parallel_loop3A_245 = tpu.dynamic_gather %parallel_loop3A_198[%parallel_loop3A_244] in [0] : vector<16xf32>, vector<16xi32> -> vector<16xf32>
        %parallel_loop3A_246 = arith.mulf %parallel_loop3A_172, %parallel_loop3A_245 : vector<16xf32>
        %parallel_loop3A_247 = arith.index_cast %parallel_loop3A_152 : i32 to index
        %parallel_loop3A_248 = arith.constant 32 : index
        %parallel_loop3A_249 = tpu.vector_load %arg15[%parallel_loop3A_247, %parallel_loop3A_248] {strides = array<i32>} : memref<96x144xf32, #tpu.memory_space<vmem>>, vector<1x16xf32>,
        %parallel_loop3A_250 = vector.shape_cast %parallel_loop3A_249 : vector<1x16xf32> to vector<16xf32>
        %parallel_loop3A_251 = vector.shape_cast %parallel_loop3A_246 : vector<16xf32> to vector<1x16xf32>
        tpu.vector_store %arg15[%parallel_loop3A_247, %parallel_loop3A_248], %parallel_loop3A_251 {strides = array<i32>} : memref<96x144xf32, #tpu.memory_space<vmem>>, vector<1x16xf32>,
        %parallel_loop3A_252 = arith.constant 0 : i32
        %parallel_loop3A_253 = vector.broadcast %parallel_loop3A_252 : i32 to vector<16xi32>
        %parallel_loop3A_254 = arith.cmpi slt, %broadcast_in_dim3A_56, %parallel_loop3A_253 : vector<16xi32>
        %parallel_loop3A_255 = arith.constant 16 : i32
        %parallel_loop3A_256 = vector.broadcast %parallel_loop3A_255 : i32 to vector<16xi32>
        %parallel_loop3A_257 = arith.addi %broadcast_in_dim3A_56, %parallel_loop3A_256 : vector<16xi32>
        %parallel_loop3A_258 = arith.select %parallel_loop3A_254, %parallel_loop3A_257, %broadcast_in_dim3A_56 : vector<16xi1>, vector<16xi32>
        %parallel_loop3A_259 = vector.shape_cast %parallel_loop3A_258 : vector<16xi32> to vector<16x1xi32>
        %parallel_loop3A_260 = vector.shape_cast %parallel_loop3A_259 : vector<16x1xi32> to vector<16xi32>
        %parallel_loop3A_261 = tpu.dynamic_gather %parallel_loop3A_198[%parallel_loop3A_260] in [0] : vector<16xf32>, vector<16xi32> -> vector<16xf32>
        %parallel_loop3A_262 = arith.mulf %parallel_loop3A_176, %parallel_loop3A_261 : vector<16xf32>
        %parallel_loop3A_263 = arith.index_cast %parallel_loop3A_152 : i32 to index
        %parallel_loop3A_264 = arith.constant 48 : index
        %parallel_loop3A_265 = tpu.vector_load %arg15[%parallel_loop3A_263, %parallel_loop3A_264] {strides = array<i32>} : memref<96x144xf32, #tpu.memory_space<vmem>>, vector<1x16xf32>,
        %parallel_loop3A_266 = vector.shape_cast %parallel_loop3A_265 : vector<1x16xf32> to vector<16xf32>
        %parallel_loop3A_267 = vector.shape_cast %parallel_loop3A_262 : vector<16xf32> to vector<1x16xf32>
        tpu.vector_store %arg15[%parallel_loop3A_263, %parallel_loop3A_264], %parallel_loop3A_267 {strides = array<i32>} : memref<96x144xf32, #tpu.memory_space<vmem>>, vector<1x16xf32>,
        %parallel_loop3A_268 = arith.constant 0 : i32
        %parallel_loop3A_269 = vector.broadcast %parallel_loop3A_268 : i32 to vector<16xi32>
        %parallel_loop3A_270 = arith.cmpi slt, %broadcast_in_dim3A_58, %parallel_loop3A_269 : vector<16xi32>
        %parallel_loop3A_271 = arith.constant 16 : i32
        %parallel_loop3A_272 = vector.broadcast %parallel_loop3A_271 : i32 to vector<16xi32>
        %parallel_loop3A_273 = arith.addi %broadcast_in_dim3A_58, %parallel_loop3A_272 : vector<16xi32>
        %parallel_loop3A_274 = arith.select %parallel_loop3A_270, %parallel_loop3A_273, %broadcast_in_dim3A_58 : vector<16xi1>, vector<16xi32>
        %parallel_loop3A_275 = vector.shape_cast %parallel_loop3A_274 : vector<16xi32> to vector<16x1xi32>
        %parallel_loop3A_276 = vector.shape_cast %parallel_loop3A_275 : vector<16x1xi32> to vector<16xi32>
        %parallel_loop3A_277 = tpu.dynamic_gather %parallel_loop3A_198[%parallel_loop3A_276] in [0] : vector<16xf32>, vector<16xi32> -> vector<16xf32>
        %parallel_loop3A_278 = arith.mulf %parallel_loop3A_180, %parallel_loop3A_277 : vector<16xf32>
        %parallel_loop3A_279 = arith.index_cast %parallel_loop3A_152 : i32 to index
        %parallel_loop3A_280 = arith.constant 64 : index
        %parallel_loop3A_281 = tpu.vector_load %arg15[%parallel_loop3A_279, %parallel_loop3A_280] {strides = array<i32>} : memref<96x144xf32, #tpu.memory_space<vmem>>, vector<1x16xf32>,
        %parallel_loop3A_282 = vector.shape_cast %parallel_loop3A_281 : vector<1x16xf32> to vector<16xf32>
        %parallel_loop3A_283 = vector.shape_cast %parallel_loop3A_278 : vector<16xf32> to vector<1x16xf32>
        tpu.vector_store %arg15[%parallel_loop3A_279, %parallel_loop3A_280], %parallel_loop3A_283 {strides = array<i32>} : memref<96x144xf32, #tpu.memory_space<vmem>>, vector<1x16xf32>,
        %parallel_loop3A_284 = arith.constant 0 : i32
        %parallel_loop3A_285 = vector.broadcast %parallel_loop3A_284 : i32 to vector<16xi32>
        %parallel_loop3A_286 = arith.cmpi slt, %broadcast_in_dim3A_60, %parallel_loop3A_285 : vector<16xi32>
        %parallel_loop3A_287 = arith.constant 16 : i32
        %parallel_loop3A_288 = vector.broadcast %parallel_loop3A_287 : i32 to vector<16xi32>
        %parallel_loop3A_289 = arith.addi %broadcast_in_dim3A_60, %parallel_loop3A_288 : vector<16xi32>
        %parallel_loop3A_290 = arith.select %parallel_loop3A_286, %parallel_loop3A_289, %broadcast_in_dim3A_60 : vector<16xi1>, vector<16xi32>
        %parallel_loop3A_291 = vector.shape_cast %parallel_loop3A_290 : vector<16xi32> to vector<16x1xi32>
        %parallel_loop3A_292 = vector.shape_cast %parallel_loop3A_291 : vector<16x1xi32> to vector<16xi32>
        %parallel_loop3A_293 = tpu.dynamic_gather %parallel_loop3A_198[%parallel_loop3A_292] in [0] : vector<16xf32>, vector<16xi32> -> vector<16xf32>
        %parallel_loop3A_294 = arith.mulf %parallel_loop3A_184, %parallel_loop3A_293 : vector<16xf32>
        %parallel_loop3A_295 = arith.index_cast %parallel_loop3A_152 : i32 to index
        %parallel_loop3A_296 = arith.constant 80 : index
        %parallel_loop3A_297 = tpu.vector_load %arg15[%parallel_loop3A_295, %parallel_loop3A_296] {strides = array<i32>} : memref<96x144xf32, #tpu.memory_space<vmem>>, vector<1x16xf32>,
        %parallel_loop3A_298 = vector.shape_cast %parallel_loop3A_297 : vector<1x16xf32> to vector<16xf32>
        %parallel_loop3A_299 = vector.shape_cast %parallel_loop3A_294 : vector<16xf32> to vector<1x16xf32>
        tpu.vector_store %arg15[%parallel_loop3A_295, %parallel_loop3A_296], %parallel_loop3A_299 {strides = array<i32>} : memref<96x144xf32, #tpu.memory_space<vmem>>, vector<1x16xf32>,
        %parallel_loop3A_300 = arith.constant 0 : i32
        %parallel_loop3A_301 = vector.broadcast %parallel_loop3A_300 : i32 to vector<16xi32>
        %parallel_loop3A_302 = arith.cmpi slt, %broadcast_in_dim3A_62, %parallel_loop3A_301 : vector<16xi32>
        %parallel_loop3A_303 = arith.constant 16 : i32
        %parallel_loop3A_304 = vector.broadcast %parallel_loop3A_303 : i32 to vector<16xi32>
        %parallel_loop3A_305 = arith.addi %broadcast_in_dim3A_62, %parallel_loop3A_304 : vector<16xi32>
        %parallel_loop3A_306 = arith.select %parallel_loop3A_302, %parallel_loop3A_305, %broadcast_in_dim3A_62 : vector<16xi1>, vector<16xi32>
        %parallel_loop3A_307 = vector.shape_cast %parallel_loop3A_306 : vector<16xi32> to vector<16x1xi32>
        %parallel_loop3A_308 = vector.shape_cast %parallel_loop3A_307 : vector<16x1xi32> to vector<16xi32>
        %parallel_loop3A_309 = tpu.dynamic_gather %parallel_loop3A_198[%parallel_loop3A_308] in [0] : vector<16xf32>, vector<16xi32> -> vector<16xf32>
        %parallel_loop3A_310 = arith.mulf %parallel_loop3A_188, %parallel_loop3A_309 : vector<16xf32>
        %parallel_loop3A_311 = arith.index_cast %parallel_loop3A_152 : i32 to index
        %parallel_loop3A_312 = arith.constant 96 : index
        %parallel_loop3A_313 = tpu.vector_load %arg15[%parallel_loop3A_311, %parallel_loop3A_312] {strides = array<i32>} : memref<96x144xf32, #tpu.memory_space<vmem>>, vector<1x16xf32>,
        %parallel_loop3A_314 = vector.shape_cast %parallel_loop3A_313 : vector<1x16xf32> to vector<16xf32>
        %parallel_loop3A_315 = vector.shape_cast %parallel_loop3A_310 : vector<16xf32> to vector<1x16xf32>
        tpu.vector_store %arg15[%parallel_loop3A_311, %parallel_loop3A_312], %parallel_loop3A_315 {strides = array<i32>} : memref<96x144xf32, #tpu.memory_space<vmem>>, vector<1x16xf32>,
        %parallel_loop3A_316 = arith.constant 0 : i32
        %parallel_loop3A_317 = vector.broadcast %parallel_loop3A_316 : i32 to vector<16xi32>
        %parallel_loop3A_318 = arith.cmpi slt, %broadcast_in_dim3A_64, %parallel_loop3A_317 : vector<16xi32>
        %parallel_loop3A_319 = arith.constant 16 : i32
        %parallel_loop3A_320 = vector.broadcast %parallel_loop3A_319 : i32 to vector<16xi32>
        %parallel_loop3A_321 = arith.addi %broadcast_in_dim3A_64, %parallel_loop3A_320 : vector<16xi32>
        %parallel_loop3A_322 = arith.select %parallel_loop3A_318, %parallel_loop3A_321, %broadcast_in_dim3A_64 : vector<16xi1>, vector<16xi32>
        %parallel_loop3A_323 = vector.shape_cast %parallel_loop3A_322 : vector<16xi32> to vector<16x1xi32>
        %parallel_loop3A_324 = vector.shape_cast %parallel_loop3A_323 : vector<16x1xi32> to vector<16xi32>
        %parallel_loop3A_325 = tpu.dynamic_gather %parallel_loop3A_198[%parallel_loop3A_324] in [0] : vector<16xf32>, vector<16xi32> -> vector<16xf32>
        %parallel_loop3A_326 = arith.mulf %parallel_loop3A_192, %parallel_loop3A_325 : vector<16xf32>
        %parallel_loop3A_327 = arith.index_cast %parallel_loop3A_152 : i32 to index
        %parallel_loop3A_328 = arith.constant 112 : index
        %parallel_loop3A_329 = tpu.vector_load %arg15[%parallel_loop3A_327, %parallel_loop3A_328] {strides = array<i32>} : memref<96x144xf32, #tpu.memory_space<vmem>>, vector<1x16xf32>,
        %parallel_loop3A_330 = vector.shape_cast %parallel_loop3A_329 : vector<1x16xf32> to vector<16xf32>
        %parallel_loop3A_331 = vector.shape_cast %parallel_loop3A_326 : vector<16xf32> to vector<1x16xf32>
        tpu.vector_store %arg15[%parallel_loop3A_327, %parallel_loop3A_328], %parallel_loop3A_331 {strides = array<i32>} : memref<96x144xf32, #tpu.memory_space<vmem>>, vector<1x16xf32>,
      } {sc.loop_unroll_factor = 4 : i64, sc.parallel_access}
      %run_scoped3A_151 = arith.constant 1 : i32
      "tpu.region"() ({
        %run_scoped3A_152 = tpu.sem_alloc : memref<!tpu.dma_semaphore, #tpu.memory_space<semaphore_mem>>
        %dma_start3A_153 = arith.constant 0 : i32
        %dma_start3A_154 = tpu.memref_slice %arg13[%run_scoped3A_151, %dma_start3A_153] : memref<2x96xi32, #tpu.memory_space<vmem>> -> memref<1x96xi32, #tpu.memory_space<vmem>>
        %dma_start3A_155 = tpu.memref_squeeze %dma_start3A_154 : memref<1x96xi32, #tpu.memory_space<vmem>> -> memref<96xi32, #tpu.memory_space<vmem>>
        %dma_start3A_156 = arith.constant 0 : i32
        %dma_start3A_157 = arith.constant 0 : i32
        %dma_start3A_158 = tpu.memref_slice %arg11[%dma_start3A_156, %dma_start3A_157] : memref<10112x144xf32, #tpu.memory_space<vmem_shared>> -> memref<10112x144xf32, #tpu.memory_space<vmem_shared>>
        tpu.enqueue_indirect_dma source(%arg15 : memref<96x144xf32, #tpu.memory_space<vmem>>) target(%dma_start3A_158 : memref<10112x144xf32, #tpu.memory_space<vmem_shared>>) offsets(%dma_start3A_155 : memref<96xi32, #tpu.memory_space<vmem>>) semaphore(%run_scoped3A_152 : memref<!tpu.dma_semaphore, #tpu.memory_space<semaphore_mem>>) {add = true}
        %dma_wait3A_159 = arith.constant 0 : i32
        %dma_wait3A_160 = tpu.memref_slice %arg13[%run_scoped3A_151, %dma_wait3A_159] : memref<2x96xi32, #tpu.memory_space<vmem>> -> memref<1x96xi32, #tpu.memory_space<vmem>>
        %dma_wait3A_161 = tpu.memref_squeeze %dma_wait3A_160 : memref<1x96xi32, #tpu.memory_space<vmem>> -> memref<96xi32, #tpu.memory_space<vmem>>
        %dma_wait3A_162 = arith.constant 0 : i32
        %dma_wait3A_163 = arith.constant 0 : i32
        %dma_wait3A_164 = tpu.memref_slice %arg11[%dma_wait3A_162, %dma_wait3A_163] : memref<10112x144xf32, #tpu.memory_space<vmem_shared>> -> memref<10112x144xf32, #tpu.memory_space<vmem_shared>>
        tpu.wait_indirect_dma semaphore(%run_scoped3A_152 : memref<!tpu.dma_semaphore, #tpu.memory_space<semaphore_mem>>) src(%arg15 : memref<96x144xf32, #tpu.memory_space<vmem>>) dst(%dma_wait3A_164 : memref<10112x144xf32, #tpu.memory_space<vmem_shared>>)
        tpu.yield
      }) : () -> ()
    }
    %scan3A_88 = arith.constant 53 : i32
    %barrier3A_89 = arith.constant 0 : index
    tpu.barrier barrier_id(%barrier3A_89)
    %mul3A_90 = arith.constant 632 : i32
    %mul3A_91 = arith.muli %arg1, %mul3A_90 : i32
    %mul3A_92 = arith.constant 632 : i32
    %mul3A_93 = arith.muli %arg1, %mul3A_92 : i32
    "tpu.region"() ({
      %run_scoped3A = tpu.sem_alloc : memref<!tpu.dma_semaphore, #tpu.memory_space<semaphore_mem>>
      %dma_start3A_95 = arith.constant 0 : i32
      %dma_start3A_96 = tpu.memref_slice %arg10[%arg0, %mul3A_93, %dma_start3A_95] : memref<2x10112x144xf32, #tpu.memory_space<hbm>> -> memref<1x632x144xf32, #tpu.memory_space<hbm>>
      %dma_start3A_97 = tpu.memref_squeeze %dma_start3A_96 : memref<1x632x144xf32, #tpu.memory_space<hbm>> -> memref<632x144xf32, #tpu.memory_space<hbm>>
      %dma_start3A_98 = arith.constant 0 : i32
      %dma_start3A_99 = tpu.memref_slice %arg11[%mul3A_91, %dma_start3A_98] : memref<10112x144xf32, #tpu.memory_space<vmem_shared>> -> memref<632x144xf32, #tpu.memory_space<vmem_shared>>
      tpu.enqueue_dma source(%dma_start3A_99 : memref<632x144xf32, #tpu.memory_space<vmem_shared>>) target(%dma_start3A_97 : memref<632x144xf32, #tpu.memory_space<hbm>>) target_semaphore(%run_scoped3A : memref<!tpu.dma_semaphore, #tpu.memory_space<semaphore_mem>>)
      %dma_wait3A = arith.constant 0 : i32
      %dma_wait3A_100 = tpu.memref_slice %arg10[%arg0, %mul3A_93, %dma_wait3A] : memref<2x10112x144xf32, #tpu.memory_space<hbm>> -> memref<1x632x144xf32, #tpu.memory_space<hbm>>
      %dma_wait3A_101 = tpu.memref_squeeze %dma_wait3A_100 : memref<1x632x144xf32, #tpu.memory_space<hbm>> -> memref<632x144xf32, #tpu.memory_space<hbm>>
      %dma_wait3A_102 = arith.constant 0 : i32
      %dma_wait3A_103 = tpu.memref_slice %arg11[%mul3A_91, %dma_wait3A_102] : memref<10112x144xf32, #tpu.memory_space<vmem_shared>> -> memref<632x144xf32, #tpu.memory_space<vmem_shared>>
      tpu.wait_dma2 semaphore(%run_scoped3A : memref<!tpu.dma_semaphore, #tpu.memory_space<semaphore_mem>>) src(%dma_wait3A_103 : memref<632x144xf32, #tpu.memory_space<vmem_shared>>) dst(%dma_wait3A_101 : memref<632x144xf32, #tpu.memory_space<hbm>>)
      tpu.yield
    }) : () -> ()
    %barrier3A_94 = arith.constant 0 : index
    tpu.barrier barrier_id(%barrier3A_94)
    return
  }
}

module attributes {stable_mosaic.version = 14 : i64} {
  func.func @_pre_body(%arg0: memref<10000x128xf32, #tpu.memory_space<vmem>>, %arg1: memref<128x128xf32, #tpu.memory_space<vmem>>, %arg2: memref<1x128xf32, #tpu.memory_space<vmem>>, %arg3: memref<1x128xf32, #tpu.memory_space<vmem>>, %arg4: memref<128x128xf32, #tpu.memory_space<vmem>>, %arg5: memref<1x128xf32, #tpu.memory_space<vmem>>, %arg6: memref<1x128xf32, #tpu.memory_space<vmem>>, %arg7: memref<10112x144xf32, #tpu.memory_space<vmem>>, %arg8: memref<10112x16xf32, #tpu.memory_space<vmem>>, %arg9: memref<10112x144xf32, #tpu.memory_space<vmem>>, %arg10: memref<10112x16xf32, #tpu.memory_space<vmem>>) attributes {dimension_semantics = [], scalar_prefetch = 0 : i64, scratch_operands = 0 : i64, tpu.core_type = #tpu.core_type<tc>} {
    %iota3A = tpu.iota {dimensions = array<i32: 0>} : vector<128x16xi32>
    %jit3A = arith.constant 16 : i32
    %div3A = vector.broadcast %jit3A : i32 to vector<128x16xi32>
    %div3A_0 = arith.divsi %iota3A, %div3A : vector<128x16xi32>
    %sign3A = arith.constant 0 : i32
    %sign3A_1 = vector.broadcast %sign3A : i32 to vector<128x16xi32>
    %sign3A_2 = arith.cmpi sgt, %iota3A, %sign3A_1 : vector<128x16xi32>
    %sign3A_3 = arith.extui %sign3A_2 : vector<128x16xi1> to vector<128x16xi32>
    %sign3A_4 = arith.constant 0 : i32
    %sign3A_5 = vector.broadcast %sign3A_4 : i32 to vector<128x16xi32>
    %sign3A_6 = arith.cmpi slt, %iota3A, %sign3A_5 : vector<128x16xi32>
    %sign3A_7 = arith.extui %sign3A_6 : vector<128x16xi1> to vector<128x16xi32>
    %sign3A_8 = arith.subi %sign3A_3, %sign3A_7 : vector<128x16xi32>
    %sign3A_9 = arith.constant 0 : i32
    %sign3A_10 = arith.cmpi sgt, %jit3A, %sign3A_9 : i32
    %sign3A_11 = arith.extui %sign3A_10 : i1 to i32
    %sign3A_12 = arith.constant 0 : i32
    %sign3A_13 = arith.cmpi slt, %jit3A, %sign3A_12 : i32
    %sign3A_14 = arith.extui %sign3A_13 : i1 to i32
    %sign3A_15 = arith.subi %sign3A_11, %sign3A_14 : i32
    %ne3A = vector.broadcast %sign3A_15 : i32 to vector<128x16xi32>
    %ne3A_16 = arith.cmpi ne, %sign3A_8, %ne3A : vector<128x16xi32>
    %rem3A = vector.broadcast %jit3A : i32 to vector<128x16xi32>
    %rem3A_17 = arith.remsi %iota3A, %rem3A : vector<128x16xi32>
    %ne3A_18 = arith.constant 0 : i32
    %ne3A_19 = vector.broadcast %ne3A_18 : i32 to vector<128x16xi32>
    %ne3A_20 = arith.cmpi ne, %rem3A_17, %ne3A_19 : vector<128x16xi32>
    %and3A = arith.andi %ne3A_16, %ne3A_20 : vector<128x16xi1>
    %sub3A = arith.constant 1 : i32
    %sub3A_21 = vector.broadcast %sub3A : i32 to vector<128x16xi32>
    %sub3A_22 = arith.subi %div3A_0, %sub3A_21 : vector<128x16xi32>
    %select_n3A = arith.select %and3A, %sub3A_22, %div3A_0 : vector<128x16xi1>, vector<128x16xi32>
    %iota3A_23 = tpu.iota {dimensions = array<i32: 1>} : vector<128x16xi32>
    %eq3A = arith.cmpi eq, %select_n3A, %iota3A_23 : vector<128x16xi32>
    %convert_element_type3A = arith.extui %eq3A : vector<128x16xi1> to vector<128x16xi32>
    %convert_element_type3A_24 = arith.sitofp %convert_element_type3A : vector<128x16xi32> to vector<128x16xf32>
    %get3A = arith.constant 0 : index
    %get3A_25 = arith.constant 0 : index
    %get3A_26 = vector.load %arg0[%get3A, %get3A_25] : memref<10000x128xf32, #tpu.memory_space<vmem>>, vector<10000x128xf32>
    %get3A_27 = arith.constant 0 : index
    %get3A_28 = arith.constant 0 : index
    %get3A_29 = vector.load %arg1[%get3A_27, %get3A_28] : memref<128x128xf32, #tpu.memory_space<vmem>>, vector<128x128xf32>
    %dot_general3A = arith.constant dense<0.000000e+00> : vector<10000x128xf32>
    %dot_general3A_30 = tpu.matmul %get3A_26, %get3A_29, %dot_general3A {dimension_numbers = #tpu.dot_dimension_numbers<[1], [0], [0], [1], [0, 0, 1, 1], [], []>, transpose_lhs_hint = false} : vector<10000x128xf32>, vector<128x128xf32>, vector<10000x128xf32> -> vector<10000x128xf32>
    %get3A_31 = arith.constant 0 : index
    %get3A_32 = arith.constant 0 : index
    %get3A_33 = vector.load %arg2[%get3A_31, %get3A_32] : memref<1x128xf32, #tpu.memory_space<vmem>>, vector<1x128xf32>
    %mul3A = vector.broadcast %get3A_33 : vector<1x128xf32> to vector<10000x128xf32>
    %mul3A_34 = arith.mulf %dot_general3A_30, %mul3A : vector<10000x128xf32>
    %dot_general3A_35 = arith.constant dense<0.000000e+00> : vector<10000x16xf32>
    %dot_general3A_36 = tpu.matmul %mul3A_34, %convert_element_type3A_24, %dot_general3A_35 {dimension_numbers = #tpu.dot_dimension_numbers<[1], [0], [0], [1], [0, 0, 1, 1], [], []>, transpose_lhs_hint = false} : vector<10000x128xf32>, vector<128x16xf32>, vector<10000x16xf32> -> vector<10000x16xf32>
    %get3A_37 = arith.constant 0 : index
    %get3A_38 = arith.constant 0 : index
    %get3A_39 = vector.load %arg3[%get3A_37, %get3A_38] : memref<1x128xf32, #tpu.memory_space<vmem>>, vector<1x128xf32>
    %mul3A_40 = vector.broadcast %get3A_39 : vector<1x128xf32> to vector<10000x128xf32>
    %mul3A_41 = arith.mulf %dot_general3A_30, %mul3A_40 : vector<10000x128xf32>
    %dot_general3A_42 = arith.constant dense<0.000000e+00> : vector<10000x16xf32>
    %dot_general3A_43 = tpu.matmul %mul3A_41, %convert_element_type3A_24, %dot_general3A_42 {dimension_numbers = #tpu.dot_dimension_numbers<[1], [0], [0], [1], [0, 0, 1, 1], [], []>, transpose_lhs_hint = false} : vector<10000x128xf32>, vector<128x16xf32>, vector<10000x16xf32> -> vector<10000x16xf32>
    %broadcast_in_dim3A = arith.constant 0.000000e+00 : f32
    %broadcast_in_dim3A_44 = vector.broadcast %broadcast_in_dim3A : f32 to vector<10112x144xf32>
    %swap3A = arith.constant 0 : index
    %swap3A_45 = arith.constant 0 : index
    %swap3A_46 = vector.load %arg7[%swap3A, %swap3A_45] : memref<10112x144xf32, #tpu.memory_space<vmem>>, vector<10112x144xf32>
    tpu.vector_store %arg7[%swap3A, %swap3A_45], %broadcast_in_dim3A_44 {strides = array<i32>} : memref<10112x144xf32, #tpu.memory_space<vmem>>, vector<10112x144xf32>,
    %swap3A_47 = arith.constant 0 : index
    %swap3A_48 = arith.constant 0 : index
    %swap3A_49 = vector.load %arg7[%swap3A_47, %swap3A_48] : memref<10112x144xf32, #tpu.memory_space<vmem>>, vector<10000x128xf32>
    tpu.vector_store %arg7[%swap3A_47, %swap3A_48], %dot_general3A_30 {strides = array<i32>} : memref<10112x144xf32, #tpu.memory_space<vmem>>, vector<10000x128xf32>,
    %swap3A_50 = arith.constant 0 : index
    %swap3A_51 = arith.constant 128 : index
    %swap3A_52 = vector.load %arg7[%swap3A_50, %swap3A_51] : memref<10112x144xf32, #tpu.memory_space<vmem>>, vector<10000x16xf32>
    tpu.vector_store %arg7[%swap3A_50, %swap3A_51], %dot_general3A_36 {strides = array<i32>} : memref<10112x144xf32, #tpu.memory_space<vmem>>, vector<10000x16xf32>,
    %broadcast_in_dim3A_53 = arith.constant 0.000000e+00 : f32
    %broadcast_in_dim3A_54 = vector.broadcast %broadcast_in_dim3A_53 : f32 to vector<10112x16xf32>
    %swap3A_55 = arith.constant 0 : index
    %swap3A_56 = arith.constant 0 : index
    %swap3A_57 = vector.load %arg8[%swap3A_55, %swap3A_56] : memref<10112x16xf32, #tpu.memory_space<vmem>>, vector<10112x16xf32>
    tpu.vector_store %arg8[%swap3A_55, %swap3A_56], %broadcast_in_dim3A_54 {strides = array<i32>} : memref<10112x16xf32, #tpu.memory_space<vmem>>, vector<10112x16xf32>,
    %swap3A_58 = arith.constant 0 : index
    %swap3A_59 = arith.constant 0 : index
    %swap3A_60 = vector.load %arg8[%swap3A_58, %swap3A_59] : memref<10112x16xf32, #tpu.memory_space<vmem>>, vector<10000x16xf32>
    tpu.vector_store %arg8[%swap3A_58, %swap3A_59], %dot_general3A_43 {strides = array<i32>} : memref<10112x16xf32, #tpu.memory_space<vmem>>, vector<10000x16xf32>,
    %get3A_61 = arith.constant 0 : index
    %get3A_62 = arith.constant 0 : index
    %get3A_63 = vector.load %arg4[%get3A_61, %get3A_62] : memref<128x128xf32, #tpu.memory_space<vmem>>, vector<128x128xf32>
    %dot_general3A_64 = arith.constant dense<0.000000e+00> : vector<10000x128xf32>
    %dot_general3A_65 = tpu.matmul %get3A_26, %get3A_63, %dot_general3A_64 {dimension_numbers = #tpu.dot_dimension_numbers<[1], [0], [0], [1], [0, 0, 1, 1], [], []>, transpose_lhs_hint = false} : vector<10000x128xf32>, vector<128x128xf32>, vector<10000x128xf32> -> vector<10000x128xf32>
    %get3A_66 = arith.constant 0 : index
    %get3A_67 = arith.constant 0 : index
    %get3A_68 = vector.load %arg5[%get3A_66, %get3A_67] : memref<1x128xf32, #tpu.memory_space<vmem>>, vector<1x128xf32>
    %mul3A_69 = vector.broadcast %get3A_68 : vector<1x128xf32> to vector<10000x128xf32>
    %mul3A_70 = arith.mulf %dot_general3A_65, %mul3A_69 : vector<10000x128xf32>
    %dot_general3A_71 = arith.constant dense<0.000000e+00> : vector<10000x16xf32>
    %dot_general3A_72 = tpu.matmul %mul3A_70, %convert_element_type3A_24, %dot_general3A_71 {dimension_numbers = #tpu.dot_dimension_numbers<[1], [0], [0], [1], [0, 0, 1, 1], [], []>, transpose_lhs_hint = false} : vector<10000x128xf32>, vector<128x16xf32>, vector<10000x16xf32> -> vector<10000x16xf32>
    %get3A_73 = arith.constant 0 : index
    %get3A_74 = arith.constant 0 : index
    %get3A_75 = vector.load %arg6[%get3A_73, %get3A_74] : memref<1x128xf32, #tpu.memory_space<vmem>>, vector<1x128xf32>
    %mul3A_76 = vector.broadcast %get3A_75 : vector<1x128xf32> to vector<10000x128xf32>
    %mul3A_77 = arith.mulf %dot_general3A_65, %mul3A_76 : vector<10000x128xf32>
    %dot_general3A_78 = arith.constant dense<0.000000e+00> : vector<10000x16xf32>
    %dot_general3A_79 = tpu.matmul %mul3A_77, %convert_element_type3A_24, %dot_general3A_78 {dimension_numbers = #tpu.dot_dimension_numbers<[1], [0], [0], [1], [0, 0, 1, 1], [], []>, transpose_lhs_hint = false} : vector<10000x128xf32>, vector<128x16xf32>, vector<10000x16xf32> -> vector<10000x16xf32>
    %broadcast_in_dim3A_80 = arith.constant 0.000000e+00 : f32
    %broadcast_in_dim3A_81 = vector.broadcast %broadcast_in_dim3A_80 : f32 to vector<10112x144xf32>
    %swap3A_82 = arith.constant 0 : index
    %swap3A_83 = arith.constant 0 : index
    %swap3A_84 = vector.load %arg9[%swap3A_82, %swap3A_83] : memref<10112x144xf32, #tpu.memory_space<vmem>>, vector<10112x144xf32>
    tpu.vector_store %arg9[%swap3A_82, %swap3A_83], %broadcast_in_dim3A_81 {strides = array<i32>} : memref<10112x144xf32, #tpu.memory_space<vmem>>, vector<10112x144xf32>,
    %swap3A_85 = arith.constant 0 : index
    %swap3A_86 = arith.constant 0 : index
    %swap3A_87 = vector.load %arg9[%swap3A_85, %swap3A_86] : memref<10112x144xf32, #tpu.memory_space<vmem>>, vector<10000x128xf32>
    tpu.vector_store %arg9[%swap3A_85, %swap3A_86], %dot_general3A_65 {strides = array<i32>} : memref<10112x144xf32, #tpu.memory_space<vmem>>, vector<10000x128xf32>,
    %swap3A_88 = arith.constant 0 : index
    %swap3A_89 = arith.constant 128 : index
    %swap3A_90 = vector.load %arg9[%swap3A_88, %swap3A_89] : memref<10112x144xf32, #tpu.memory_space<vmem>>, vector<10000x16xf32>
    tpu.vector_store %arg9[%swap3A_88, %swap3A_89], %dot_general3A_72 {strides = array<i32>} : memref<10112x144xf32, #tpu.memory_space<vmem>>, vector<10000x16xf32>,
    %broadcast_in_dim3A_91 = arith.constant 0.000000e+00 : f32
    %broadcast_in_dim3A_92 = vector.broadcast %broadcast_in_dim3A_91 : f32 to vector<10112x16xf32>
    %swap3A_93 = arith.constant 0 : index
    %swap3A_94 = arith.constant 0 : index
    %swap3A_95 = vector.load %arg10[%swap3A_93, %swap3A_94] : memref<10112x16xf32, #tpu.memory_space<vmem>>, vector<10112x16xf32>
    tpu.vector_store %arg10[%swap3A_93, %swap3A_94], %broadcast_in_dim3A_92 {strides = array<i32>} : memref<10112x16xf32, #tpu.memory_space<vmem>>, vector<10112x16xf32>,
    %swap3A_96 = arith.constant 0 : index
    %swap3A_97 = arith.constant 0 : index
    %swap3A_98 = vector.load %arg10[%swap3A_96, %swap3A_97] : memref<10112x16xf32, #tpu.memory_space<vmem>>, vector<10000x16xf32>
    tpu.vector_store %arg10[%swap3A_96, %swap3A_97], %dot_general3A_79 {strides = array<i32>} : memref<10112x16xf32, #tpu.memory_space<vmem>>, vector<10000x16xf32>,
    return
  }
}

module attributes {stable_mosaic.version = 14 : i64} {
  func.func @_post_body(%arg0: memref<2x10112x144xf32, #tpu.memory_space<vmem>>, %arg1: memref<2x10112x144xf32, #tpu.memory_space<vmem>>, %arg2: memref<1x128xf32, #tpu.memory_space<vmem>>, %arg3: memref<1x128xf32, #tpu.memory_space<vmem>>, %arg4: memref<128x128xf32, #tpu.memory_space<vmem>>, %arg5: memref<1x128xf32, #tpu.memory_space<vmem>>, %arg6: memref<1x128xf32, #tpu.memory_space<vmem>>, %arg7: memref<128x8xf32, #tpu.memory_space<vmem>>, %arg8: memref<1x8xf32, #tpu.memory_space<vmem>>, %arg9: memref<2x8xf32, #tpu.memory_space<vmem>>) attributes {dimension_semantics = [], scalar_prefetch = 0 : i64, scratch_operands = 0 : i64, tpu.core_type = #tpu.core_type<tc>} {
    %iota3A = tpu.iota {dimensions = array<i32: 0>} : vector<8x128xi32>
    %iota3A_0 = tpu.iota {dimensions = array<i32: 1>} : vector<8x128xi32>
    %jit3A = arith.constant 16 : i32
    %div3A = vector.broadcast %jit3A : i32 to vector<8x128xi32>
    %div3A_1 = arith.divsi %iota3A_0, %div3A : vector<8x128xi32>
    %sign3A = arith.constant 0 : i32
    %sign3A_2 = vector.broadcast %sign3A : i32 to vector<8x128xi32>
    %sign3A_3 = arith.cmpi sgt, %iota3A_0, %sign3A_2 : vector<8x128xi32>
    %sign3A_4 = arith.extui %sign3A_3 : vector<8x128xi1> to vector<8x128xi32>
    %sign3A_5 = arith.constant 0 : i32
    %sign3A_6 = vector.broadcast %sign3A_5 : i32 to vector<8x128xi32>
    %sign3A_7 = arith.cmpi slt, %iota3A_0, %sign3A_6 : vector<8x128xi32>
    %sign3A_8 = arith.extui %sign3A_7 : vector<8x128xi1> to vector<8x128xi32>
    %sign3A_9 = arith.subi %sign3A_4, %sign3A_8 : vector<8x128xi32>
    %sign3A_10 = arith.constant 0 : i32
    %sign3A_11 = arith.cmpi sgt, %jit3A, %sign3A_10 : i32
    %sign3A_12 = arith.extui %sign3A_11 : i1 to i32
    %sign3A_13 = arith.constant 0 : i32
    %sign3A_14 = arith.cmpi slt, %jit3A, %sign3A_13 : i32
    %sign3A_15 = arith.extui %sign3A_14 : i1 to i32
    %sign3A_16 = arith.subi %sign3A_12, %sign3A_15 : i32
    %ne3A = vector.broadcast %sign3A_16 : i32 to vector<8x128xi32>
    %ne3A_17 = arith.cmpi ne, %sign3A_9, %ne3A : vector<8x128xi32>
    %rem3A = vector.broadcast %jit3A : i32 to vector<8x128xi32>
    %rem3A_18 = arith.remsi %iota3A_0, %rem3A : vector<8x128xi32>
    %ne3A_19 = arith.constant 0 : i32
    %ne3A_20 = vector.broadcast %ne3A_19 : i32 to vector<8x128xi32>
    %ne3A_21 = arith.cmpi ne, %rem3A_18, %ne3A_20 : vector<8x128xi32>
    %and3A = arith.andi %ne3A_17, %ne3A_21 : vector<8x128xi1>
    %sub3A = arith.constant 1 : i32
    %sub3A_22 = vector.broadcast %sub3A : i32 to vector<8x128xi32>
    %sub3A_23 = arith.subi %div3A_1, %sub3A_22 : vector<8x128xi32>
    %select_n3A = arith.select %and3A, %sub3A_23, %div3A_1 : vector<8x128xi1>, vector<8x128xi32>
    %eq3A = arith.cmpi eq, %iota3A, %select_n3A : vector<8x128xi32>
    %convert_element_type3A = arith.extui %eq3A : vector<8x128xi1> to vector<8x128xi32>
    %convert_element_type3A_24 = arith.sitofp %convert_element_type3A : vector<8x128xi32> to vector<8x128xf32>
    %get3A = arith.constant 0 : index
    %get3A_25 = arith.constant 0 : index
    %get3A_26 = arith.constant 0 : index
    %get3A_27 = vector.load %arg0[%get3A, %get3A_25, %get3A_26] : memref<2x10112x144xf32, #tpu.memory_space<vmem>>, vector<1x10112x144xf32>
    %get3A_28 = vector.shape_cast %get3A_27 : vector<1x10112x144xf32> to vector<10112x144xf32>
    %get3A_29 = arith.constant 1 : index
    %get3A_30 = arith.constant 0 : index
    %get3A_31 = arith.constant 0 : index
    %get3A_32 = vector.load %arg0[%get3A_29, %get3A_30, %get3A_31] : memref<2x10112x144xf32, #tpu.memory_space<vmem>>, vector<1x10112x144xf32>
    %get3A_33 = vector.shape_cast %get3A_32 : vector<1x10112x144xf32> to vector<10112x144xf32>
    %add3A = arith.addf %get3A_28, %get3A_33 : vector<10112x144xf32>
    %slice3A = vector.extract_strided_slice %add3A {offsets = [0, 0], sizes = [10000, 128], strides = [1, 1]} : vector<10112x144xf32> to vector<10000x128xf32>
    %slice3A_34 = vector.extract_strided_slice %add3A {offsets = [0, 128], sizes = [10000, 8], strides = [1, 1]} : vector<10112x144xf32> to vector<10000x8xf32>
    %dot_general3A = arith.constant dense<0.000000e+00> : vector<10000x128xf32>
    %dot_general3A_35 = tpu.matmul %slice3A_34, %convert_element_type3A_24, %dot_general3A {dimension_numbers = #tpu.dot_dimension_numbers<[1], [0], [0], [1], [0, 0, 1, 1], [], []>, transpose_lhs_hint = false} : vector<10000x8xf32>, vector<8x128xf32>, vector<10000x128xf32> -> vector<10000x128xf32>
    %add3A_36 = arith.constant 9.99999971E-10 : f32
    %add3A_37 = vector.broadcast %add3A_36 : f32 to vector<10000x128xf32>
    %add3A_38 = arith.addf %dot_general3A_35, %add3A_37 : vector<10000x128xf32>
    %div3A_39 = arith.divf %slice3A, %add3A_38 : vector<10000x128xf32>
    %get3A_40 = arith.constant 0 : index
    %get3A_41 = arith.constant 0 : index
    %get3A_42 = vector.load %arg2[%get3A_40, %get3A_41] : memref<1x128xf32, #tpu.memory_space<vmem>>, vector<1x128xf32>
    %add3A_43 = vector.broadcast %get3A_42 : vector<1x128xf32> to vector<10000x128xf32>
    %add3A_44 = arith.addf %div3A_39, %add3A_43 : vector<10000x128xf32>
    %gt3A = arith.constant 0.000000e+00 : f32
    %gt3A_45 = vector.broadcast %gt3A : f32 to vector<10000x128xf32>
    %gt3A_46 = arith.cmpf ogt, %add3A_44, %gt3A_45 : vector<10000x128xf32>
    %min3A = arith.constant 0.000000e+00 : f32
    %min3A_47 = vector.broadcast %min3A : f32 to vector<10000x128xf32>
    %min3A_48 = arith.minimumf %add3A_44, %min3A_47 : vector<10000x128xf32>
    %exp3A = math.exp %min3A_48 : vector<10000x128xf32>
    %sub3A_49 = arith.constant 1.000000e+00 : f32
    %sub3A_50 = vector.broadcast %sub3A_49 : f32 to vector<10000x128xf32>
    %sub3A_51 = arith.subf %exp3A, %sub3A_50 : vector<10000x128xf32>
    %select_n3A_52 = arith.select %gt3A_46, %add3A_44, %sub3A_51 : vector<10000x128xi1>, vector<10000x128xf32>
    %get3A_53 = arith.constant 0 : index
    %get3A_54 = arith.constant 0 : index
    %get3A_55 = vector.load %arg4[%get3A_53, %get3A_54] : memref<128x128xf32, #tpu.memory_space<vmem>>, vector<128x128xf32>
    %dot_general3A_56 = arith.constant dense<0.000000e+00> : vector<10000x128xf32>
    %dot_general3A_57 = tpu.matmul %select_n3A_52, %get3A_55, %dot_general3A_56 {dimension_numbers = #tpu.dot_dimension_numbers<[1], [0], [0], [1], [0, 0, 1, 1], [], []>, transpose_lhs_hint = false} : vector<10000x128xf32>, vector<128x128xf32>, vector<10000x128xf32> -> vector<10000x128xf32>
    %get3A_58 = arith.constant 0 : index
    %get3A_59 = arith.constant 0 : index
    %get3A_60 = vector.load %arg5[%get3A_58, %get3A_59] : memref<1x128xf32, #tpu.memory_space<vmem>>, vector<1x128xf32>
    %add3A_61 = vector.broadcast %get3A_60 : vector<1x128xf32> to vector<10000x128xf32>
    %add3A_62 = arith.addf %dot_general3A_57, %add3A_61 : vector<10000x128xf32>
    %tanh3A = math.tanh %add3A_62 : vector<10000x128xf32>
    %get3A_63 = arith.constant 0 : index
    %get3A_64 = arith.constant 0 : index
    %get3A_65 = vector.load %arg6[%get3A_63, %get3A_64] : memref<1x128xf32, #tpu.memory_space<vmem>>, vector<1x128xf32>
    %mul3A = vector.broadcast %get3A_65 : vector<1x128xf32> to vector<10000x128xf32>
    %mul3A_66 = arith.mulf %tanh3A, %mul3A : vector<10000x128xf32>
    %reduce_sum3A = arith.constant dense<0.000000e+00> : vector<10000xf32>
    %reduce_sum3A_67 = vector.multi_reduction <add>, %mul3A_66, %reduce_sum3A [1] : vector<10000x128xf32> to vector<10000xf32>
    %broadcast_in_dim3A = vector.shape_cast %reduce_sum3A_67 : vector<10000xf32> to vector<10000x1xf32>
    %reduce_max3A = vector.shape_cast %broadcast_in_dim3A : vector<10000x1xf32> to vector<1x10000x1xf32>
    %reduce_max3A_68 = arith.constant dense<0xFF800000> : vector<1xf32>
    %reduce_max3A_69 = vector.multi_reduction <maximumf>, %reduce_max3A, %reduce_max3A_68 [1, 2] : vector<1x10000x1xf32> to vector<1xf32>
    %reduce_max3A_70 = vector.shape_cast %reduce_max3A_69 : vector<1xf32> to vector<1x1x1xf32>
    %reduce_max3A_71 = vector.extract %reduce_max3A_70[0, 0, 0] : f32 from vector<1x1x1xf32>
    %sub3A_72 = vector.broadcast %reduce_max3A_71 : f32 to vector<10000x1xf32>
    %sub3A_73 = arith.subf %broadcast_in_dim3A, %sub3A_72 : vector<10000x1xf32>
    %exp3A_74 = math.exp %sub3A_73 : vector<10000x1xf32>
    %mul3A_75 = vector.broadcast %exp3A_74 : vector<10000x1xf32> to vector<10000x128xf32>
    %mul3A_76 = arith.mulf %select_n3A_52, %mul3A_75 : vector<10000x128xf32>
    %reduce_sum3A_77 = arith.constant dense<0.000000e+00> : vector<128xf32>
    %reduce_sum3A_78 = vector.multi_reduction <add>, %mul3A_76, %reduce_sum3A_77 [0] : vector<10000x128xf32> to vector<128xf32>
    %broadcast_in_dim3A_79 = vector.shape_cast %reduce_sum3A_78 : vector<128xf32> to vector<1x128xf32>
    %reduce_sum3A_80 = vector.shape_cast %exp3A_74 : vector<10000x1xf32> to vector<1x10000x1xf32>
    %reduce_sum3A_81 = arith.constant dense<0.000000e+00> : vector<1xf32>
    %reduce_sum3A_82 = vector.multi_reduction <add>, %reduce_sum3A_80, %reduce_sum3A_81 [1, 2] : vector<1x10000x1xf32> to vector<1xf32>
    %reduce_sum3A_83 = vector.shape_cast %reduce_sum3A_82 : vector<1xf32> to vector<1x1x1xf32>
    %reduce_sum3A_84 = vector.extract %reduce_sum3A_83[0, 0, 0] : f32 from vector<1x1x1xf32>
    %div3A_85 = vector.broadcast %reduce_sum3A_84 : f32 to vector<1x128xf32>
    %div3A_86 = arith.divf %broadcast_in_dim3A_79, %div3A_85 : vector<1x128xf32>
    %get3A_87 = arith.constant 0 : index
    %get3A_88 = arith.constant 0 : index
    %get3A_89 = vector.load %arg7[%get3A_87, %get3A_88] : memref<128x8xf32, #tpu.memory_space<vmem>>, vector<128x8xf32>
    %dot_general3A_90 = arith.constant dense<0.000000e+00> : vector<1x8xf32>
    %dot_general3A_91 = tpu.matmul %div3A_86, %get3A_89, %dot_general3A_90 {dimension_numbers = #tpu.dot_dimension_numbers<[1], [0], [0], [1], [0, 0, 1, 1], [], []>, transpose_lhs_hint = false} : vector<1x128xf32>, vector<128x8xf32>, vector<1x8xf32> -> vector<1x8xf32>
    %get3A_92 = arith.constant 0 : index
    %get3A_93 = arith.constant 0 : index
    %get3A_94 = vector.load %arg8[%get3A_92, %get3A_93] : memref<1x8xf32, #tpu.memory_space<vmem>>, vector<1x8xf32>
    %add3A_95 = arith.addf %dot_general3A_91, %get3A_94 : vector<1x8xf32>
    %get3A_96 = arith.constant 0 : index
    %get3A_97 = arith.constant 0 : index
    %get3A_98 = arith.constant 0 : index
    %get3A_99 = vector.load %arg1[%get3A_96, %get3A_97, %get3A_98] : memref<2x10112x144xf32, #tpu.memory_space<vmem>>, vector<1x10112x144xf32>
    %get3A_100 = vector.shape_cast %get3A_99 : vector<1x10112x144xf32> to vector<10112x144xf32>
    %get3A_101 = arith.constant 1 : index
    %get3A_102 = arith.constant 0 : index
    %get3A_103 = arith.constant 0 : index
    %get3A_104 = vector.load %arg1[%get3A_101, %get3A_102, %get3A_103] : memref<2x10112x144xf32, #tpu.memory_space<vmem>>, vector<1x10112x144xf32>
    %get3A_105 = vector.shape_cast %get3A_104 : vector<1x10112x144xf32> to vector<10112x144xf32>
    %add3A_106 = arith.addf %get3A_100, %get3A_105 : vector<10112x144xf32>
    %slice3A_107 = vector.extract_strided_slice %add3A_106 {offsets = [0, 0], sizes = [10000, 128], strides = [1, 1]} : vector<10112x144xf32> to vector<10000x128xf32>
    %slice3A_108 = vector.extract_strided_slice %add3A_106 {offsets = [0, 128], sizes = [10000, 8], strides = [1, 1]} : vector<10112x144xf32> to vector<10000x8xf32>
    %dot_general3A_109 = arith.constant dense<0.000000e+00> : vector<10000x128xf32>
    %dot_general3A_110 = tpu.matmul %slice3A_108, %convert_element_type3A_24, %dot_general3A_109 {dimension_numbers = #tpu.dot_dimension_numbers<[1], [0], [0], [1], [0, 0, 1, 1], [], []>, transpose_lhs_hint = false} : vector<10000x8xf32>, vector<8x128xf32>, vector<10000x128xf32> -> vector<10000x128xf32>
    %add3A_111 = arith.constant 9.99999971E-10 : f32
    %add3A_112 = vector.broadcast %add3A_111 : f32 to vector<10000x128xf32>
    %add3A_113 = arith.addf %dot_general3A_110, %add3A_112 : vector<10000x128xf32>
    %div3A_114 = arith.divf %slice3A_107, %add3A_113 : vector<10000x128xf32>
    %get3A_115 = arith.constant 0 : index
    %get3A_116 = arith.constant 0 : index
    %get3A_117 = vector.load %arg3[%get3A_115, %get3A_116] : memref<1x128xf32, #tpu.memory_space<vmem>>, vector<1x128xf32>
    %add3A_118 = vector.broadcast %get3A_117 : vector<1x128xf32> to vector<10000x128xf32>
    %add3A_119 = arith.addf %div3A_114, %add3A_118 : vector<10000x128xf32>
    %gt3A_120 = arith.constant 0.000000e+00 : f32
    %gt3A_121 = vector.broadcast %gt3A_120 : f32 to vector<10000x128xf32>
    %gt3A_122 = arith.cmpf ogt, %add3A_119, %gt3A_121 : vector<10000x128xf32>
    %min3A_123 = arith.constant 0.000000e+00 : f32
    %min3A_124 = vector.broadcast %min3A_123 : f32 to vector<10000x128xf32>
    %min3A_125 = arith.minimumf %add3A_119, %min3A_124 : vector<10000x128xf32>
    %exp3A_126 = math.exp %min3A_125 : vector<10000x128xf32>
    %sub3A_127 = arith.constant 1.000000e+00 : f32
    %sub3A_128 = vector.broadcast %sub3A_127 : f32 to vector<10000x128xf32>
    %sub3A_129 = arith.subf %exp3A_126, %sub3A_128 : vector<10000x128xf32>
    %select_n3A_130 = arith.select %gt3A_122, %add3A_119, %sub3A_129 : vector<10000x128xi1>, vector<10000x128xf32>
    %get3A_131 = arith.constant 0 : index
    %get3A_132 = arith.constant 0 : index
    %get3A_133 = vector.load %arg4[%get3A_131, %get3A_132] : memref<128x128xf32, #tpu.memory_space<vmem>>, vector<128x128xf32>
    %dot_general3A_134 = arith.constant dense<0.000000e+00> : vector<10000x128xf32>
    %dot_general3A_135 = tpu.matmul %select_n3A_130, %get3A_133, %dot_general3A_134 {dimension_numbers = #tpu.dot_dimension_numbers<[1], [0], [0], [1], [0, 0, 1, 1], [], []>, transpose_lhs_hint = false} : vector<10000x128xf32>, vector<128x128xf32>, vector<10000x128xf32> -> vector<10000x128xf32>
    %get3A_136 = arith.constant 0 : index
    %get3A_137 = arith.constant 0 : index
    %get3A_138 = vector.load %arg5[%get3A_136, %get3A_137] : memref<1x128xf32, #tpu.memory_space<vmem>>, vector<1x128xf32>
    %add3A_139 = vector.broadcast %get3A_138 : vector<1x128xf32> to vector<10000x128xf32>
    %add3A_140 = arith.addf %dot_general3A_135, %add3A_139 : vector<10000x128xf32>
    %tanh3A_141 = math.tanh %add3A_140 : vector<10000x128xf32>
    %get3A_142 = arith.constant 0 : index
    %get3A_143 = arith.constant 0 : index
    %get3A_144 = vector.load %arg6[%get3A_142, %get3A_143] : memref<1x128xf32, #tpu.memory_space<vmem>>, vector<1x128xf32>
    %mul3A_145 = vector.broadcast %get3A_144 : vector<1x128xf32> to vector<10000x128xf32>
    %mul3A_146 = arith.mulf %tanh3A_141, %mul3A_145 : vector<10000x128xf32>
    %reduce_sum3A_147 = arith.constant dense<0.000000e+00> : vector<10000xf32>
    %reduce_sum3A_148 = vector.multi_reduction <add>, %mul3A_146, %reduce_sum3A_147 [1] : vector<10000x128xf32> to vector<10000xf32>
    %broadcast_in_dim3A_149 = vector.shape_cast %reduce_sum3A_148 : vector<10000xf32> to vector<10000x1xf32>
    %reduce_max3A_150 = vector.shape_cast %broadcast_in_dim3A_149 : vector<10000x1xf32> to vector<1x10000x1xf32>
    %reduce_max3A_151 = arith.constant dense<0xFF800000> : vector<1xf32>
    %reduce_max3A_152 = vector.multi_reduction <maximumf>, %reduce_max3A_150, %reduce_max3A_151 [1, 2] : vector<1x10000x1xf32> to vector<1xf32>
    %reduce_max3A_153 = vector.shape_cast %reduce_max3A_152 : vector<1xf32> to vector<1x1x1xf32>
    %reduce_max3A_154 = vector.extract %reduce_max3A_153[0, 0, 0] : f32 from vector<1x1x1xf32>
    %sub3A_155 = vector.broadcast %reduce_max3A_154 : f32 to vector<10000x1xf32>
    %sub3A_156 = arith.subf %broadcast_in_dim3A_149, %sub3A_155 : vector<10000x1xf32>
    %exp3A_157 = math.exp %sub3A_156 : vector<10000x1xf32>
    %mul3A_158 = vector.broadcast %exp3A_157 : vector<10000x1xf32> to vector<10000x128xf32>
    %mul3A_159 = arith.mulf %select_n3A_130, %mul3A_158 : vector<10000x128xf32>
    %reduce_sum3A_160 = arith.constant dense<0.000000e+00> : vector<128xf32>
    %reduce_sum3A_161 = vector.multi_reduction <add>, %mul3A_159, %reduce_sum3A_160 [0] : vector<10000x128xf32> to vector<128xf32>
    %broadcast_in_dim3A_162 = vector.shape_cast %reduce_sum3A_161 : vector<128xf32> to vector<1x128xf32>
    %reduce_sum3A_163 = vector.shape_cast %exp3A_157 : vector<10000x1xf32> to vector<1x10000x1xf32>
    %reduce_sum3A_164 = arith.constant dense<0.000000e+00> : vector<1xf32>
    %reduce_sum3A_165 = vector.multi_reduction <add>, %reduce_sum3A_163, %reduce_sum3A_164 [1, 2] : vector<1x10000x1xf32> to vector<1xf32>
    %reduce_sum3A_166 = vector.shape_cast %reduce_sum3A_165 : vector<1xf32> to vector<1x1x1xf32>
    %reduce_sum3A_167 = vector.extract %reduce_sum3A_166[0, 0, 0] : f32 from vector<1x1x1xf32>
    %div3A_168 = vector.broadcast %reduce_sum3A_167 : f32 to vector<1x128xf32>
    %div3A_169 = arith.divf %broadcast_in_dim3A_162, %div3A_168 : vector<1x128xf32>
    %get3A_170 = arith.constant 0 : index
    %get3A_171 = arith.constant 0 : index
    %get3A_172 = vector.load %arg7[%get3A_170, %get3A_171] : memref<128x8xf32, #tpu.memory_space<vmem>>, vector<128x8xf32>
    %dot_general3A_173 = arith.constant dense<0.000000e+00> : vector<1x8xf32>
    %dot_general3A_174 = tpu.matmul %div3A_169, %get3A_172, %dot_general3A_173 {dimension_numbers = #tpu.dot_dimension_numbers<[1], [0], [0], [1], [0, 0, 1, 1], [], []>, transpose_lhs_hint = false} : vector<1x128xf32>, vector<128x8xf32>, vector<1x8xf32> -> vector<1x8xf32>
    %get3A_175 = arith.constant 0 : index
    %get3A_176 = arith.constant 0 : index
    %get3A_177 = vector.load %arg8[%get3A_175, %get3A_176] : memref<1x8xf32, #tpu.memory_space<vmem>>, vector<1x8xf32>
    %add3A_178 = arith.addf %dot_general3A_174, %get3A_177 : vector<1x8xf32>
    %concatenate3A = tpu.concatenate %add3A_95, %add3A_178 in 0 : vector<1x8xf32>, vector<1x8xf32> -> vector<2x8xf32>
    %swap3A = arith.constant 0 : index
    %swap3A_179 = arith.constant 0 : index
    %swap3A_180 = vector.load %arg9[%swap3A, %swap3A_179] : memref<2x8xf32, #tpu.memory_space<vmem>>, vector<2x8xf32>
    tpu.vector_store %arg9[%swap3A, %swap3A_179], %concatenate3A {strides = array<i32>} : memref<2x8xf32, #tpu.memory_space<vmem>>, vector<2x8xf32>,
    return
  }
}

</mosaic_0001>

<sc_bundles>
// kernel: kernel.5.cloned.1.call-start
scs
__scs_entry_jumppad:
0x0: {  	(pc) =	sbr.rel $0x88, $3  }
0x1: {  	(tag) =	ssettag $0x0;
	lr =	simm.s32 $0x1  }
0x2: {  	[smem:$0x3F91] =	sst lr;
	_ =	strace $0xD0000000  }
0x3: {  	_ = 	snop  }
0x4: {  	_ = 	snop  }
0x5: {  	_ = 	snop  }
0x6: {  	_ = 	snop  }
0x7: {  	_ = 	snop  }
__scs_overlays_trampoline_lowered:
0x8: {  	[smem:$0x3FA0] =	sst s0  }
0x9: {  	[smem:$0x3FA1] =	sst s1  }
0xa: {  	[smem:$0x3FA2] =	sst s2  }
0xb: {  	[smem:$0x3FA3] =	sst s3  }
0xc: {  	[smem:$0x3FA4] =	sst s4  }
0xd: {  	[smem:$0x3FA5] =	sst s5  }
0xe: {  	[smem:$0x3FA6] =	sst s6  }
0xf: {  	[smem:$0x3FA7] =	sst s7  }
0x10: {  	[smem:$0x3FA8] =	sst s8  }
0x11: {  	[smem:$0x3FA9] =	sst s9;
	s0 =	simm.s32 @!p0 $0x0  }
0x12: {  	s1 =	sld [smem:$0x3F8F];
	s0 =	simm.s32 @p0 $0x1  }
0x13: {  	[smem:$0x3FAA] =	sst s0;
	s0 =	simm.s32 @!p1 $0x0  }
0x14: {  	s2 =	sld [smem:$0x3F8E];
	s0 =	simm.s32 @p1 $0x1  }
0x15: {  	[smem:$0x3FAB] =	sst s0;
	s0 =	simm.s32 @!p2 $0x0  }
0x16: {  	s3 =	sld [smem:$0x3FDB];
	s0 =	simm.s32 @p2 $0x1  }
0x17: {  	s4 =	simm.s32 $0x1BF5;
	[smem:$0x3FAD] =	sst s0  }
0x18: {  	s0 =	sld [smem:$0x3F90];
	_ =	swait.ge [sflag:s4], $0x0  }
0x19: {  	s7 =	sld [smem:$0x3F91]  }
0x1a: {  	s8 =	sadd.s32 $0xFFFFE003, lr  }
0x1b: {  	s9 =	sadd.s32 $0xFFFFFEF7, lr;
	s5 =	simm.s32 $0xFFFFFFFF;
	p2 =	slt.u32 s8, $0xFFFFF086  }
0x1c: {  	p1 =	slt.u32 s9, $0xF7A;
	s5 =	simm.s32 @!p2 $0x0  }
0x1d: {  	s5 =	simm.s32 @p1 $0x1;
	p0 =	seq.s32 s7, s2  }
0x1e: {  	s7 =	smul.u32 @!p0 $0xF7A, s2;
	p2 =	seq.s32 @!p0 s5, $0x0  }
0x1f: {  	s9 =	smul.u32 $0xF7A, s1;
	s8 =	simm.s32 @!p0 $0x1BF5;
	p2 =	por !p2, p0  }
0x20: {  	[sflag:s8] =	ssyncset.s32 @!p0 $0xFFFFF086;
	s6 =	sadd.s32 @!p0 s3, s7;
	s7 =	simm.s32 @!p0 $0x108  }
0x21: {  	s3 =	sadd.s32 s3, s9;
	s6 =	sadd.s32 @!p0 $0x88, s6;
	s7 =	simm.s32 @p2 $0x1082  }
0x22: {  	[simem:s7], [sflag:s8] =	dma.local @!p0 [hbm:s6], $0xF7A  }
0x23: {  	s9 =	sor.u32 $0xD0000000, s2;
	s6 =	simm.s32 $0x108;
	_ =	swait.ge @!p0 [sflag:s8], $0x0  }
0x24: {  	s3 =	sadd.s32 $0x88, s3;
	s6 =	simm.s32 @!p1 $0x1082;
	[sflag:s4] =	ssyncset.s32 $0xFFFFF086  }
0x25: {  	[simem:s6], [sflag:s4] =	dma.local [hbm:s3], $0xF7A  }
0x26: {  	[smem:$0x3F91] =	sst s1;
	(tag) =	ssettag s2;
	_ =	strace s9  }
0x27: {  	s1 =	sld [smem:$0x3FA1]  }
0x28: {  	s2 =	sld [smem:$0x3FA2]  }
0x29: {  	s4 =	sld [smem:$0x3FA4]  }
0x2a: {  	p0 =	seq.s32 s5, $0x0;
	s5 =	sld [smem:$0x3FA5]  }
0x2b: {  	s6 =	sld [smem:$0x3FA6]  }
0x2c: {  	s7 =	sld [smem:$0x3FA7]  }
0x2d: {  	s3 =	simm.s32 $0x108;
	s8 =	sld [smem:$0x3FA8]  }
0x2e: {  	s3 =	simm.s32 @!p0 $0x1082;
	s9 =	sld [smem:$0x3FA9]  }
0x2f: {  	lr =	sadd.s32 s0, s3;
	s0 =	sld [smem:$0x3FA0]  }
0x30: {  	s3 =	sld [smem:$0x3FA3]  }
0x31: {  	[smem:$0x3FAC] =	sst s10  }
0x32: {  	s10 =	sld [smem:$0x3FAA];
	_ =	sdelay $0x3  }
0x33: {  	p0 =	seq.s32 s10, $0x1;
	s10 =	sld [smem:$0x3FAC];
	_ =	sdelay $0x3  }
0x34: {  	[smem:$0x3FAC] =	sst s10  }
0x35: {  	s10 =	sld [smem:$0x3FAB];
	_ =	sdelay $0x3  }
0x36: {  	p1 =	seq.s32 s10, $0x1;
	s10 =	sld [smem:$0x3FAC];
	_ =	sdelay $0x3  }
0x37: {  	[smem:$0x3FAC] =	sst s10  }
0x38: {  	s10 =	sld [smem:$0x3FAD]  }
0x39: {  	_ = 	snop;
	(pc) =	sbr.ind lr, $3  }
0x3a: {  	_ = 	snop  }
0x3b: {  	_ = 	snop  }
0x3c: {  	p2 =	seq.s32 s10, $0x1;
	s10 =	sld [smem:$0x3FAC]  }
0x3d: {  	_ =	shalt  }
0x3e: {  	_ =	shalt  }
0x3f: {  	_ =	shalt  }
0x40: {  	_ =	shalt  }
0x41: {  	_ =	shalt  }
0x42: {  	_ =	shalt  }
0x43: {  	_ =	shalt  }
0x44: {  	_ =	shalt  }
0x45: {  	_ =	shalt  }
0x46: {  	_ =	shalt  }
0x47: {  	_ =	shalt  }
0x48: {  	_ =	shalt  }
0x49: {  	_ =	shalt  }
0x4a: {  	_ =	shalt  }
0x4b: {  	_ =	shalt  }
0x4c: {  	_ =	shalt  }
0x4d: {  	_ =	shalt  }
0x4e: {  	_ =	shalt  }
0x4f: {  	_ =	shalt  }
0x50: {  	_ =	shalt  }
0x51: {  	_ =	shalt  }
0x52: {  	_ =	shalt  }
0x53: {  	_ =	shalt  }
0x54: {  	_ =	shalt  }
0x55: {  	_ =	shalt  }
0x56: {  	_ =	shalt  }
0x57: {  	_ =	shalt  }
0x58: {  	_ =	shalt  }
0x59: {  	_ =	shalt  }
0x5a: {  	_ =	shalt  }
0x5b: {  	_ =	shalt  }
0x5c: {  	_ =	shalt  }
0x5d: {  	_ =	shalt  }
0x5e: {  	_ =	shalt  }
0x5f: {  	_ =	shalt  }
0x60: {  	_ =	shalt  }
0x61: {  	_ =	shalt  }
0x62: {  	_ =	shalt  }
0x63: {  	_ =	shalt  }
0x64: {  	_ =	shalt  }
0x65: {  	_ =	shalt  }
0x66: {  	_ =	shalt  }
0x67: {  	_ =	shalt  }
0x68: {  	_ =	shalt  }
0x69: {  	_ =	shalt  }
0x6a: {  	_ =	shalt  }
0x6b: {  	_ =	shalt  }
0x6c: {  	_ =	shalt  }
0x6d: {  	_ =	shalt  }
0x6e: {  	_ =	shalt  }
0x6f: {  	_ =	shalt  }
0x70: {  	_ =	shalt  }
0x71: {  	_ =	shalt  }
0x72: {  	_ =	shalt  }
0x73: {  	_ =	shalt  }
0x74: {  	_ =	shalt  }
0x75: {  	_ =	shalt  }
0x76: {  	_ =	shalt  }
0x77: {  	_ =	shalt  }
0x78: {  	_ =	shalt  }
0x79: {  	_ =	shalt  }
0x7a: {  	_ =	shalt  }
0x7b: {  	_ =	shalt  }
0x7c: {  	_ =	shalt  }
0x7d: {  	_ =	shalt  }
0x7e: {  	_ =	shalt  }
0x7f: {  	_ =	shalt  }
0x80: {  	_ =	shalt  }
0x81: {  	_ =	shalt  }
0x82: {  	_ =	shalt  }
0x83: {  	_ =	shalt  }
0x84: {  	_ =	shalt  }
0x85: {  	_ =	shalt  }
0x86: {  	_ =	shalt  }
0x87: {  	_ =	shalt  }
.Lfunc_end0:
.L_simem_size_0:
called_computation_lowered:
.L_overlay_start_0:
0x88: {  	s2 =	sld [smem:$0x3FD9]  }
0x89: {  	s3 =	sld [smem:$0x3FFE];
	_ =	sdelay $0x1  }
0x8a: {  	s1 =	srdreg.scid  }
0x8b: {  	s0 =	sand.u32 $0x1, s1  }
0x8c: {  	s16 =	sshll.u32 s0, $0xA;
	s2 =	sadd.s32 s3, s2  }
0x8d: {  	s2 =	sadd.s32 s2, s16  }
0x8e: {  	[smem:$0x3FB8] =	sst s2  }
0x8f: {  	_ = 	snop  }
0x90: {  	(tm) =	ssettm $0x1  }
0x91: {  	s17 =	sld [smem:$0x3FFB];
	_ =	sdelay $0x3  }
0x92: {  	_ =	strace s17  }
0x93: {  	s2 =	sld [smem:$0x3FFC];
	_ =	sdelay $0x3  }
0x94: {  	_ =	strace s2  }
0x95: {  	s2 =	sld [smem:$0x3FFD];
	_ =	sdelay $0x3  }
0x96: {  	_ =	strace s2  }
0x97: {  	_ =	strace $0x8FFFFFFF  }
0x98: {  	s18 =	sld [smem:$0x3FDB];
	_ =	sdelay $0x1  }
0x99: {  	s19 =	simm.s32 $_scs_section_size  }
0x9a: {  	s4 =	simm.s32 $_size__tile_overlayer_lowered;
	s5 =	simm.s32 $_tile_overlayer_lowered  }
0x9b: {  	s22 =	simm.s32 $0x1BFF;
	s21 =	sshll.u32 s5, $0x1;
	s2 =	sadd.s32 s19, s18  }
0x9c: {  	s6 =	simm.s32 $0x0;
	s20 =	sshll.u32 s4, $0x1;
	s4 =	sadd.s32 s21, s2  }
0x9d: {  	[timem:s6], [sflag:s22] =	dma.local [hbm:s4], s20  }
0x9e: {  	_ =	swait.ge [sflag:s22], s20  }
0x9f: {  	s3 =	ssub.s32 $0x0, s20;
	[sflag:s22] =	ssyncset.done $0x0  }
0xa0: {  	[sflag:s22] =	ssyncadd.s32 s3;
	_ =	sdelay $0x1  }
0xa1: {  	s23 =	simm.s32 $0x1B8B  }
0xa2: {  	_ =	swait.ge [sflag:s23], $0x1  }
0xa3: {  	[sflag:s23] =	ssyncset.done $0x0  }
0xa4: {  	s25 =	simm.s32 $0x1B8E;
	s24 =	sld [smem:$0x3FFE];
	[sflag:s23] =	ssyncadd.s32 $0xFFFFFFFF  }
0xa5: {  	s26 =	simm.s32 $execute0_lowered;
	[smem:$0x3FD2] =	sst s25  }
0xa6: {  	s4 =	sshll.u32 s26, $0x1;
	_ =	strace $0x80000046;
	[dreg:$0x1] =	wrdreg $0xFFFFFFFF  }
0xa7: {  	s28 =	simm.s32 $_size_execute0_lowered;
	s2 =	sadd.s32 s2, s4;
	[dreg:$0x0] =	wrdreg $0x0  }
0xa8: {  	s4 =	sshll.u32 s28, $0x1;
	[dreg:$0x2] =	wrdreg s2  }
0xa9: {  	[dreg:$0x3] =	wrdreg s4  }
0xaa: {  	[dreg:$0x4] =	wrdreg $0xC0  }
0xab: {  	_ =	task [dreg:s6], $0x5FFFF  }
0xac: {  	[dreg:$0x1] =	wrdreg $0xFFFFFFFF  }
0xad: {  	[dreg:$0x0] =	wrdreg $0x60  }
0xae: {  	[dreg:$0x2] =	wrdreg s24  }
0xaf: {  	[dreg:$0x3] =	wrdreg $0x0  }
0xb0: {  	[dreg:$0x4] =	wrdreg $0x9  }
0xb1: {  	_ =	task.clear_ibuf [dreg:s6], $0x5FFFF;
	_ =	strace $0x90000046  }
0xb2: {  	s29 =	simm.s32 $0x9;
	_ =	strace $0x80000048  }
0xb3: {  	_ =	swait.ge [sflag:s29], $0x1  }
0xb4: {  	[sflag:s29] =	ssyncadd.s32 $0xFFFFFFFF  }
0xb5: {  	_ =	strace $0x90000048  }
0xb6: {  	_ =	sfence  }
0xb7: {  	s30 =	sld [smem:$0x0];
	_ =	sdelay $0x2  }
0xb8: {  	s31 =	sshll.u32 s1, $0xD;
	s1 =	sshrl.u32 s1, $0x2  }
0xb9: {  	s3 =	sand.u32 $0x4000, s31;
	s1 =	sadd.s32 s1, s30  }
0xba: {  	s0 =	sor.u32 s3, s0;
	s1 =	sshll.u32 s1, $0x11  }
0xbb: {  	s0 =	sor.u32 s1, s0  }
0xbc: {  	s0 =	sadd.s32 $0x8F2B, s0  }
0xbd: {  	[sflag:s0] =	ssyncadd.remote.s32 $0x1  }
0xbe: {  	_ =	sfence.sel $0xFFFF  }
0xbf: {  	[dreg:$0x0] =	wrdreg $0xFFFFFFFF;
	(pc) =	sbr.abs _section_cstart, $3  }
0xc0: {  	[dreg:$0x1] =	wrdreg $0xFFFFFFFF  }
0xc1: {  	_ =	task.clear_ibuf [dreg:s6], $0x2FFFF;
	_ =	strace $0x9FFFFFFF  }
0xc2: {  	(tm) =	ssettm $0x7FFFFFFF  }
0xc3: {  	_ =	shalt  }
tec
execute0_lowered:
.L_overlay_start_1:
0x0: {  	(tag) =	ssettag $0x1  }
0x1: {  	s0 =	rddreg [dreg:$0x0]  }
0x2: {  	s1 =	rddreg [dreg:$0x1];
	s3 =	simm.s32 $0x0;
	s2 =	srdreg.scid  }
0x3: {  	s15 =	stileid.u32;
	s20 =	simm.s32 $0x3;
	s21 =	simm.s32 $0x16380  }
0x4: {  	s22 =	simm.s32 $0x60;
	s28 =	simm.s32 $0x19B00;
	s29 =	simm.s32 $0x164A0  }
0x5: {  	s30 =	simm.s32 $0x1D700;
	s31 =	simm.s32 $0x1;
	[smem:$0x7FF] =	sst s3  }
0x6: {  	s2 =	sand.u32 $0x1, s2;
	s11 =	smul.u32 $0x16380, s15;
	s4 =	sadd.s32 $0x2600, s0  }
0x7: {  	s5 =	sadd.s32 $0x33E00, s0;
	s6 =	sadd.s32 $0x4CC00, s0;
	s7 =	sadd.s32 $0xA0600, s0  }
0x8: {  	s8 =	sadd.s32 $0x2EE00, s0;
	s9 =	sadd.s32 $0x38E00, s0;
	_ =	strace $0x80000047  }
0x9: {  	s10 =	smul.u32 $0x163800, s2;
	s13 =	sshll.u32 s2, $0x4;
	s2 =	ssub.s32 $0x2, s2  }
0xa: {  	s13 =	sor.u32 s15, s13;
	s14 =	sshrl.u32 s2, $0x1;
	s15 =	sshll.u32 s15, $0x6  }
0xb: {  	s17 =	sadd.s32 s11, s1;
	s12 =	sadd.s32 s11, s10;
	s23 =	smul.u32 $0x6A, s13  }
0xc: {  	s10 =	sadd.s32 $0x60A00, s0;
	s16 =	smul.u32 $0x9F0, s13;
	s2 =	ssub.s32 s2, s14  }
0xd: {  	s11 =	sor.u32 $0x1C03, s15;
	s19 =	sshrl.u32 s17, $0x3;
	s12 =	sshrl.u32 s12, $0x3  }
0xe: {  	s26 =	smax.u32 s2, $0x1;
	s2 =	simm.s32 $0x0;
	s0 =	sadd.s32 s12, s0  }
0xf: {  	s13 =	sadd.s32 s6, s16;
	s14 =	sadd.s32 $0x2, s23;
	[dreg:$0x7] =	wrdreg s26  }
0x10: {  	s25 =	sadd.s32 s9, s16;
	s26 =	simm.s32 $0x16440;
	[dreg:$0x3] =	wrdreg s13  }
0x11: {  	v31 =	vimm.s32 $0x0;
	v32 =	vimm.s32 $0x1;
	s13 =	sor.u32 $0x1, s23;
	s24 =	sadd.s32 $0x125C00, s0;
	[dreg:$0x5] =	wrdreg s25  }
0x12: {  	v39 =	vimm.s32 $0x2;
	v41 =	vimm.s32 $0x3;
	v30 =	vimm.s32 $0x4;
	s0 =	sadd.s32 $0xCCE00, s0;
	s23 =	simm.s32 $0x16500;
	[dreg:$0x4] =	wrdreg s24  }
0x13: {  	v33 =	vimm.s32 $0x5;
	v7 =	vimm.s32 $0x6;
	v36 =	vimm.s32 $0x7;
	[dreg:$0x6] =	wrdreg s0;
	s24 =	simm.s32 $0x163E0;
	s0 =	simm.s32 $0x2  }
.LBB2_1:
0x14: {  	[spmem:s19], [sflag:s11] =	dma.local [hbm:s10], $0x2C70  }
0x15: {  	_ =	swait.ge [sflag:s20], $0x2C70  }
0x16: {  	[sflag:s20] =	ssyncset.done $0x0  }
0x17: {  	[sflag:s20] =	ssyncadd.s32 $0xFFFFD390  }
0x18: {  	[bflag:$0x0] =	sbarrier.arrive $0xFFFF  }
0x19: {  	s12 =	rddreg [dreg:$0x3]  }
0x1a: {  	[tilespmem:s21], [sflag:$0x3] =	stream.linear.gather [hbm4b:s12+s3], $0xC0, $0x38;
	[tilespmem:$0x1DD00] =	vst v63  }
0x1b: {  	_ =	swait.ge [sflag:s20], $0xC0  }
0x1c: {  	[sflag:s20] =	ssyncset.done $0x0  }
0x1d: {  	[sflag:s20] =	ssyncadd.s32 $0xFFFFFF40  }
0x1e: {  	[tilespmem:s23], [sflag:$0x1] =	stream.indirect.gather [hbm4b:s4+s22], $0x90, s21, s22, $0xb8;
	[tilespmem:$0x1DD00] =	vst v63  }
0x1f: {  	s25 =	simm.s32 $0x1D100  }
0x20: {  	[tilespmem:s25], [sflag:$0x1] =	stream.indirect.gather [hbm4b:s5+s22], $0x10, s24, s22, $0xb8;
	[tilespmem:$0x1DD00] =	vst v63  }
0x21: {  	s25 =	simm.s32 $0x0  }
.LBB2_2:
0x22: {  	s12 =	sshll.u32 s25, $0x1  }
0x23: {  	s15 =	sadd.s32 s12, s13  }
0x24: {  	s15 =	smul.u32 $0x18, s15;
	_ =	sdelay $0x1  }
0x25: {  	s15 =	sadd.s32 s6, s15  }
0x26: {  	[tilespmem:s26], [sflag:$0x3] =	stream.linear.gather [hbm4b:s15+s3], $0xC0, $0x38;
	[tilespmem:$0x1DD00] =	vst v63  }
0x27: {  	_ =	swait.ge [sflag:s20], $0xC0  }
0x28: {  	[sflag:s20] =	ssyncset.done $0x0  }
0x29: {  	[sflag:s20] =	ssyncadd.s32 $0xFFFFFF40  }
0x2a: {  	[tilespmem:s28], [sflag:$0x2] =	stream.indirect.gather [hbm4b:s4+s22], $0x90, s26, s22, $0xb8;
	[tilespmem:$0x1DD00] =	vst v63  }
0x2b: {  	_ = 	snop  }
0x2c: {  	[tilespmem:s30], [sflag:$0x2] =	stream.indirect.gather [hbm4b:s5+s22], $0x10, s29, s22, $0xb8;
	[tilespmem:$0x1DD00] =	vst v63  }
0x2d: {  	_ =	swait.ge [sflag:s31], $0x3600  }
0x2e: {  	[sflag:s31] =	ssyncset.done $0x0  }
0x2f: {  	[sflag:s31] =	ssyncadd.s32 $0xFFFFCA00  }
0x30: {  	_ =	swait.ge [sflag:s31], $0x600  }
0x31: {  	[sflag:s31] =	ssyncset.done $0x0  }
0x32: {  	s15 =	simm.s32 $0x16620;
	[sflag:s31] =	ssyncadd.s32 $0xFFFFFA00  }
0x33: {  	s16 =	simm.s32 $0x1D120;
	v0 =	vld [tilespmem:s15+$0x110]  }
0x34: {  	v1 =	vld [tilespmem:s16+$0x10]  }
0x35: {  	v3 =	vld [tilespmem:s15+$0xFFFFFFF0]  }
0x36: {  	v5 =	vld [tilespmem:s15+$0xFFFFFEE0]  }
0x37: {  	v4 =	vld [tilespmem:s16+$0xFFFFFFF0]  }
0x38: {  	v2 =	vld [tilespmem:s16+$0xFFFFFFE0]  }
0x39: {  	v8 =	vld [tilespmem:s15+$0x80]  }
0x3a: {  	v9 =	vld [tilespmem:s16+$0x0];
	v0 =	vadd.f32 v1, v0  }
0x3b: {  	v1 =	vld [tilespmem:s15+$0xFFFFFF60];
	[tilespmem:$0x1FFF0] =	vst v5  }
0x3c: {  	v3 =	vadd.f32 v4, v3;
	v12 =	vld [tilespmem:s15+$0xFFFFFEF0];
	v10 =	vmul.f32 $2.000000030e-01, v0  }
0x3d: {  	v13 =	vld [tilespmem:s15+$0xFFFFFF00]  }
0x3e: {  	v14 =	vld [tilespmem:s15+$0xFFFFFF10];
	v4 =	vmul.f32 $2.000000030e-01, v3;
	v0 =	vmax.f32 v0, v10  }
0x3f: {  	v15 =	vld [tilespmem:s15+$0xFFFFFF20];
	v0 =	vmul.f32 $1.442695020e+00, v0  }
0x40: {  	v16 =	vld [tilespmem:s15+$0xFFFFFF30];
	v1 =	vadd.f32 v2, v1;
	v2 =	vmax.f32 v3, v4  }
0x41: {  	v8 =	vadd.f32 v9, v8;
	v17 =	vld [tilespmem:s15+$0xFFFFFF40];
	v2 =	vmul.f32 $1.442695020e+00, v2;
	(erf) = vpow2.f32 v0  }
0x42: {  	v18 =	vld [tilespmem:s15+$0xFFFFFF50]  }
0x43: {  	v19 =	vld [tilespmem:s15+$0xFFFFFF70];
	v3 =	vmul.f32 $2.000000030e-01, v8;
	(erf) = vpow2.f32 v2  }
0x44: {  	v20 =	vld [tilespmem:s15+$0xFFFFFF80];
	v0 =	vmul.f32 $2.000000030e-01, v1  }
0x45: {  	v21 =	vld [tilespmem:s15+$0xFFFFFF90];
	v3 =	vmax.f32 v8, v3  }
0x46: {  	v22 =	vld [tilespmem:s15+$0xFFFFFFA0];
	v0 =	vmax.f32 v1, v0;
	v1 =	vmul.f32 $1.442695020e+00, v3  }
0x47: {  	v24 =	vld [tilespmem:s15+$0xFFFFFFB0]  }
0x48: {  	v23 =	vld [tilespmem:s15+$0xFFFFFFC0];
	v0 =	vmul.f32 $1.442695020e+00, v0;
	(erf) = vpow2.f32 v1  }
0x49: {  	v25 =	vld [tilespmem:s15+$0xFFFFFFD0]  }
0x4a: {  	v26 =	vld [tilespmem:s15+$0xFFFFFFE0];
	(erf) = vpow2.f32 v0;
	v43 =	vpop (erf)  }
0x4b: {  	v27 =	vld [tilespmem:s15+$0x0];
	v10 =	vperm.xlane v43, v31;
	v1 =	vperm.xlane v43, v36  }
0x4c: {  	v0 =	vld [tilespmem:s15+$0x100];
	v11 =	vperm.xlane v43, v32;
	v9 =	vperm.xlane v43, v39;
	v34 =	vpop (erf)  }
0x4d: {  	v28 =	vld [tilespmem:s15+$0x10];
	v8 =	vperm.xlane v43, v41;
	v50 =	vperm.xlane v34, v31  }
0x4e: {  	v29 =	vld [tilespmem:s15+$0x20];
	v47 =	vperm.xlane v34, v32;
	v49 =	vperm.xlane v34, v39  }
0x4f: {  	v35 =	vld [tilespmem:s15+$0x40];
	v45 =	vperm.xlane v34, v41;
	v51 =	vperm.xlane v34, v30  }
0x50: {  	v40 =	vld [tilespmem:s15+$0x50];
	v46 =	vperm.xlane v34, v33;
	v61 =	vperm.xlane v34, v7  }
0x51: {  	v37 =	vld [tilespmem:s15+$0x60];
	[tilespmem:s15+$0x110] =	vst v43;
	v59 =	vperm.xlane v34, v36;
	v2 =	vmul.f32 v1, v0;
	v48 =	vpop (erf)  }
0x52: {  	v6 =	vimm.s32 $0x4;
	v44 =	vld [tilespmem:s15+$0x70];
	[tilespmem:s15+$0xFFFFFFF0] =	vst v34;
	v60 =	vperm.xlane v48, v31;
	v58 =	vperm.xlane v48, v32  }
0x53: {  	v5 =	vimm.s32 $0x5;
	v33 =	vld [tilespmem:s15+$0x30];
	[tilespmem:s15+$0x100] =	vst v2;
	v57 =	vperm.xlane v48, v39;
	v56 =	vperm.xlane v48, v41  }
0x54: {  	v34 =	vld [tilespmem:s15+$0xE0];
	v38 =	vpop (erf);
	v55 =	vperm.xlane v48, v6;
	v54 =	vperm.xlane v48, v5;
	[tilespmem:s15+$0x80] =	vst v48  }
0x55: {  	v4 =	vperm.xlane v38, v39;
	v3 =	vperm.xlane v38, v30;
	v30 =	vld [tilespmem:s15+$0x90];
	[tilespmem:s15+$0xFFFFFF60] =	vst v38  }
0x56: {  	v63 =	vperm.xlane v38, v5;
	v39 =	vperm.xlane v43, v5;
	v5 =	vld [tilespmem:$0x1FFF0]  }
0x57: {  	v52 =	vimm.s32 $0x7;
	v53 =	vperm.xlane v48, v7;
	v62 =	vperm.xlane v38, v36;
	v36 =	vld [tilespmem:s15+$0xA0]  }
0x58: {  	v52 =	vperm.xlane v48, v52;
	v42 =	vperm.xlane v38, v31;
	v31 =	vld [tilespmem:s15+$0xB0]  }
0x59: {  	v1 =	vperm.xlane v38, v32;
	v0 =	vperm.xlane v38, v41;
	v32 =	vld [tilespmem:s15+$0xC0]  }
0x5a: {  	v2 =	vperm.xlane v38, v7;
	v38 =	vld [tilespmem:s15+$0xD0];
	v41 =	vperm.xlane v43, v6  }
0x5b: {  	s17 =	simm.s32 $0x0;
	s18 =	simm.s32 $0x16860;
	v43 =	vperm.xlane v43, v7;
	v48 =	vmul.f32 v42, v5;
	v42 =	vld [tilespmem:s15+$0xF0]  }
.LBB2_3:
0x5c: {  	v5 =	vld [tilespmem:s18+$0x110];
	v1 =	vmul.f32 v1, v12;
	v4 =	vmul.f32 v4, v13;
	s16 =	sadd.s32 $0x40, s16  }
0x5d: {  	s17 =	sadd.s32 $0x4, s17;
	v0 =	vmul.f32 v0, v14;
	v3 =	vmul.f32 v3, v15;
	v12 =	vld [tilespmem:s16+$0x10];
	[tilespmem:s15+$0xFFFFFEE0] =	vst v48  }
0x5e: {  	v2 =	vmul.f32 v2, v17;
	p0 =	slt.u32 s17, $0x5C;
	v6 =	vld [tilespmem:s16+$0xFFFFFFE0];
	[tilespmem:s15+$0xFFFFFEF0] =	vst v1;
	v1 =	vmul.f32 v63, v16  }
0x5f: {  	v14 =	vmul.f32 v50, v19;
	v13 =	vld [tilespmem:s18+$0xFFFFFFF0];
	[tilespmem:s15+$0xFFFFFF00] =	vst v4;
	v4 =	vmul.f32 v62, v18  }
0x60: {  	v16 =	vmul.f32 v49, v21;
	v15 =	vld [tilespmem:s16+$0xFFFFFFF0];
	[tilespmem:s15+$0xFFFFFF10] =	vst v0;
	v0 =	vmul.f32 v47, v20  }
0x61: {  	v18 =	vmul.f32 v51, v24;
	v17 =	vld [tilespmem:s18+$0x80];
	[tilespmem:s15+$0xFFFFFF20] =	vst v3;
	v3 =	vmul.f32 v45, v22  }
0x62: {  	v20 =	vmul.f32 v61, v25;
	v19 =	vld [tilespmem:s16+$0x0];
	v5 =	vadd.f32 v12, v5;
	[tilespmem:s15+$0xFFFFFF30] =	vst v1;
	v1 =	vmul.f32 v46, v23  }
0x63: {  	v22 =	vmul.f32 v60, v27;
	v21 =	vld [tilespmem:s18+$0xFFFFFF60];
	[tilespmem:s15+$0xFFFFFF40] =	vst v2;
	v2 =	vmul.f32 v59, v26  }
0x64: {  	v48 =	vld [tilespmem:s18+$0xFFFFFEE0];
	v23 =	vmul.f32 $2.000000030e-01, v5;
	[tilespmem:s15+$0xFFFFFF50] =	vst v4;
	v4 =	vmul.f32 v58, v28  }
0x65: {  	v25 =	vmul.f32 v57, v29;
	v26 =	vmul.f32 v56, v33;
	v12 =	vld [tilespmem:s18+$0xFFFFFEF0];
	v24 =	vadd.f32 v15, v13;
	[tilespmem:s15+$0xFFFFFF70] =	vst v14  }
0x66: {  	v27 =	vmul.f32 v54, v40;
	v13 =	vld [tilespmem:s18+$0xFFFFFF00];
	v5 =	vmax.f32 v5, v23;
	[tilespmem:s15+$0xFFFFFF80] =	vst v0;
	v0 =	vmul.f32 v55, v35  }
0x67: {  	v14 =	vld [tilespmem:s18+$0xFFFFFF10];
	v23 =	vmul.f32 $2.000000030e-01, v24;
	v19 =	vadd.f32 v19, v17;
	v5 =	vmul.f32 $1.442695020e+00, v5;
	[tilespmem:s15+$0xFFFFFF90] =	vst v16  }
0x68: {  	v28 =	vmul.f32 v52, v44;
	v15 =	vld [tilespmem:s18+$0xFFFFFF20];
	v6 =	vadd.f32 v6, v21;
	[tilespmem:s15+$0xFFFFFFA0] =	vst v3;
	v3 =	vmul.f32 v53, v37  }
0x69: {  	v16 =	vld [tilespmem:s18+$0xFFFFFF30];
	v21 =	vmax.f32 v24, v23;
	v23 =	vmul.f32 $2.000000030e-01, v19;
	(erf) = vpow2.f32 v5;
	[tilespmem:s15+$0xFFFFFFB0] =	vst v18  }
0x6a: {  	v17 =	vld [tilespmem:s18+$0xFFFFFF40];
	v5 =	vmul.f32 $2.000000030e-01, v6;
	v21 =	vmul.f32 $1.442695020e+00, v21;
	[tilespmem:s15+$0xFFFFFFC0] =	vst v1  }
0x6b: {  	v29 =	vmul.f32 v10, v30;
	v30 =	vmul.f32 v11, v36;
	v18 =	vld [tilespmem:s18+$0xFFFFFF50];
	v1 =	vmax.f32 v19, v23;
	[tilespmem:s15+$0xFFFFFFD0] =	vst v20  }
0x6c: {  	v5 =	vmax.f32 v6, v5;
	v19 =	vld [tilespmem:s18+$0xFFFFFF70];
	v1 =	vmul.f32 $1.442695020e+00, v1;
	(erf) = vpow2.f32 v21;
	[tilespmem:s15+$0xFFFFFFE0] =	vst v2  }
0x6d: {  	v2 =	vmul.f32 $1.442695020e+00, v5;
	v20 =	vld [tilespmem:s18+$0xFFFFFF80];
	[tilespmem:s15+$0x0] =	vst v22;
	v5 =	vmul.f32 v9, v31  }
0x6e: {  	v21 =	vld [tilespmem:s18+$0xFFFFFF90];
	(erf) = vpow2.f32 v1;
	[tilespmem:s15+$0x10] =	vst v4;
	v4 =	vmul.f32 v8, v32  }
0x6f: {  	v22 =	vld [tilespmem:s18+$0xFFFFFFA0];
	(erf) = vpow2.f32 v2;
	[tilespmem:s15+$0x20] =	vst v25;
	v2 =	vmul.f32 v41, v38  }
0x70: {  	v6 =	vmul.f32 v39, v34;
	v31 =	vmul.f32 v43, v42;
	v1 =	vld [tilespmem:s18+$0x100];
	[tilespmem:s15+$0x30] =	vst v26  }
0x71: {  	v24 =	vld [tilespmem:s18+$0xFFFFFFB0];
	[tilespmem:s15+$0x40] =	vst v0  }
0x72: {  	v36 =	vimm.s32 $0x0;
	v53 =	vimm.s32 $0x2;
	v42 =	vimm.s32 $0x7;
	v23 =	vld [tilespmem:s18+$0xFFFFFFC0];
	v43 =	vpop (erf);
	[tilespmem:s15+$0x50] =	vst v27  }
0x73: {  	v38 =	vimm.s32 $0x1;
	v25 =	vld [tilespmem:s18+$0xFFFFFFD0];
	v10 =	vperm.xlane v43, v36;
	v0 =	vperm.xlane v43, v42;
	[tilespmem:s15+$0x60] =	vst v3  }
0x74: {  	v52 =	vimm.s32 $0x3;
	v11 =	vperm.xlane v43, v38;
	v9 =	vperm.xlane v43, v53;
	v26 =	vld [tilespmem:s18+$0xFFFFFFE0];
	[tilespmem:s15+$0x70] =	vst v28  }
0x75: {  	v8 =	vperm.xlane v43, v52;
	v27 =	vld [tilespmem:s18+$0x0];
	v0 =	vmul.f32 v0, v1;
	v32 =	vpop (erf);
	[tilespmem:s15+$0x90] =	vst v29  }
0x76: {  	v39 =	vimm.s32 $0x5;
	v50 =	vperm.xlane v32, v36;
	v47 =	vperm.xlane v32, v38;
	v28 =	vld [tilespmem:s18+$0x10];
	[tilespmem:s15+$0xA0] =	vst v30  }
0x77: {  	v41 =	vimm.s32 $0x4;
	v49 =	vperm.xlane v32, v53;
	v45 =	vperm.xlane v32, v52;
	v29 =	vld [tilespmem:s18+$0x20];
	[tilespmem:s18+$0x100] =	vst v0;
	v34 =	vpop (erf)  }
0x78: {  	v51 =	vperm.xlane v32, v41;
	v46 =	vperm.xlane v32, v39;
	v33 =	vld [tilespmem:s18+$0x30];
	v30 =	vpop (erf);
	[tilespmem:s15+$0xB0] =	vst v5  }
0x79: {  	v5 =	vperm.xlane v30, v36;
	v1 =	vperm.xlane v30, v38;
	v35 =	vld [tilespmem:s18+$0x40];
	[tilespmem:s15+$0xC0] =	vst v4  }
0x7a: {  	v4 =	vperm.xlane v30, v53;
	v0 =	vperm.xlane v30, v52;
	v40 =	vld [tilespmem:s18+$0x50];
	[tilespmem:s15+$0xD0] =	vst v2  }
0x7b: {  	v3 =	vperm.xlane v30, v41;
	v63 =	vperm.xlane v30, v39;
	v37 =	vld [tilespmem:s18+$0x60];
	[tilespmem:s15+$0xE0] =	vst v6  }
0x7c: {  	v62 =	vperm.xlane v30, v42;
	v2 =	vperm.xlane v30, v7;
	v44 =	vld [tilespmem:s18+$0x70];
	[tilespmem:s15+$0xF0] =	vst v31;
	s15 =	smov.u32 s18  }
0x7d: {  	v61 =	vperm.xlane v32, v7;
	v59 =	vperm.xlane v32, v42;
	[tilespmem:s18+$0xFFFFFF60] =	vst v30;
	v30 =	vld [tilespmem:s18+$0x90]  }
0x7e: {  	v60 =	vperm.xlane v34, v36;
	v58 =	vperm.xlane v34, v38;
	[tilespmem:s18+$0xFFFFFFF0] =	vst v32;
	v36 =	vld [tilespmem:s18+$0xA0]  }
.Ltmp0:
0x7f: {  	v57 =	vperm.xlane v34, v53;
	v56 =	vperm.xlane v34, v52;
	[tilespmem:s18+$0x80] =	vst v34;
	v31 =	vld [tilespmem:s18+$0xB0];
	(pc) =	sbr.rel @p0 .LBB2_3-.Ltmp0, $4  }
0x80: {  	v55 =	vperm.xlane v34, v41;
	v54 =	vperm.xlane v34, v39;
	v32 =	vld [tilespmem:s18+$0xC0];
	[tilespmem:s18+$0x110] =	vst v43  }
0x81: {  	v53 =	vperm.xlane v34, v7;
	v52 =	vperm.xlane v34, v42;
	v38 =	vld [tilespmem:s18+$0xD0]  }
0x82: {  	v41 =	vperm.xlane v43, v41;
	v39 =	vperm.xlane v43, v39;
	v34 =	vld [tilespmem:s18+$0xE0]  }
0x83: {  	v48 =	vmul.f32 v5, v48;
	v43 =	vperm.xlane v43, v7;
	s18 =	sadd.s32 $0x240, s18;
	v42 =	vld [tilespmem:s15+$0xF0]  }
0x84: {  	v1 =	vmul.f32 v1, v12  }
0x85: {  	v4 =	vmul.f32 v4, v13;
	[tilespmem:s15+$0xFFFFFEE0] =	vst v48  }
0x86: {  	v0 =	vmul.f32 v0, v14;
	[tilespmem:s15+$0xFFFFFEF0] =	vst v1  }
0x87: {  	v1 =	vmul.f32 v3, v15;
	[tilespmem:s15+$0xFFFFFF00] =	vst v4  }
0x88: {  	v3 =	vmul.f32 v63, v16;
	[tilespmem:s15+$0xFFFFFF10] =	vst v0  }
0x89: {  	v0 =	vmul.f32 v2, v17;
	[tilespmem:s15+$0xFFFFFF20] =	vst v1  }
0x8a: {  	v2 =	vmul.f32 v50, v19;
	[tilespmem:s15+$0xFFFFFF30] =	vst v3  }
0x8b: {  	v1 =	vmul.f32 v62, v18;
	[tilespmem:s15+$0xFFFFFF40] =	vst v0  }
0x8c: {  	v0 =	vmul.f32 v47, v20;
	[tilespmem:s15+$0xFFFFFF70] =	vst v2  }
0x8d: {  	v2 =	vmul.f32 v45, v22;
	[tilespmem:s15+$0xFFFFFF50] =	vst v1  }
0x8e: {  	v1 =	vmul.f32 v49, v21;
	[tilespmem:s15+$0xFFFFFF80] =	vst v0  }
0x8f: {  	v0 =	vmul.f32 v51, v24;
	[tilespmem:s15+$0xFFFFFFA0] =	vst v2  }
0x90: {  	v2 =	vmul.f32 v61, v25;
	[tilespmem:s15+$0xFFFFFF90] =	vst v1  }
0x91: {  	v1 =	vmul.f32 v46, v23;
	[tilespmem:s15+$0xFFFFFFB0] =	vst v0  }
0x92: {  	v0 =	vmul.f32 v59, v26;
	[tilespmem:s15+$0xFFFFFFD0] =	vst v2  }
0x93: {  	v2 =	vmul.f32 v58, v28;
	[tilespmem:s15+$0xFFFFFFC0] =	vst v1  }
0x94: {  	v1 =	vmul.f32 v60, v27;
	[tilespmem:s15+$0xFFFFFFE0] =	vst v0  }
0x95: {  	v0 =	vmul.f32 v57, v29;
	[tilespmem:s15+$0x10] =	vst v2  }
0x96: {  	v2 =	vmul.f32 v55, v35;
	[tilespmem:s15+$0x0] =	vst v1  }
0x97: {  	v1 =	vmul.f32 v56, v33;
	[tilespmem:s15+$0x20] =	vst v0  }
0x98: {  	v0 =	vmul.f32 v54, v40;
	[tilespmem:s15+$0x40] =	vst v2  }
0x99: {  	v2 =	vmul.f32 v52, v44;
	[tilespmem:s15+$0x30] =	vst v1  }
0x9a: {  	v1 =	vmul.f32 v53, v37;
	[tilespmem:s15+$0x50] =	vst v0  }
0x9b: {  	v0 =	vmul.f32 v10, v30;
	[tilespmem:s15+$0x70] =	vst v2  }
0x9c: {  	v2 =	vmul.f32 v9, v31;
	[tilespmem:s15+$0x60] =	vst v1  }
0x9d: {  	v1 =	vmul.f32 v11, v36;
	[tilespmem:s15+$0x90] =	vst v0  }
0x9e: {  	v0 =	vmul.f32 v8, v32;
	[tilespmem:s15+$0xB0] =	vst v2  }
0x9f: {  	v2 =	vmul.f32 v39, v34;
	[tilespmem:s15+$0xA0] =	vst v1  }
0xa0: {  	v1 =	vmul.f32 v41, v38;
	[tilespmem:s15+$0xC0] =	vst v0  }
0xa1: {  	v0 =	vmul.f32 v43, v42;
	[tilespmem:s15+$0xE0] =	vst v2  }
0xa2: {  	p0 =	seq.s32 s25, $0x34;
	[tilespmem:s15+$0xD0] =	vst v1  }
0xa3: {  	s12 =	sadd.s32 @!p0 s12, s14;
	[tilespmem:s15+$0xF0] =	vst v0  }
0xa4: {  	[spmem:s1] =	stream.indirect.scatter.add.f32 [tilespmem:s23], [sflag:$0x3], $0x90, s24, s22, $0xb8;
	[tilespmem:$0x1DD00] =	vst v63  }
0xa5: {  	s12 =	smul.u32 @!p0 $0x18, s12;
	_ =	swait.ge [sflag:s20], $0x3600  }
0xa6: {  	s16 =	simm.s32 @!p0 $0x16380;
	[sflag:s20] =	ssyncset.done $0x0  }
0xa7: {  	s12 =	sadd.s32 @!p0 s6, s12;
	s15 =	simm.s32 @!p0 $0x0;
	[sflag:s20] =	ssyncadd.s32 $0xFFFFCA00  }
0xa8: {  	[tilespmem:s16], [sflag:$0x3] =	stream.linear.gather @!p0 [hbm4b:s12+s15], $0xC0, $0x38;
	[tilespmem:$0x1DD00] =	vst v63  }
0xa9: {  	s12 =	simm.s32 @!p0 $0x3  }
0xaa: {  	_ =	swait.ge @!p0 [sflag:s12], $0xC0  }
0xab: {  	[sflag:s12] =	ssyncset.done @!p0 $0x0  }
0xac: {  	s15 =	simm.s32 @!p0 $0x16500;
	[sflag:s12] =	ssyncadd.s32 @!p0 $0xFFFFFF40;
	s12 =	simm.s32 @!p0 $0x60  }
0xad: {  	[tilespmem:s15], [sflag:$0x1] =	stream.indirect.gather @!p0 [hbm4b:s4+s12], $0x90, s16, s12, $0xb8;
	[tilespmem:$0x1DD00] =	vst v63  }
0xae: {  	s15 =	simm.s32 @!p0 $0x163E0;
	s16 =	simm.s32 @!p0 $0x1D100  }
0xaf: {  	[tilespmem:s16], [sflag:$0x1] =	stream.indirect.gather @!p0 [hbm4b:s5+s12], $0x10, s15, s12, $0xb8;
	[tilespmem:$0x1DD00] =	vst v63  }
0xb0: {  	_ =	swait.ge [sflag:s0], $0x3600  }
0xb1: {  	[sflag:s0] =	ssyncset.done $0x0  }
0xb2: {  	[sflag:s0] =	ssyncadd.s32 $0xFFFFCA00  }
0xb3: {  	_ =	swait.ge [sflag:s0], $0x600  }
0xb4: {  	[sflag:s0] =	ssyncset.done $0x0  }
0xb5: {  	s12 =	simm.s32 $0x19C20;
	[sflag:s0] =	ssyncadd.s32 $0xFFFFFA00  }
0xb6: {  	s15 =	simm.s32 $0x1D720;
	v0 =	vld [tilespmem:s12+$0x110]  }
0xb7: {  	v1 =	vld [tilespmem:s15+$0x10]  }
0xb8: {  	v3 =	vld [tilespmem:s12+$0xFFFFFFF0]  }
0xb9: {  	v4 =	vld [tilespmem:s15+$0xFFFFFFF0]  }
0xba: {  	v2 =	vld [tilespmem:s15+$0xFFFFFFE0]  }
0xbb: {  	v5 =	vld [tilespmem:s12+$0x80]  }
0xbc: {  	v6 =	vld [tilespmem:s15+$0x0];
	v0 =	vadd.f32 v1, v0  }
0xbd: {  	v1 =	vld [tilespmem:s12+$0xFFFFFF60]  }
0xbe: {  	v42 =	vld [tilespmem:s12+$0xFFFFFEE0];
	v3 =	vadd.f32 v4, v3;
	v8 =	vmul.f32 $2.000000030e-01, v0  }
0xbf: {  	v12 =	vld [tilespmem:s12+$0xFFFFFEF0]  }
0xc0: {  	v13 =	vld [tilespmem:s12+$0xFFFFFF00];
	v4 =	vmul.f32 $2.000000030e-01, v3;
	v0 =	vmax.f32 v0, v8  }
0xc1: {  	v14 =	vld [tilespmem:s12+$0xFFFFFF10];
	v0 =	vmul.f32 $1.442695020e+00, v0  }
0xc2: {  	v15 =	vld [tilespmem:s12+$0xFFFFFF20];
	v1 =	vadd.f32 v2, v1;
	v2 =	vmax.f32 v3, v4  }
0xc3: {  	v16 =	vld [tilespmem:s12+$0xFFFFFF30];
	v5 =	vadd.f32 v6, v5;
	v2 =	vmul.f32 $1.442695020e+00, v2;
	(erf) = vpow2.f32 v0  }
0xc4: {  	v17 =	vld [tilespmem:s12+$0xFFFFFF40]  }
0xc5: {  	v18 =	vld [tilespmem:s12+$0xFFFFFF50];
	v3 =	vmul.f32 $2.000000030e-01, v5;
	(erf) = vpow2.f32 v2  }
0xc6: {  	v19 =	vld [tilespmem:s12+$0xFFFFFF70];
	v0 =	vmul.f32 $2.000000030e-01, v1  }
0xc7: {  	v20 =	vld [tilespmem:s12+$0xFFFFFF80];
	v3 =	vmax.f32 v5, v3  }
0xc8: {  	v21 =	vld [tilespmem:s12+$0xFFFFFF90];
	v0 =	vmax.f32 v1, v0;
	v1 =	vmul.f32 $1.442695020e+00, v3  }
0xc9: {  	v22 =	vld [tilespmem:s12+$0xFFFFFFA0]  }
0xca: {  	v24 =	vld [tilespmem:s12+$0xFFFFFFB0];
	v0 =	vmul.f32 $1.442695020e+00, v0;
	(erf) = vpow2.f32 v1  }
0xcb: {  	v52 =	vimm.s32 $0x2;
	v23 =	vld [tilespmem:s12+$0xFFFFFFC0]  }
0xcc: {  	v31 =	vimm.s32 $0x0;
	v38 =	vimm.s32 $0x7;
	v25 =	vld [tilespmem:s12+$0xFFFFFFD0];
	(erf) = vpow2.f32 v0;
	v5 =	vpop (erf)  }
0xcd: {  	v32 =	vimm.s32 $0x1;
	v26 =	vld [tilespmem:s12+$0xFFFFFFE0];
	v10 =	vperm.xlane v5, v31;
	v1 =	vperm.xlane v5, v38  }
0xce: {  	v55 =	vimm.s32 $0x3;
	v0 =	vld [tilespmem:s12+$0x100];
	v11 =	vperm.xlane v5, v32;
	v9 =	vperm.xlane v5, v52;
	v6 =	vpop (erf)  }
0xcf: {  	v27 =	vld [tilespmem:s12+$0x0];
	v8 =	vperm.xlane v5, v55;
	v50 =	vperm.xlane v6, v31  }
0xd0: {  	v41 =	vimm.s32 $0x4;
	v28 =	vld [tilespmem:s12+$0x10];
	v47 =	vperm.xlane v6, v32;
	v49 =	vperm.xlane v6, v52  }
0xd1: {  	v39 =	vimm.s32 $0x5;
	v29 =	vld [tilespmem:s12+$0x20];
	v45 =	vperm.xlane v6, v55;
	v51 =	vperm.xlane v6, v41  }
0xd2: {  	v33 =	vld [tilespmem:s12+$0x30];
	v46 =	vperm.xlane v6, v39;
	v61 =	vperm.xlane v6, v7  }
0xd3: {  	v35 =	vld [tilespmem:s12+$0x40];
	v59 =	vperm.xlane v6, v38;
	v2 =	vmul.f32 v1, v0;
	v43 =	vpop (erf)  }
0xd4: {  	v40 =	vld [tilespmem:s12+$0x50];
	v60 =	vperm.xlane v43, v31;
	v58 =	vperm.xlane v43, v32  }
0xd5: {  	v37 =	vld [tilespmem:s12+$0x60];
	v57 =	vperm.xlane v43, v52;
	v56 =	vperm.xlane v43, v55  }
0xd6: {  	v30 =	vld [tilespmem:s12+$0x90];
	v34 =	vpop (erf);
	v54 =	vperm.xlane v43, v39;
	v53 =	vperm.xlane v43, v7  }
0xd7: {  	v36 =	vld [tilespmem:s12+$0xA0];
	v48 =	vperm.xlane v34, v31;
	v1 =	vperm.xlane v34, v32  }
0xd8: {  	v44 =	vld [tilespmem:s12+$0x70];
	v4 =	vperm.xlane v34, v52;
	v0 =	vperm.xlane v34, v55  }
0xd9: {  	[tilespmem:s12+$0x110] =	vst v5;
	v3 =	vperm.xlane v34, v41;
	v63 =	vperm.xlane v34, v39;
	v31 =	vld [tilespmem:s12+$0xB0]  }
0xda: {  	[tilespmem:s12+$0x100] =	vst v2;
	v2 =	vperm.xlane v34, v7;
	v62 =	vperm.xlane v34, v38;
	v32 =	vld [tilespmem:s12+$0xC0]  }
0xdb: {  	[tilespmem:s12+$0xFFFFFFF0] =	vst v6;
	v55 =	vperm.xlane v43, v41;
	v52 =	vperm.xlane v43, v38;
	v38 =	vld [tilespmem:s12+$0xD0]  }
0xdc: {  	[tilespmem:s12+$0xFFFFFF60] =	vst v34;
	v34 =	vld [tilespmem:s12+$0xE0];
	v41 =	vperm.xlane v5, v41;
	v39 =	vperm.xlane v5, v39  }
0xdd: {  	s17 =	simm.s32 $0x19E60;
	s16 =	simm.s32 $0x0;
	[tilespmem:s12+$0x80] =	vst v43;
	v43 =	vperm.xlane v5, v7;
	v48 =	vmul.f32 v48, v42;
	v42 =	vld [tilespmem:s12+$0xF0]  }
.LBB2_5:
0xde: {  	v5 =	vld [tilespmem:s17+$0x110];
	v1 =	vmul.f32 v1, v12;
	v4 =	vmul.f32 v4, v13;
	s15 =	sadd.s32 $0x40, s15  }
0xdf: {  	s16 =	sadd.s32 $0x4, s16;
	v0 =	vmul.f32 v0, v14;
	v3 =	vmul.f32 v3, v15;
	v6 =	vld [tilespmem:s15+$0x10];
	[tilespmem:s12+$0xFFFFFEE0] =	vst v48  }
0xe0: {  	v2 =	vmul.f32 v2, v17;
	p0 =	slt.u32 s16, $0x5C;
	v7 =	vld [tilespmem:s15+$0xFFFFFFE0];
	[tilespmem:s12+$0xFFFFFEF0] =	vst v1;
	v1 =	vmul.f32 v63, v16  }
0xe1: {  	v14 =	vmul.f32 v50, v19;
	v13 =	vld [tilespmem:s17+$0xFFFFFFF0];
	[tilespmem:s12+$0xFFFFFF00] =	vst v4;
	v4 =	vmul.f32 v62, v18  }
0xe2: {  	v16 =	vmul.f32 v49, v21;
	v15 =	vld [tilespmem:s15+$0xFFFFFFF0];
	[tilespmem:s12+$0xFFFFFF10] =	vst v0;
	v0 =	vmul.f32 v47, v20  }
0xe3: {  	v18 =	vmul.f32 v51, v24;
	v17 =	vld [tilespmem:s17+$0x80];
	[tilespmem:s12+$0xFFFFFF20] =	vst v3;
	v3 =	vmul.f32 v45, v22  }
0xe4: {  	v19 =	vld [tilespmem:s15+$0x0];
	v5 =	vadd.f32 v6, v5;
	[tilespmem:s12+$0xFFFFFF30] =	vst v1;
	v1 =	vmul.f32 v46, v23;
	v6 =	vmul.f32 v61, v25  }
0xe5: {  	v21 =	vmul.f32 v60, v27;
	v20 =	vld [tilespmem:s17+$0xFFFFFF60];
	[tilespmem:s12+$0xFFFFFF40] =	vst v2;
	v2 =	vmul.f32 v59, v26  }
0xe6: {  	v48 =	vld [tilespmem:s17+$0xFFFFFEE0];
	v22 =	vmul.f32 $2.000000030e-01, v5;
	[tilespmem:s12+$0xFFFFFF50] =	vst v4;
	v4 =	vmul.f32 v58, v28  }
0xe7: {  	v24 =	vmul.f32 v57, v29;
	v25 =	vmul.f32 v56, v33;
	v12 =	vld [tilespmem:s17+$0xFFFFFEF0];
	v23 =	vadd.f32 v15, v13;
	[tilespmem:s12+$0xFFFFFF70] =	vst v14  }
0xe8: {  	v26 =	vmul.f32 v54, v40;
	v13 =	vld [tilespmem:s17+$0xFFFFFF00];
	v5 =	vmax.f32 v5, v22;
	[tilespmem:s12+$0xFFFFFF80] =	vst v0;
	v0 =	vmul.f32 v55, v35  }
0xe9: {  	v14 =	vld [tilespmem:s17+$0xFFFFFF10];
	v22 =	vmul.f32 $2.000000030e-01, v23;
	v19 =	vadd.f32 v19, v17;
	v5 =	vmul.f32 $1.442695020e+00, v5;
	[tilespmem:s12+$0xFFFFFF90] =	vst v16  }
0xea: {  	v27 =	vmul.f32 v52, v44;
	v15 =	vld [tilespmem:s17+$0xFFFFFF20];
	v7 =	vadd.f32 v7, v20;
	[tilespmem:s12+$0xFFFFFFA0] =	vst v3;
	v3 =	vmul.f32 v53, v37  }
0xeb: {  	v16 =	vld [tilespmem:s17+$0xFFFFFF30];
	v20 =	vmax.f32 v23, v22;
	v22 =	vmul.f32 $2.000000030e-01, v19;
	(erf) = vpow2.f32 v5;
	[tilespmem:s12+$0xFFFFFFB0] =	vst v18  }
0xec: {  	v17 =	vld [tilespmem:s17+$0xFFFFFF40];
	v5 =	vmul.f32 $2.000000030e-01, v7;
	v20 =	vmul.f32 $1.442695020e+00, v20;
	[tilespmem:s12+$0xFFFFFFC0] =	vst v1  }
0xed: {  	v29 =	vmul.f32 v11, v36;
	v18 =	vld [tilespmem:s17+$0xFFFFFF50];
	v1 =	vmax.f32 v19, v22;
	[tilespmem:s12+$0xFFFFFFD0] =	vst v6;
	v6 =	vmul.f32 v10, v30  }
0xee: {  	v5 =	vmax.f32 v7, v5;
	v19 =	vld [tilespmem:s17+$0xFFFFFF70];
	v1 =	vmul.f32 $1.442695020e+00, v1;
	(erf) = vpow2.f32 v20;
	[tilespmem:s12+$0xFFFFFFE0] =	vst v2  }
0xef: {  	v2 =	vmul.f32 $1.442695020e+00, v5;
	v20 =	vld [tilespmem:s17+$0xFFFFFF80];
	[tilespmem:s12+$0x0] =	vst v21;
	v5 =	vmul.f32 v9, v31  }
0xf0: {  	v21 =	vld [tilespmem:s17+$0xFFFFFF90];
	(erf) = vpow2.f32 v1;
	[tilespmem:s12+$0x10] =	vst v4;
	v4 =	vmul.f32 v8, v32  }
0xf1: {  	v22 =	vld [tilespmem:s17+$0xFFFFFFA0];
	(erf) = vpow2.f32 v2;
	[tilespmem:s12+$0x20] =	vst v24;
	v2 =	vmul.f32 v41, v38  }
0xf2: {  	v30 =	vmul.f32 v43, v42;
	v7 =	vmul.f32 v39, v34;
	v1 =	vld [tilespmem:s17+$0x100];
	[tilespmem:s12+$0x30] =	vst v25  }
0xf3: {  	v24 =	vld [tilespmem:s17+$0xFFFFFFB0];
	[tilespmem:s12+$0x40] =	vst v0  }
0xf4: {  	v52 =	vimm.s32 $0x2;
	v34 =	vimm.s32 $0x0;
	v38 =	vimm.s32 $0x7;
	v23 =	vld [tilespmem:s17+$0xFFFFFFC0];
	v43 =	vpop (erf);
	[tilespmem:s12+$0x50] =	vst v26  }
0xf5: {  	v36 =	vimm.s32 $0x1;
	v25 =	vld [tilespmem:s17+$0xFFFFFFD0];
	v10 =	vperm.xlane v43, v34;
	v0 =	vperm.xlane v43, v38;
	[tilespmem:s12+$0x60] =	vst v3  }
0xf6: {  	v42 =	vimm.s32 $0x3;
	v11 =	vperm.xlane v43, v36;
	v9 =	vperm.xlane v43, v52;
	v26 =	vld [tilespmem:s17+$0xFFFFFFE0];
	[tilespmem:s12+$0x70] =	vst v27  }
0xf7: {  	v8 =	vperm.xlane v43, v42;
	v27 =	vld [tilespmem:s17+$0x0];
	v0 =	vmul.f32 v0, v1;
	v31 =	vpop (erf);
	[tilespmem:s12+$0x90] =	vst v6  }
0xf8: {  	v39 =	vimm.s32 $0x5;
	v50 =	vperm.xlane v31, v34;
	v47 =	vperm.xlane v31, v36;
	v28 =	vld [tilespmem:s17+$0x10];
	[tilespmem:s12+$0xA0] =	vst v29  }
0xf9: {  	v41 =	vimm.s32 $0x4;
	v49 =	vperm.xlane v31, v52;
	v45 =	vperm.xlane v31, v42;
	v29 =	vld [tilespmem:s17+$0x20];
	[tilespmem:s17+$0x100] =	vst v0;
	v6 =	vpop (erf)  }
0xfa: {  	v51 =	vperm.xlane v31, v41;
	v46 =	vperm.xlane v31, v39;
	v33 =	vld [tilespmem:s17+$0x30];
	v32 =	vpop (erf);
	[tilespmem:s12+$0xB0] =	vst v5  }
0xfb: {  	v5 =	vperm.xlane v32, v34;
	v1 =	vperm.xlane v32, v36;
	v35 =	vld [tilespmem:s17+$0x40];
	[tilespmem:s12+$0xC0] =	vst v4  }
0xfc: {  	v4 =	vperm.xlane v32, v52;
	v0 =	vperm.xlane v32, v42;
	v40 =	vld [tilespmem:s17+$0x50];
	[tilespmem:s12+$0xD0] =	vst v2  }
0xfd: {  	v3 =	vperm.xlane v32, v41;
	v63 =	vperm.xlane v32, v39;
	v37 =	vld [tilespmem:s17+$0x60];
	[tilespmem:s12+$0xE0] =	vst v7;
	v7 =	vimm.s32 $0x6  }
0xfe: {  	v62 =	vperm.xlane v32, v38;
	v2 =	vperm.xlane v32, v7;
	v44 =	vld [tilespmem:s17+$0x70];
	[tilespmem:s12+$0xF0] =	vst v30;
	s12 =	smov.u32 s17  }
0xff: {  	v59 =	vperm.xlane v31, v38;
	v61 =	vperm.xlane v31, v7;
	[tilespmem:s17+$0xFFFFFF60] =	vst v32;
	v30 =	vld [tilespmem:s17+$0x90]  }
0x100: {  	v60 =	vperm.xlane v6, v34;
	v58 =	vperm.xlane v6, v36;
	[tilespmem:s17+$0xFFFFFFF0] =	vst v31;
	v36 =	vld [tilespmem:s17+$0xA0]  }
.Ltmp1:
0x101: {  	v57 =	vperm.xlane v6, v52;
	v56 =	vperm.xlane v6, v42;
	[tilespmem:s17+$0x80] =	vst v6;
	v31 =	vld [tilespmem:s17+$0xB0];
	(pc) =	sbr.rel @p0 .LBB2_5-.Ltmp1, $4  }
0x102: {  	v55 =	vperm.xlane v6, v41;
	v54 =	vperm.xlane v6, v39;
	v32 =	vld [tilespmem:s17+$0xC0];
	[tilespmem:s17+$0x110] =	vst v43  }
0x103: {  	v52 =	vperm.xlane v6, v38;
	v53 =	vperm.xlane v6, v7;
	v38 =	vld [tilespmem:s17+$0xD0]  }
0x104: {  	v41 =	vperm.xlane v43, v41;
	v39 =	vperm.xlane v43, v39;
	v34 =	vld [tilespmem:s17+$0xE0]  }
0x105: {  	v48 =	vmul.f32 v5, v48;
	v43 =	vperm.xlane v43, v7;
	s17 =	sadd.s32 $0x240, s17;
	v42 =	vld [tilespmem:s12+$0xF0]  }
0x106: {  	v1 =	vmul.f32 v1, v12  }
0x107: {  	v4 =	vmul.f32 v4, v13;
	[tilespmem:s12+$0xFFFFFEE0] =	vst v48  }
0x108: {  	v0 =	vmul.f32 v0, v14;
	[tilespmem:s12+$0xFFFFFEF0] =	vst v1  }
0x109: {  	v14 =	vmul.f32 v3, v15;
	[tilespmem:s12+$0xFFFFFF00] =	vst v4  }
0x10a: {  	v15 =	vmul.f32 v63, v16;
	[tilespmem:s12+$0xFFFFFF10] =	vst v0  }
0x10b: {  	v16 =	vmul.f32 v2, v17;
	[tilespmem:s12+$0xFFFFFF20] =	vst v14  }
0x10c: {  	v17 =	vmul.f32 v62, v18;
	[tilespmem:s12+$0xFFFFFF30] =	vst v15  }
0x10d: {  	v18 =	vmul.f32 v50, v19;
	[tilespmem:s12+$0xFFFFFF40] =	vst v16  }
0x10e: {  	v19 =	vmul.f32 v47, v20;
	[tilespmem:s12+$0xFFFFFF50] =	vst v17  }
0x10f: {  	v20 =	vmul.f32 v49, v21;
	[tilespmem:s12+$0xFFFFFF70] =	vst v18  }
0x110: {  	v21 =	vmul.f32 v45, v22;
	[tilespmem:s12+$0xFFFFFF80] =	vst v19  }
0x111: {  	v22 =	vmul.f32 v51, v24;
	[tilespmem:s12+$0xFFFFFF90] =	vst v20  }
0x112: {  	v24 =	vmul.f32 v46, v23;
	[tilespmem:s12+$0xFFFFFFA0] =	vst v21  }
0x113: {  	v45 =	vmul.f32 v61, v25;
	[tilespmem:s12+$0xFFFFFFB0] =	vst v22  }
0x114: {  	v46 =	vmul.f32 v59, v26;
	[tilespmem:s12+$0xFFFFFFC0] =	vst v24  }
0x115: {  	v47 =	vmul.f32 v60, v27;
	[tilespmem:s12+$0xFFFFFFD0] =	vst v45  }
0x116: {  	v49 =	vmul.f32 v57, v29;
	[tilespmem:s12+$0xFFFFFFE0] =	vst v46  }
0x117: {  	v50 =	vmul.f32 v56, v33;
	[tilespmem:s12+$0x0] =	vst v47  }
0x118: {  	v51 =	vmul.f32 v55, v35;
	[tilespmem:s12+$0x20] =	vst v49  }
0x119: {  	v54 =	vmul.f32 v54, v40;
	[tilespmem:s12+$0x30] =	vst v50  }
0x11a: {  	v55 =	vmul.f32 v53, v37;
	[tilespmem:s12+$0x40] =	vst v51  }
0x11b: {  	v56 =	vmul.f32 v52, v44;
	[tilespmem:s12+$0x50] =	vst v54  }
0x11c: {  	v57 =	vmul.f32 v10, v30;
	[tilespmem:s12+$0x60] =	vst v55  }
0x11d: {  	v59 =	vmul.f32 v9, v31;
	[tilespmem:s12+$0x70] =	vst v56  }
0x11e: {  	v48 =	vmul.f32 v58, v28;
	[tilespmem:s12+$0x90] =	vst v57  }
0x11f: {  	v58 =	vmul.f32 v11, v36;
	[tilespmem:s12+$0xB0] =	vst v59  }
0x120: {  	v60 =	vmul.f32 v8, v32;
	[tilespmem:s12+$0x10] =	vst v48  }
0x121: {  	v61 =	vmul.f32 v41, v38;
	[tilespmem:s12+$0xA0] =	vst v58  }
0x122: {  	v62 =	vmul.f32 v39, v34;
	[tilespmem:s12+$0xC0] =	vst v60  }
0x123: {  	s25 =	sadd.s32 $0x1, s25;
	v63 =	vmul.f32 v43, v42;
	[tilespmem:s12+$0xD0] =	vst v61  }
0x124: {  	p0 =	sne.s32 s25, $0x35;
	[tilespmem:s12+$0xE0] =	vst v62  }
.Ltmp2:
0x125: {  	[tilespmem:s12+$0xF0] =	vst v63;
	(pc) =	sbr.rel @p0 .LBB2_2-.Ltmp2, $4  }
0x126: {  	[spmem:s1] =	stream.indirect.scatter.add.f32 [tilespmem:s28], [sflag:$0x3], $0x90, s29, s22, $0xb8;
	[tilespmem:$0x1DD00] =	vst v63  }
0x127: {  	v31 =	vimm.s32 $0x0;
	_ =	swait.ge [sflag:s20], $0x3600  }
0x128: {  	v30 =	vimm.s32 $0x4;
	v33 =	vimm.s32 $0x5;
	v32 =	vimm.s32 $0x1;
	[sflag:s20] =	ssyncset.done $0x0  }
0x129: {  	v36 =	vimm.s32 $0x7;
	v41 =	vimm.s32 $0x3;
	v39 =	vimm.s32 $0x2;
	[sflag:s20] =	ssyncadd.s32 $0xFFFFCA00  }
0x12a: {  	[bflag:$0x0] =	sbarrier.arrive $0xFFFF  }
0x12b: {  	s12 =	rddreg [dreg:$0x4]  }
0x12c: {  	[hbm:s12], [sflag:s11] =	dma.local [spmem:s19], $0x2C70  }
0x12d: {  	_ =	swait.ge [sflag:s20], $0x2C70  }
0x12e: {  	[sflag:s20] =	ssyncset.done $0x0  }
0x12f: {  	[sflag:s20] =	ssyncadd.s32 $0xFFFFD390  }
0x130: {  	[bflag:$0x0] =	sbarrier.arrive $0xFFFF  }
0x131: {  	[spmem:s19], [sflag:s11] =	dma.local [hbm:s10], $0x2C70  }
0x132: {  	_ =	swait.ge [sflag:s20], $0x2C70  }
0x133: {  	[sflag:s20] =	ssyncset.done $0x0  }
0x134: {  	[sflag:s20] =	ssyncadd.s32 $0xFFFFD390  }
0x135: {  	[bflag:$0x0] =	sbarrier.arrive $0xFFFF  }
0x136: {  	s25 =	simm.s32 $0x0;
	s17 =	rddreg [dreg:$0x5]  }
0x137: {  	[tilespmem:s21], [sflag:$0x3] =	stream.linear.gather [hbm4b:s17+s25], $0xC0, $0x38;
	[tilespmem:$0x1DD00] =	vst v63  }
0x138: {  	_ =	swait.ge [sflag:s20], $0xC0  }
0x139: {  	[sflag:s20] =	ssyncset.done $0x0  }
0x13a: {  	[sflag:s20] =	ssyncadd.s32 $0xFFFFFF40  }
0x13b: {  	[tilespmem:s23], [sflag:$0x1] =	stream.indirect.gather [hbm4b:s7+s22], $0x90, s21, s22, $0xb8;
	[tilespmem:$0x1DD00] =	vst v63  }
0x13c: {  	s18 =	simm.s32 $0x1D100  }
0x13d: {  	[tilespmem:s18], [sflag:$0x1] =	stream.indirect.gather [hbm4b:s8+s22], $0x10, s24, s22, $0xb8;
	[tilespmem:$0x1DD00] =	vst v63  }
.LBB2_8:
0x13e: {  	s12 =	sshll.u32 s25, $0x1  }
0x13f: {  	s15 =	sadd.s32 s12, s13  }
0x140: {  	s15 =	smul.u32 $0x18, s15;
	_ =	sdelay $0x1  }
0x141: {  	s15 =	sadd.s32 s9, s15  }
0x142: {  	[tilespmem:s26], [sflag:$0x3] =	stream.linear.gather [hbm4b:s15+s3], $0xC0, $0x38;
	[tilespmem:$0x1DD00] =	vst v63  }
0x143: {  	_ =	swait.ge [sflag:s20], $0xC0  }
0x144: {  	[sflag:s20] =	ssyncset.done $0x0  }
0x145: {  	[sflag:s20] =	ssyncadd.s32 $0xFFFFFF40  }
0x146: {  	[tilespmem:s28], [sflag:$0x2] =	stream.indirect.gather [hbm4b:s7+s22], $0x90, s26, s22, $0xb8;
	[tilespmem:$0x1DD00] =	vst v63  }
0x147: {  	_ = 	snop  }
0x148: {  	[tilespmem:s30], [sflag:$0x2] =	stream.indirect.gather [hbm4b:s8+s22], $0x10, s29, s22, $0xb8;
	[tilespmem:$0x1DD00] =	vst v63  }
0x149: {  	_ =	swait.ge [sflag:s31], $0x3600  }
0x14a: {  	[sflag:s31] =	ssyncset.done $0x0  }
0x14b: {  	[sflag:s31] =	ssyncadd.s32 $0xFFFFCA00  }
0x14c: {  	_ =	swait.ge [sflag:s31], $0x600  }
0x14d: {  	[sflag:s31] =	ssyncset.done $0x0  }
0x14e: {  	s15 =	simm.s32 $0x16620;
	[sflag:s31] =	ssyncadd.s32 $0xFFFFFA00  }
0x14f: {  	s16 =	simm.s32 $0x1D120;
	v0 =	vld [tilespmem:s15+$0x110]  }
0x150: {  	v1 =	vld [tilespmem:s16+$0x10]  }
0x151: {  	v2 =	vld [tilespmem:s16+$0xFFFFFFE0]  }
0x152: {  	v3 =	vld [tilespmem:s15+$0xFFFFFFF0]  }
0x153: {  	v4 =	vld [tilespmem:s16+$0xFFFFFFF0]  }
0x154: {  	v5 =	vld [tilespmem:s15+$0x80]  }
0x155: {  	v6 =	vld [tilespmem:s16+$0x0]  }
0x156: {  	v7 =	vld [tilespmem:s15+$0xFFFFFEE0]  }
0x157: {  	v0 =	vadd.f32 v1, v0;
	v1 =	vld [tilespmem:s15+$0xFFFFFF60];
	_ =	sdelay $0x1  }
0x158: {  	v3 =	vadd.f32 v4, v3;
	v8 =	vmul.f32 $2.000000030e-01, v0;
	_ =	sdelay $0x1  }
0x159: {  	[tilespmem:$0x1FFD0] =	vst v7;
	v5 =	vadd.f32 v6, v5;
	v4 =	vmul.f32 $2.000000030e-01, v3;
	v0 =	vmax.f32 v0, v8  }
0x15a: {  	v12 =	vld [tilespmem:s15+$0xFFFFFEF0];
	v0 =	vmul.f32 $1.442695020e+00, v0;
	v1 =	vadd.f32 v2, v1  }
0x15b: {  	v13 =	vld [tilespmem:s15+$0xFFFFFF00];
	v2 =	vmax.f32 v3, v4;
	v3 =	vmul.f32 $2.000000030e-01, v5  }
0x15c: {  	v14 =	vld [tilespmem:s15+$0xFFFFFF10];
	(erf) = vpow2.f32 v0;
	v0 =	vmul.f32 $2.000000030e-01, v1  }
0x15d: {  	v15 =	vld [tilespmem:s15+$0xFFFFFF20];
	v2 =	vmul.f32 $1.442695020e+00, v2;
	v3 =	vmax.f32 v5, v3  }
0x15e: {  	v16 =	vld [tilespmem:s15+$0xFFFFFF30];
	v0 =	vmax.f32 v1, v0;
	v1 =	vmul.f32 $1.442695020e+00, v3  }
0x15f: {  	v17 =	vld [tilespmem:s15+$0xFFFFFF40];
	(erf) = vpow2.f32 v2;
	v0 =	vmul.f32 $1.442695020e+00, v0  }
0x160: {  	v18 =	vld [tilespmem:s15+$0xFFFFFF50];
	(erf) = vpow2.f32 v1  }
0x161: {  	v19 =	vld [tilespmem:s15+$0xFFFFFF70];
	(erf) = vpow2.f32 v0  }
0x162: {  	v20 =	vld [tilespmem:s15+$0xFFFFFF80]  }
0x163: {  	v21 =	vld [tilespmem:s15+$0xFFFFFF90]  }
0x164: {  	v22 =	vld [tilespmem:s15+$0xFFFFFFA0]  }
0x165: {  	v24 =	vld [tilespmem:s15+$0xFFFFFFB0]  }
0x166: {  	v0 =	vld [tilespmem:s15+$0x100]  }
0x167: {  	v23 =	vld [tilespmem:s15+$0xFFFFFFC0];
	v5 =	vpop (erf)  }
0x168: {  	v25 =	vld [tilespmem:s15+$0xFFFFFFD0];
	v6 =	vpop (erf)  }
0x169: {  	v26 =	vld [tilespmem:s15+$0xFFFFFFE0];
	v1 =	vperm.xlane v5, v36;
	v42 =	vpop (erf)  }
0x16a: {  	v27 =	vld [tilespmem:s15+$0x0];
	v10 =	vperm.xlane v5, v31;
	v34 =	vpop (erf)  }
0x16b: {  	v28 =	vld [tilespmem:s15+$0x10];
	v2 =	vmul.f32 v1, v0;
	v0 =	vperm.xlane v34, v31  }
0x16c: {  	v29 =	vld [tilespmem:s15+$0x20];
	v11 =	vperm.xlane v5, v32;
	v9 =	vperm.xlane v5, v39  }
0x16d: {  	v50 =	vperm.xlane v6, v31;
	v46 =	vperm.xlane v6, v33;
	v33 =	vld [tilespmem:s15+$0x30];
	[tilespmem:$0x1FFE0] =	vst v0  }
0x16e: {  	v47 =	vperm.xlane v6, v32;
	v49 =	vperm.xlane v6, v39;
	v35 =	vld [tilespmem:s15+$0x40]  }
0x16f: {  	v7 =	vimm.s32 $0x6;
	v45 =	vperm.xlane v6, v41;
	v51 =	vperm.xlane v6, v30;
	v40 =	vld [tilespmem:s15+$0x50];
	[tilespmem:s15+$0x100] =	vst v2  }
0x170: {  	v61 =	vperm.xlane v6, v7;
	v59 =	vperm.xlane v6, v36;
	v37 =	vld [tilespmem:s15+$0x60];
	[tilespmem:s15+$0x110] =	vst v5  }
0x171: {  	v60 =	vperm.xlane v42, v31;
	v3 =	vperm.xlane v34, v30;
	v30 =	vld [tilespmem:s15+$0x90];
	[tilespmem:s15+$0xFFFFFF60] =	vst v34  }
0x172: {  	v48 =	vimm.s32 $0x5;
	v58 =	vperm.xlane v42, v32;
	v62 =	vperm.xlane v34, v36;
	v36 =	vld [tilespmem:s15+$0xA0];
	[tilespmem:s15+$0xFFFFFFF0] =	vst v6  }
0x173: {  	v43 =	vimm.s32 $0x4;
	v57 =	vperm.xlane v42, v39;
	v56 =	vperm.xlane v42, v41;
	v31 =	vld [tilespmem:s15+$0xB0];
	[tilespmem:s15+$0x80] =	vst v42  }
0x174: {  	v52 =	vimm.s32 $0x7;
	v55 =	vperm.xlane v42, v43;
	v54 =	vperm.xlane v42, v48;
	v6 =	vld [tilespmem:$0x1FFD0]  }
0x175: {  	v53 =	vperm.xlane v42, v7;
	v52 =	vperm.xlane v42, v52;
	v42 =	vld [tilespmem:$0x1FFE0]  }
0x176: {  	v8 =	vperm.xlane v5, v41;
	v1 =	vperm.xlane v34, v32;
	v32 =	vld [tilespmem:s15+$0xC0]  }
0x177: {  	v4 =	vperm.xlane v34, v39;
	v63 =	vperm.xlane v34, v48;
	v44 =	vld [tilespmem:s15+$0x70]  }
0x178: {  	v39 =	vperm.xlane v5, v48;
	v0 =	vperm.xlane v34, v41;
	v38 =	vld [tilespmem:s15+$0xD0]  }
0x179: {  	v41 =	vperm.xlane v5, v43;
	v2 =	vperm.xlane v34, v7;
	v34 =	vld [tilespmem:s15+$0xE0]  }
0x17a: {  	s17 =	simm.s32 $0x0;
	s18 =	simm.s32 $0x16860;
	v43 =	vperm.xlane v5, v7;
	v48 =	vmul.f32 v42, v6;
	v42 =	vld [tilespmem:s15+$0xF0]  }
.LBB2_9:
0x17b: {  	v5 =	vld [tilespmem:s18+$0x110];
	v1 =	vmul.f32 v1, v12;
	v4 =	vmul.f32 v4, v13;
	s16 =	sadd.s32 $0x40, s16  }
0x17c: {  	s17 =	sadd.s32 $0x4, s17;
	v0 =	vmul.f32 v0, v14;
	v3 =	vmul.f32 v3, v15;
	v6 =	vld [tilespmem:s16+$0x10];
	[tilespmem:s15+$0xFFFFFEE0] =	vst v48  }
0x17d: {  	v2 =	vmul.f32 v2, v17;
	p0 =	slt.u32 s17, $0x5C;
	v7 =	vld [tilespmem:s16+$0xFFFFFFE0];
	[tilespmem:s15+$0xFFFFFEF0] =	vst v1;
	v1 =	vmul.f32 v63, v16  }
0x17e: {  	v14 =	vmul.f32 v50, v19;
	v13 =	vld [tilespmem:s18+$0xFFFFFFF0];
	[tilespmem:s15+$0xFFFFFF00] =	vst v4;
	v4 =	vmul.f32 v62, v18  }
0x17f: {  	v16 =	vmul.f32 v49, v21;
	v15 =	vld [tilespmem:s16+$0xFFFFFFF0];
	[tilespmem:s15+$0xFFFFFF10] =	vst v0;
	v0 =	vmul.f32 v47, v20  }
0x180: {  	v18 =	vmul.f32 v51, v24;
	v17 =	vld [tilespmem:s18+$0x80];
	[tilespmem:s15+$0xFFFFFF20] =	vst v3;
	v3 =	vmul.f32 v45, v22  }
0x181: {  	v19 =	vld [tilespmem:s16+$0x0];
	v5 =	vadd.f32 v6, v5;
	[tilespmem:s15+$0xFFFFFF30] =	vst v1;
	v1 =	vmul.f32 v46, v23;
	v6 =	vmul.f32 v61, v25  }
0x182: {  	v21 =	vmul.f32 v60, v27;
	v20 =	vld [tilespmem:s18+$0xFFFFFF60];
	[tilespmem:s15+$0xFFFFFF40] =	vst v2;
	v2 =	vmul.f32 v59, v26  }
0x183: {  	v48 =	vld [tilespmem:s18+$0xFFFFFEE0];
	v22 =	vmul.f32 $2.000000030e-01, v5;
	[tilespmem:s15+$0xFFFFFF50] =	vst v4;
	v4 =	vmul.f32 v58, v28  }
0x184: {  	v24 =	vmul.f32 v57, v29;
	v25 =	vmul.f32 v56, v33;
	v12 =	vld [tilespmem:s18+$0xFFFFFEF0];
	v23 =	vadd.f32 v15, v13;
	[tilespmem:s15+$0xFFFFFF70] =	vst v14  }
0x185: {  	v26 =	vmul.f32 v54, v40;
	v13 =	vld [tilespmem:s18+$0xFFFFFF00];
	v5 =	vmax.f32 v5, v22;
	[tilespmem:s15+$0xFFFFFF80] =	vst v0;
	v0 =	vmul.f32 v55, v35  }
0x186: {  	v14 =	vld [tilespmem:s18+$0xFFFFFF10];
	v22 =	vmul.f32 $2.000000030e-01, v23;
	v19 =	vadd.f32 v19, v17;
	v5 =	vmul.f32 $1.442695020e+00, v5;
	[tilespmem:s15+$0xFFFFFF90] =	vst v16  }
0x187: {  	v27 =	vmul.f32 v52, v44;
	v15 =	vld [tilespmem:s18+$0xFFFFFF20];
	v7 =	vadd.f32 v7, v20;
	[tilespmem:s15+$0xFFFFFFA0] =	vst v3;
	v3 =	vmul.f32 v53, v37  }
0x188: {  	v16 =	vld [tilespmem:s18+$0xFFFFFF30];
	v20 =	vmax.f32 v23, v22;
	v22 =	vmul.f32 $2.000000030e-01, v19;
	(erf) = vpow2.f32 v5;
	[tilespmem:s15+$0xFFFFFFB0] =	vst v18  }
0x189: {  	v17 =	vld [tilespmem:s18+$0xFFFFFF40];
	v5 =	vmul.f32 $2.000000030e-01, v7;
	v20 =	vmul.f32 $1.442695020e+00, v20;
	[tilespmem:s15+$0xFFFFFFC0] =	vst v1  }
0x18a: {  	v29 =	vmul.f32 v11, v36;
	v18 =	vld [tilespmem:s18+$0xFFFFFF50];
	v1 =	vmax.f32 v19, v22;
	[tilespmem:s15+$0xFFFFFFD0] =	vst v6;
	v6 =	vmul.f32 v10, v30  }
0x18b: {  	v5 =	vmax.f32 v7, v5;
	v19 =	vld [tilespmem:s18+$0xFFFFFF70];
	v1 =	vmul.f32 $1.442695020e+00, v1;
	(erf) = vpow2.f32 v20;
	[tilespmem:s15+$0xFFFFFFE0] =	vst v2  }
0x18c: {  	v2 =	vmul.f32 $1.442695020e+00, v5;
	v20 =	vld [tilespmem:s18+$0xFFFFFF80];
	[tilespmem:s15+$0x0] =	vst v21;
	v5 =	vmul.f32 v9, v31  }
0x18d: {  	v21 =	vld [tilespmem:s18+$0xFFFFFF90];
	(erf) = vpow2.f32 v1;
	[tilespmem:s15+$0x10] =	vst v4;
	v4 =	vmul.f32 v8, v32  }
0x18e: {  	v22 =	vld [tilespmem:s18+$0xFFFFFFA0];
	(erf) = vpow2.f32 v2;
	[tilespmem:s15+$0x20] =	vst v24;
	v2 =	vmul.f32 v41, v38  }
0x18f: {  	v30 =	vmul.f32 v43, v42;
	v7 =	vmul.f32 v39, v34;
	v1 =	vld [tilespmem:s18+$0x100];
	[tilespmem:s15+$0x30] =	vst v25  }
0x190: {  	v24 =	vld [tilespmem:s18+$0xFFFFFFB0];
	[tilespmem:s15+$0x40] =	vst v0  }
0x191: {  	v52 =	vimm.s32 $0x2;
	v34 =	vimm.s32 $0x0;
	v38 =	vimm.s32 $0x7;
	v23 =	vld [tilespmem:s18+$0xFFFFFFC0];
	v43 =	vpop (erf);
	[tilespmem:s15+$0x50] =	vst v26  }
0x192: {  	v36 =	vimm.s32 $0x1;
	v25 =	vld [tilespmem:s18+$0xFFFFFFD0];
	v10 =	vperm.xlane v43, v34;
	v0 =	vperm.xlane v43, v38;
	[tilespmem:s15+$0x60] =	vst v3  }
0x193: {  	v42 =	vimm.s32 $0x3;
	v11 =	vperm.xlane v43, v36;
	v9 =	vperm.xlane v43, v52;
	v26 =	vld [tilespmem:s18+$0xFFFFFFE0];
	[tilespmem:s15+$0x70] =	vst v27  }
0x194: {  	v8 =	vperm.xlane v43, v42;
	v27 =	vld [tilespmem:s18+$0x0];
	v0 =	vmul.f32 v0, v1;
	v31 =	vpop (erf);
	[tilespmem:s15+$0x90] =	vst v6  }
0x195: {  	v39 =	vimm.s32 $0x5;
	v50 =	vperm.xlane v31, v34;
	v47 =	vperm.xlane v31, v36;
	v28 =	vld [tilespmem:s18+$0x10];
	[tilespmem:s15+$0xA0] =	vst v29  }
0x196: {  	v41 =	vimm.s32 $0x4;
	v49 =	vperm.xlane v31, v52;
	v45 =	vperm.xlane v31, v42;
	v29 =	vld [tilespmem:s18+$0x20];
	[tilespmem:s18+$0x100] =	vst v0;
	v6 =	vpop (erf)  }
0x197: {  	v51 =	vperm.xlane v31, v41;
	v46 =	vperm.xlane v31, v39;
	v33 =	vld [tilespmem:s18+$0x30];
	v32 =	vpop (erf);
	[tilespmem:s15+$0xB0] =	vst v5  }
0x198: {  	v5 =	vperm.xlane v32, v34;
	v1 =	vperm.xlane v32, v36;
	v35 =	vld [tilespmem:s18+$0x40];
	[tilespmem:s15+$0xC0] =	vst v4  }
0x199: {  	v4 =	vperm.xlane v32, v52;
	v0 =	vperm.xlane v32, v42;
	v40 =	vld [tilespmem:s18+$0x50];
	[tilespmem:s15+$0xD0] =	vst v2  }
0x19a: {  	v3 =	vperm.xlane v32, v41;
	v63 =	vperm.xlane v32, v39;
	v37 =	vld [tilespmem:s18+$0x60];
	[tilespmem:s15+$0xE0] =	vst v7;
	v7 =	vimm.s32 $0x6  }
0x19b: {  	v62 =	vperm.xlane v32, v38;
	v2 =	vperm.xlane v32, v7;
	v44 =	vld [tilespmem:s18+$0x70];
	[tilespmem:s15+$0xF0] =	vst v30;
	s15 =	smov.u32 s18  }
0x19c: {  	v59 =	vperm.xlane v31, v38;
	v61 =	vperm.xlane v31, v7;
	[tilespmem:s18+$0xFFFFFF60] =	vst v32;
	v30 =	vld [tilespmem:s18+$0x90]  }
0x19d: {  	v60 =	vperm.xlane v6, v34;
	v58 =	vperm.xlane v6, v36;
	[tilespmem:s18+$0xFFFFFFF0] =	vst v31;
	v36 =	vld [tilespmem:s18+$0xA0]  }
.Ltmp3:
0x19e: {  	v57 =	vperm.xlane v6, v52;
	v56 =	vperm.xlane v6, v42;
	[tilespmem:s18+$0x80] =	vst v6;
	v31 =	vld [tilespmem:s18+$0xB0];
	(pc) =	sbr.rel @p0 .LBB2_9-.Ltmp3, $4  }
0x19f: {  	v55 =	vperm.xlane v6, v41;
	v54 =	vperm.xlane v6, v39;
	v32 =	vld [tilespmem:s18+$0xC0];
	[tilespmem:s18+$0x110] =	vst v43  }
0x1a0: {  	v52 =	vperm.xlane v6, v38;
	v53 =	vperm.xlane v6, v7;
	v38 =	vld [tilespmem:s18+$0xD0]  }
0x1a1: {  	v41 =	vperm.xlane v43, v41;
	v39 =	vperm.xlane v43, v39;
	v34 =	vld [tilespmem:s18+$0xE0]  }
0x1a2: {  	v48 =	vmul.f32 v5, v48;
	v43 =	vperm.xlane v43, v7;
	s18 =	sadd.s32 $0x240, s18;
	v42 =	vld [tilespmem:s15+$0xF0]  }
0x1a3: {  	v1 =	vmul.f32 v1, v12  }
0x1a4: {  	v4 =	vmul.f32 v4, v13;
	[tilespmem:s15+$0xFFFFFEE0] =	vst v48  }
0x1a5: {  	v0 =	vmul.f32 v0, v14;
	[tilespmem:s15+$0xFFFFFEF0] =	vst v1  }
0x1a6: {  	v1 =	vmul.f32 v3, v15;
	[tilespmem:s15+$0xFFFFFF00] =	vst v4  }
0x1a7: {  	v3 =	vmul.f32 v63, v16;
	[tilespmem:s15+$0xFFFFFF10] =	vst v0  }
0x1a8: {  	v0 =	vmul.f32 v2, v17;
	[tilespmem:s15+$0xFFFFFF20] =	vst v1  }
0x1a9: {  	v2 =	vmul.f32 v50, v19;
	[tilespmem:s15+$0xFFFFFF30] =	vst v3  }
0x1aa: {  	v1 =	vmul.f32 v62, v18;
	[tilespmem:s15+$0xFFFFFF40] =	vst v0  }
0x1ab: {  	v0 =	vmul.f32 v47, v20;
	[tilespmem:s15+$0xFFFFFF70] =	vst v2  }
0x1ac: {  	v2 =	vmul.f32 v45, v22;
	[tilespmem:s15+$0xFFFFFF50] =	vst v1  }
0x1ad: {  	v1 =	vmul.f32 v49, v21;
	[tilespmem:s15+$0xFFFFFF80] =	vst v0  }
0x1ae: {  	v0 =	vmul.f32 v51, v24;
	[tilespmem:s15+$0xFFFFFFA0] =	vst v2  }
0x1af: {  	v2 =	vmul.f32 v61, v25;
	[tilespmem:s15+$0xFFFFFF90] =	vst v1  }
0x1b0: {  	v1 =	vmul.f32 v46, v23;
	[tilespmem:s15+$0xFFFFFFB0] =	vst v0  }
0x1b1: {  	v0 =	vmul.f32 v59, v26;
	[tilespmem:s15+$0xFFFFFFD0] =	vst v2  }
0x1b2: {  	v2 =	vmul.f32 v58, v28;
	[tilespmem:s15+$0xFFFFFFC0] =	vst v1  }
0x1b3: {  	v1 =	vmul.f32 v60, v27;
	[tilespmem:s15+$0xFFFFFFE0] =	vst v0  }
0x1b4: {  	v0 =	vmul.f32 v57, v29;
	[tilespmem:s15+$0x10] =	vst v2  }
0x1b5: {  	v2 =	vmul.f32 v55, v35;
	[tilespmem:s15+$0x0] =	vst v1  }
0x1b6: {  	v1 =	vmul.f32 v56, v33;
	[tilespmem:s15+$0x20] =	vst v0  }
0x1b7: {  	v0 =	vmul.f32 v54, v40;
	[tilespmem:s15+$0x40] =	vst v2  }
0x1b8: {  	v2 =	vmul.f32 v52, v44;
	[tilespmem:s15+$0x30] =	vst v1  }
0x1b9: {  	v1 =	vmul.f32 v53, v37;
	[tilespmem:s15+$0x50] =	vst v0  }
0x1ba: {  	v0 =	vmul.f32 v10, v30;
	[tilespmem:s15+$0x70] =	vst v2  }
0x1bb: {  	v2 =	vmul.f32 v9, v31;
	[tilespmem:s15+$0x60] =	vst v1  }
0x1bc: {  	v1 =	vmul.f32 v11, v36;
	[tilespmem:s15+$0x90] =	vst v0  }
0x1bd: {  	v0 =	vmul.f32 v8, v32;
	[tilespmem:s15+$0xB0] =	vst v2  }
0x1be: {  	v2 =	vmul.f32 v39, v34;
	[tilespmem:s15+$0xA0] =	vst v1  }
0x1bf: {  	v1 =	vmul.f32 v41, v38;
	[tilespmem:s15+$0xC0] =	vst v0  }
0x1c0: {  	v0 =	vmul.f32 v43, v42;
	[tilespmem:s15+$0xE0] =	vst v2  }
0x1c1: {  	p0 =	seq.s32 s25, $0x34;
	[tilespmem:s15+$0xD0] =	vst v1  }
0x1c2: {  	s12 =	sadd.s32 @!p0 s12, s14;
	[tilespmem:s15+$0xF0] =	vst v0  }
0x1c3: {  	[spmem:s1] =	stream.indirect.scatter.add.f32 [tilespmem:s23], [sflag:$0x3], $0x90, s24, s22, $0xb8;
	[tilespmem:$0x1DD00] =	vst v63  }
0x1c4: {  	s12 =	smul.u32 @!p0 $0x18, s12;
	_ =	swait.ge [sflag:s20], $0x3600  }
0x1c5: {  	s16 =	simm.s32 @!p0 $0x16380;
	[sflag:s20] =	ssyncset.done $0x0  }
0x1c6: {  	s12 =	sadd.s32 @!p0 s9, s12;
	s15 =	simm.s32 @!p0 $0x0;
	[sflag:s20] =	ssyncadd.s32 $0xFFFFCA00  }
0x1c7: {  	[tilespmem:s16], [sflag:$0x3] =	stream.linear.gather @!p0 [hbm4b:s12+s15], $0xC0, $0x38;
	[tilespmem:$0x1DD00] =	vst v63  }
0x1c8: {  	s12 =	simm.s32 @!p0 $0x3  }
0x1c9: {  	_ =	swait.ge @!p0 [sflag:s12], $0xC0  }
0x1ca: {  	[sflag:s12] =	ssyncset.done @!p0 $0x0  }
0x1cb: {  	s15 =	simm.s32 @!p0 $0x16500;
	[sflag:s12] =	ssyncadd.s32 @!p0 $0xFFFFFF40;
	s12 =	simm.s32 @!p0 $0x60  }
0x1cc: {  	[tilespmem:s15], [sflag:$0x1] =	stream.indirect.gather @!p0 [hbm4b:s7+s12], $0x90, s16, s12, $0xb8;
	[tilespmem:$0x1DD00] =	vst v63  }
0x1cd: {  	s15 =	simm.s32 @!p0 $0x163E0;
	s16 =	simm.s32 @!p0 $0x1D100  }
0x1ce: {  	[tilespmem:s16], [sflag:$0x1] =	stream.indirect.gather @!p0 [hbm4b:s8+s12], $0x10, s15, s12, $0xb8;
	[tilespmem:$0x1DD00] =	vst v63  }
0x1cf: {  	_ =	swait.ge [sflag:s0], $0x3600  }
0x1d0: {  	[sflag:s0] =	ssyncset.done $0x0  }
0x1d1: {  	[sflag:s0] =	ssyncadd.s32 $0xFFFFCA00  }
0x1d2: {  	_ =	swait.ge [sflag:s0], $0x600  }
0x1d3: {  	[sflag:s0] =	ssyncset.done $0x0  }
0x1d4: {  	s12 =	simm.s32 $0x19C20;
	[sflag:s0] =	ssyncadd.s32 $0xFFFFFA00  }
0x1d5: {  	s15 =	simm.s32 $0x1D720;
	v0 =	vld [tilespmem:s12+$0x110]  }
0x1d6: {  	v1 =	vld [tilespmem:s15+$0x10]  }
0x1d7: {  	v3 =	vld [tilespmem:s12+$0xFFFFFFF0]  }
0x1d8: {  	v4 =	vld [tilespmem:s15+$0xFFFFFFF0]  }
0x1d9: {  	v2 =	vld [tilespmem:s15+$0xFFFFFFE0]  }
0x1da: {  	v5 =	vld [tilespmem:s12+$0x80]  }
0x1db: {  	v6 =	vld [tilespmem:s15+$0x0];
	v0 =	vadd.f32 v1, v0  }
0x1dc: {  	v1 =	vld [tilespmem:s12+$0xFFFFFF60]  }
0x1dd: {  	v48 =	vld [tilespmem:s12+$0xFFFFFEE0];
	v3 =	vadd.f32 v4, v3;
	v8 =	vmul.f32 $2.000000030e-01, v0  }
0x1de: {  	v12 =	vld [tilespmem:s12+$0xFFFFFEF0]  }
0x1df: {  	v13 =	vld [tilespmem:s12+$0xFFFFFF00];
	v4 =	vmul.f32 $2.000000030e-01, v3;
	v0 =	vmax.f32 v0, v8  }
0x1e0: {  	v14 =	vld [tilespmem:s12+$0xFFFFFF10];
	v0 =	vmul.f32 $1.442695020e+00, v0  }
0x1e1: {  	v15 =	vld [tilespmem:s12+$0xFFFFFF20];
	v1 =	vadd.f32 v2, v1;
	v2 =	vmax.f32 v3, v4  }
0x1e2: {  	v16 =	vld [tilespmem:s12+$0xFFFFFF30];
	v5 =	vadd.f32 v6, v5;
	v2 =	vmul.f32 $1.442695020e+00, v2;
	(erf) = vpow2.f32 v0  }
0x1e3: {  	v17 =	vld [tilespmem:s12+$0xFFFFFF40]  }
0x1e4: {  	v18 =	vld [tilespmem:s12+$0xFFFFFF50];
	v3 =	vmul.f32 $2.000000030e-01, v5;
	(erf) = vpow2.f32 v2  }
0x1e5: {  	v19 =	vld [tilespmem:s12+$0xFFFFFF70];
	v0 =	vmul.f32 $2.000000030e-01, v1  }
0x1e6: {  	v20 =	vld [tilespmem:s12+$0xFFFFFF80];
	v3 =	vmax.f32 v5, v3  }
0x1e7: {  	v21 =	vld [tilespmem:s12+$0xFFFFFF90];
	v0 =	vmax.f32 v1, v0;
	v1 =	vmul.f32 $1.442695020e+00, v3  }
0x1e8: {  	v22 =	vld [tilespmem:s12+$0xFFFFFFA0]  }
0x1e9: {  	v24 =	vld [tilespmem:s12+$0xFFFFFFB0];
	v0 =	vmul.f32 $1.442695020e+00, v0;
	(erf) = vpow2.f32 v1  }
0x1ea: {  	v52 =	vimm.s32 $0x2;
	v23 =	vld [tilespmem:s12+$0xFFFFFFC0]  }
0x1eb: {  	v31 =	vimm.s32 $0x0;
	v38 =	vimm.s32 $0x7;
	v25 =	vld [tilespmem:s12+$0xFFFFFFD0];
	(erf) = vpow2.f32 v0;
	v5 =	vpop (erf)  }
0x1ec: {  	v32 =	vimm.s32 $0x1;
	v26 =	vld [tilespmem:s12+$0xFFFFFFE0];
	v10 =	vperm.xlane v5, v31;
	v1 =	vperm.xlane v5, v38  }
0x1ed: {  	v55 =	vimm.s32 $0x3;
	v0 =	vld [tilespmem:s12+$0x100];
	v11 =	vperm.xlane v5, v32;
	v9 =	vperm.xlane v5, v52;
	v6 =	vpop (erf)  }
0x1ee: {  	v7 =	vimm.s32 $0x6;
	v27 =	vld [tilespmem:s12+$0x0];
	v8 =	vperm.xlane v5, v55;
	v50 =	vperm.xlane v6, v31  }
0x1ef: {  	v41 =	vimm.s32 $0x4;
	v28 =	vld [tilespmem:s12+$0x10];
	v47 =	vperm.xlane v6, v32;
	v49 =	vperm.xlane v6, v52  }
0x1f0: {  	v39 =	vimm.s32 $0x5;
	v29 =	vld [tilespmem:s12+$0x20];
	v45 =	vperm.xlane v6, v55;
	v51 =	vperm.xlane v6, v41  }
0x1f1: {  	v33 =	vld [tilespmem:s12+$0x30];
	v46 =	vperm.xlane v6, v39;
	v61 =	vperm.xlane v6, v7  }
0x1f2: {  	v35 =	vld [tilespmem:s12+$0x40];
	v59 =	vperm.xlane v6, v38;
	v2 =	vmul.f32 v1, v0;
	v42 =	vpop (erf)  }
0x1f3: {  	v40 =	vld [tilespmem:s12+$0x50];
	v60 =	vperm.xlane v42, v31;
	v58 =	vperm.xlane v42, v32  }
0x1f4: {  	v37 =	vld [tilespmem:s12+$0x60];
	v57 =	vperm.xlane v42, v52;
	v56 =	vperm.xlane v42, v55  }
0x1f5: {  	v30 =	vld [tilespmem:s12+$0x90];
	v34 =	vpop (erf);
	v54 =	vperm.xlane v42, v39;
	v53 =	vperm.xlane v42, v7  }
0x1f6: {  	v36 =	vld [tilespmem:s12+$0xA0];
	v43 =	vperm.xlane v34, v31;
	v1 =	vperm.xlane v34, v32  }
0x1f7: {  	v44 =	vld [tilespmem:s12+$0x70];
	v4 =	vperm.xlane v34, v52;
	v0 =	vperm.xlane v34, v55  }
0x1f8: {  	[tilespmem:s12+$0x110] =	vst v5;
	v3 =	vperm.xlane v34, v41;
	v63 =	vperm.xlane v34, v39;
	v31 =	vld [tilespmem:s12+$0xB0]  }
0x1f9: {  	[tilespmem:s12+$0x100] =	vst v2;
	v2 =	vperm.xlane v34, v7;
	v62 =	vperm.xlane v34, v38;
	v32 =	vld [tilespmem:s12+$0xC0]  }
0x1fa: {  	[tilespmem:s12+$0xFFFFFFF0] =	vst v6;
	v55 =	vperm.xlane v42, v41;
	v52 =	vperm.xlane v42, v38;
	v38 =	vld [tilespmem:s12+$0xD0]  }
0x1fb: {  	[tilespmem:s12+$0xFFFFFF60] =	vst v34;
	v34 =	vld [tilespmem:s12+$0xE0];
	v41 =	vperm.xlane v5, v41;
	v39 =	vperm.xlane v5, v39  }
0x1fc: {  	s17 =	simm.s32 $0x19E60;
	s16 =	simm.s32 $0x0;
	[tilespmem:s12+$0x80] =	vst v42;
	v42 =	vld [tilespmem:s12+$0xF0];
	v48 =	vmul.f32 v43, v48;
	v43 =	vperm.xlane v5, v7  }
.LBB2_11:
0x1fd: {  	v5 =	vld [tilespmem:s17+$0x110];
	v1 =	vmul.f32 v1, v12;
	v4 =	vmul.f32 v4, v13;
	s15 =	sadd.s32 $0x40, s15  }
0x1fe: {  	s16 =	sadd.s32 $0x4, s16;
	v0 =	vmul.f32 v0, v14;
	v3 =	vmul.f32 v3, v15;
	v6 =	vld [tilespmem:s15+$0x10];
	[tilespmem:s12+$0xFFFFFEE0] =	vst v48  }
0x1ff: {  	v2 =	vmul.f32 v2, v17;
	p0 =	slt.u32 s16, $0x5C;
	v7 =	vld [tilespmem:s15+$0xFFFFFFE0];
	[tilespmem:s12+$0xFFFFFEF0] =	vst v1;
	v1 =	vmul.f32 v63, v16  }
0x200: {  	v14 =	vmul.f32 v50, v19;
	v13 =	vld [tilespmem:s17+$0xFFFFFFF0];
	[tilespmem:s12+$0xFFFFFF00] =	vst v4;
	v4 =	vmul.f32 v62, v18  }
0x201: {  	v16 =	vmul.f32 v49, v21;
	v15 =	vld [tilespmem:s15+$0xFFFFFFF0];
	[tilespmem:s12+$0xFFFFFF10] =	vst v0;
	v0 =	vmul.f32 v47, v20  }
0x202: {  	v18 =	vmul.f32 v51, v24;
	v17 =	vld [tilespmem:s17+$0x80];
	[tilespmem:s12+$0xFFFFFF20] =	vst v3;
	v3 =	vmul.f32 v45, v22  }
0x203: {  	v19 =	vld [tilespmem:s15+$0x0];
	v5 =	vadd.f32 v6, v5;
	[tilespmem:s12+$0xFFFFFF30] =	vst v1;
	v1 =	vmul.f32 v46, v23;
	v6 =	vmul.f32 v61, v25  }
0x204: {  	v21 =	vmul.f32 v60, v27;
	v20 =	vld [tilespmem:s17+$0xFFFFFF60];
	[tilespmem:s12+$0xFFFFFF40] =	vst v2;
	v2 =	vmul.f32 v59, v26  }
0x205: {  	v48 =	vld [tilespmem:s17+$0xFFFFFEE0];
	v22 =	vmul.f32 $2.000000030e-01, v5;
	[tilespmem:s12+$0xFFFFFF50] =	vst v4;
	v4 =	vmul.f32 v58, v28  }
0x206: {  	v24 =	vmul.f32 v57, v29;
	v25 =	vmul.f32 v56, v33;
	v12 =	vld [tilespmem:s17+$0xFFFFFEF0];
	v23 =	vadd.f32 v15, v13;
	[tilespmem:s12+$0xFFFFFF70] =	vst v14  }
0x207: {  	v26 =	vmul.f32 v54, v40;
	v13 =	vld [tilespmem:s17+$0xFFFFFF00];
	v5 =	vmax.f32 v5, v22;
	[tilespmem:s12+$0xFFFFFF80] =	vst v0;
	v0 =	vmul.f32 v55, v35  }
0x208: {  	v14 =	vld [tilespmem:s17+$0xFFFFFF10];
	v22 =	vmul.f32 $2.000000030e-01, v23;
	v19 =	vadd.f32 v19, v17;
	v5 =	vmul.f32 $1.442695020e+00, v5;
	[tilespmem:s12+$0xFFFFFF90] =	vst v16  }
0x209: {  	v27 =	vmul.f32 v52, v44;
	v15 =	vld [tilespmem:s17+$0xFFFFFF20];
	v7 =	vadd.f32 v7, v20;
	[tilespmem:s12+$0xFFFFFFA0] =	vst v3;
	v3 =	vmul.f32 v53, v37  }
0x20a: {  	v16 =	vld [tilespmem:s17+$0xFFFFFF30];
	v20 =	vmax.f32 v23, v22;
	v22 =	vmul.f32 $2.000000030e-01, v19;
	(erf) = vpow2.f32 v5;
	[tilespmem:s12+$0xFFFFFFB0] =	vst v18  }
0x20b: {  	v17 =	vld [tilespmem:s17+$0xFFFFFF40];
	v5 =	vmul.f32 $2.000000030e-01, v7;
	v20 =	vmul.f32 $1.442695020e+00, v20;
	[tilespmem:s12+$0xFFFFFFC0] =	vst v1  }
0x20c: {  	v29 =	vmul.f32 v11, v36;
	v18 =	vld [tilespmem:s17+$0xFFFFFF50];
	v1 =	vmax.f32 v19, v22;
	[tilespmem:s12+$0xFFFFFFD0] =	vst v6;
	v6 =	vmul.f32 v10, v30  }
0x20d: {  	v5 =	vmax.f32 v7, v5;
	v19 =	vld [tilespmem:s17+$0xFFFFFF70];
	v1 =	vmul.f32 $1.442695020e+00, v1;
	(erf) = vpow2.f32 v20;
	[tilespmem:s12+$0xFFFFFFE0] =	vst v2  }
0x20e: {  	v2 =	vmul.f32 $1.442695020e+00, v5;
	v20 =	vld [tilespmem:s17+$0xFFFFFF80];
	[tilespmem:s12+$0x0] =	vst v21;
	v5 =	vmul.f32 v9, v31  }
0x20f: {  	v21 =	vld [tilespmem:s17+$0xFFFFFF90];
	(erf) = vpow2.f32 v1;
	[tilespmem:s12+$0x10] =	vst v4;
	v4 =	vmul.f32 v8, v32  }
0x210: {  	v22 =	vld [tilespmem:s17+$0xFFFFFFA0];
	(erf) = vpow2.f32 v2;
	[tilespmem:s12+$0x20] =	vst v24;
	v2 =	vmul.f32 v41, v38  }
0x211: {  	v30 =	vmul.f32 v43, v42;
	v7 =	vmul.f32 v39, v34;
	v1 =	vld [tilespmem:s17+$0x100];
	[tilespmem:s12+$0x30] =	vst v25  }
0x212: {  	v24 =	vld [tilespmem:s17+$0xFFFFFFB0];
	[tilespmem:s12+$0x40] =	vst v0  }
0x213: {  	v52 =	vimm.s32 $0x2;
	v34 =	vimm.s32 $0x0;
	v38 =	vimm.s32 $0x7;
	v23 =	vld [tilespmem:s17+$0xFFFFFFC0];
	v43 =	vpop (erf);
	[tilespmem:s12+$0x50] =	vst v26  }
0x214: {  	v36 =	vimm.s32 $0x1;
	v25 =	vld [tilespmem:s17+$0xFFFFFFD0];
	v10 =	vperm.xlane v43, v34;
	v0 =	vperm.xlane v43, v38;
	[tilespmem:s12+$0x60] =	vst v3  }
0x215: {  	v42 =	vimm.s32 $0x3;
	v11 =	vperm.xlane v43, v36;
	v9 =	vperm.xlane v43, v52;
	v26 =	vld [tilespmem:s17+$0xFFFFFFE0];
	[tilespmem:s12+$0x70] =	vst v27  }
0x216: {  	v8 =	vperm.xlane v43, v42;
	v27 =	vld [tilespmem:s17+$0x0];
	v0 =	vmul.f32 v0, v1;
	v31 =	vpop (erf);
	[tilespmem:s12+$0x90] =	vst v6  }
0x217: {  	v39 =	vimm.s32 $0x5;
	v50 =	vperm.xlane v31, v34;
	v47 =	vperm.xlane v31, v36;
	v28 =	vld [tilespmem:s17+$0x10];
	[tilespmem:s12+$0xA0] =	vst v29  }
0x218: {  	v41 =	vimm.s32 $0x4;
	v49 =	vperm.xlane v31, v52;
	v45 =	vperm.xlane v31, v42;
	v29 =	vld [tilespmem:s17+$0x20];
	[tilespmem:s17+$0x100] =	vst v0;
	v6 =	vpop (erf)  }
0x219: {  	v51 =	vperm.xlane v31, v41;
	v46 =	vperm.xlane v31, v39;
	v33 =	vld [tilespmem:s17+$0x30];
	v32 =	vpop (erf);
	[tilespmem:s12+$0xB0] =	vst v5  }
0x21a: {  	v5 =	vperm.xlane v32, v34;
	v1 =	vperm.xlane v32, v36;
	v35 =	vld [tilespmem:s17+$0x40];
	[tilespmem:s12+$0xC0] =	vst v4  }
0x21b: {  	v4 =	vperm.xlane v32, v52;
	v0 =	vperm.xlane v32, v42;
	v40 =	vld [tilespmem:s17+$0x50];
	[tilespmem:s12+$0xD0] =	vst v2  }
0x21c: {  	v3 =	vperm.xlane v32, v41;
	v63 =	vperm.xlane v32, v39;
	v37 =	vld [tilespmem:s17+$0x60];
	[tilespmem:s12+$0xE0] =	vst v7;
	v7 =	vimm.s32 $0x6  }
0x21d: {  	v62 =	vperm.xlane v32, v38;
	v2 =	vperm.xlane v32, v7;
	v44 =	vld [tilespmem:s17+$0x70];
	[tilespmem:s12+$0xF0] =	vst v30;
	s12 =	smov.u32 s17  }
0x21e: {  	v59 =	vperm.xlane v31, v38;
	v61 =	vperm.xlane v31, v7;
	[tilespmem:s17+$0xFFFFFF60] =	vst v32;
	v30 =	vld [tilespmem:s17+$0x90]  }
0x21f: {  	v60 =	vperm.xlane v6, v34;
	v58 =	vperm.xlane v6, v36;
	[tilespmem:s17+$0xFFFFFFF0] =	vst v31;
	v36 =	vld [tilespmem:s17+$0xA0]  }
.Ltmp4:
0x220: {  	v57 =	vperm.xlane v6, v52;
	v56 =	vperm.xlane v6, v42;
	[tilespmem:s17+$0x80] =	vst v6;
	v31 =	vld [tilespmem:s17+$0xB0];
	(pc) =	sbr.rel @p0 .LBB2_11-.Ltmp4, $4  }
0x221: {  	v55 =	vperm.xlane v6, v41;
	v54 =	vperm.xlane v6, v39;
	v32 =	vld [tilespmem:s17+$0xC0];
	[tilespmem:s17+$0x110] =	vst v43  }
0x222: {  	v52 =	vperm.xlane v6, v38;
	v53 =	vperm.xlane v6, v7;
	v38 =	vld [tilespmem:s17+$0xD0]  }
0x223: {  	v41 =	vperm.xlane v43, v41;
	v39 =	vperm.xlane v43, v39;
	v34 =	vld [tilespmem:s17+$0xE0]  }
0x224: {  	v48 =	vmul.f32 v5, v48;
	v43 =	vperm.xlane v43, v7;
	s17 =	sadd.s32 $0x240, s17;
	v42 =	vld [tilespmem:s12+$0xF0]  }
0x225: {  	v1 =	vmul.f32 v1, v12  }
0x226: {  	v4 =	vmul.f32 v4, v13;
	[tilespmem:s12+$0xFFFFFEE0] =	vst v48  }
0x227: {  	v0 =	vmul.f32 v0, v14;
	[tilespmem:s12+$0xFFFFFEF0] =	vst v1  }
0x228: {  	v14 =	vmul.f32 v3, v15;
	[tilespmem:s12+$0xFFFFFF00] =	vst v4  }
0x229: {  	v15 =	vmul.f32 v63, v16;
	[tilespmem:s12+$0xFFFFFF10] =	vst v0  }
0x22a: {  	v16 =	vmul.f32 v2, v17;
	[tilespmem:s12+$0xFFFFFF20] =	vst v14  }
0x22b: {  	v17 =	vmul.f32 v62, v18;
	[tilespmem:s12+$0xFFFFFF30] =	vst v15  }
0x22c: {  	v18 =	vmul.f32 v50, v19;
	[tilespmem:s12+$0xFFFFFF40] =	vst v16  }
0x22d: {  	v19 =	vmul.f32 v47, v20;
	[tilespmem:s12+$0xFFFFFF50] =	vst v17  }
0x22e: {  	v20 =	vmul.f32 v49, v21;
	[tilespmem:s12+$0xFFFFFF70] =	vst v18  }
0x22f: {  	v21 =	vmul.f32 v45, v22;
	[tilespmem:s12+$0xFFFFFF80] =	vst v19  }
0x230: {  	v22 =	vmul.f32 v51, v24;
	[tilespmem:s12+$0xFFFFFF90] =	vst v20  }
0x231: {  	v24 =	vmul.f32 v46, v23;
	[tilespmem:s12+$0xFFFFFFA0] =	vst v21  }
0x232: {  	v45 =	vmul.f32 v61, v25;
	[tilespmem:s12+$0xFFFFFFB0] =	vst v22  }
0x233: {  	v46 =	vmul.f32 v59, v26;
	[tilespmem:s12+$0xFFFFFFC0] =	vst v24  }
0x234: {  	v47 =	vmul.f32 v60, v27;
	[tilespmem:s12+$0xFFFFFFD0] =	vst v45  }
0x235: {  	v49 =	vmul.f32 v57, v29;
	[tilespmem:s12+$0xFFFFFFE0] =	vst v46  }
0x236: {  	v50 =	vmul.f32 v56, v33;
	[tilespmem:s12+$0x0] =	vst v47  }
0x237: {  	v51 =	vmul.f32 v55, v35;
	[tilespmem:s12+$0x20] =	vst v49  }
0x238: {  	v54 =	vmul.f32 v54, v40;
	[tilespmem:s12+$0x30] =	vst v50  }
0x239: {  	v55 =	vmul.f32 v53, v37;
	[tilespmem:s12+$0x40] =	vst v51  }
0x23a: {  	v56 =	vmul.f32 v52, v44;
	[tilespmem:s12+$0x50] =	vst v54  }
0x23b: {  	v57 =	vmul.f32 v10, v30;
	[tilespmem:s12+$0x60] =	vst v55  }
0x23c: {  	v59 =	vmul.f32 v9, v31;
	[tilespmem:s12+$0x70] =	vst v56  }
0x23d: {  	v48 =	vmul.f32 v58, v28;
	[tilespmem:s12+$0x90] =	vst v57  }
0x23e: {  	v58 =	vmul.f32 v11, v36;
	[tilespmem:s12+$0xB0] =	vst v59  }
0x23f: {  	v60 =	vmul.f32 v8, v32;
	[tilespmem:s12+$0x10] =	vst v48  }
0x240: {  	v61 =	vmul.f32 v41, v38;
	[tilespmem:s12+$0xA0] =	vst v58  }
0x241: {  	v62 =	vmul.f32 v39, v34;
	[tilespmem:s12+$0xC0] =	vst v60  }
0x242: {  	s25 =	sadd.s32 $0x1, s25;
	v63 =	vmul.f32 v43, v42;
	[tilespmem:s12+$0xD0] =	vst v61  }
0x243: {  	p0 =	sne.s32 s25, $0x35;
	[tilespmem:s12+$0xE0] =	vst v62  }
.Ltmp5:
0x244: {  	[tilespmem:s12+$0xF0] =	vst v63;
	(pc) =	sbr.rel @p0 .LBB2_8-.Ltmp5, $4  }
0x245: {  	[spmem:s1] =	stream.indirect.scatter.add.f32 [tilespmem:s28], [sflag:$0x3], $0x90, s29, s22, $0xb8;
	[tilespmem:$0x1DD00] =	vst v63  }
0x246: {  	v31 =	vimm.s32 $0x0;
	_ =	swait.ge [sflag:s20], $0x3600  }
0x247: {  	v30 =	vimm.s32 $0x4;
	v33 =	vimm.s32 $0x5;
	v32 =	vimm.s32 $0x1;
	[sflag:s20] =	ssyncset.done $0x0  }
0x248: {  	v36 =	vimm.s32 $0x7;
	v41 =	vimm.s32 $0x3;
	v39 =	vimm.s32 $0x2;
	[sflag:s20] =	ssyncadd.s32 $0xFFFFCA00  }
0x249: {  	[bflag:$0x0] =	sbarrier.arrive $0xFFFF  }
0x24a: {  	s12 =	rddreg [dreg:$0x6]  }
0x24b: {  	[hbm:s12], [sflag:s11] =	dma.local [spmem:s19], $0x2C70  }
0x24c: {  	_ =	swait.ge [sflag:s20], $0x2C70  }
0x24d: {  	s2 =	sadd.s32 $0x1, s2;
	s25 =	rddreg [dreg:$0x7]  }
0x24e: {  	p0 =	sne.s32 s2, s25  }
.Ltmp6:
0x24f: {  	_ = 	snop;
	(pc) =	sbr.rel @p0 .LBB2_1-.Ltmp6, $4  }
0x250: {  	[sflag:s20] =	ssyncset.done $0x0  }
0x251: {  	[sflag:s20] =	ssyncadd.s32 $0xFFFFD390  }
0x252: {  	[bflag:$0x0] =	sbarrier.arrive $0xFFFF  }
0x253: {  	v7 =	vimm.s32 $0x6  }
0x254: {  	_ =	sfence.sel $0x180000  }
0x255: {  	[bflag:$0x0] =	sbarrier.arrive $0xFFFF  }
0x256: {  	_ =	strace $0x90000047  }
0x257: {  	s0 =	stileid.u32;
	[bflag:$0x2] =	sbarrier.arrive $0xFFFF  }
0x258: {  	p0 =	sne.s32 s0, $0x0;
	s0 =	rddreg [dreg:$0x2]  }
0x259: {  	s0 =	sadd.s32 @!p0 $0x100000, s0  }
0x25a: {  	[sflag:s0] =	ssyncadd.tile.s32 @!p0 $0x1;
	_ =	shalt  }
.Lfunc_end2:
_tile_overlayer_lowered:
.L_overlay_start_2:
0x25b: {  	(tag) =	ssettag $0x2  }
0x25c: {  	s0 =	rddreg [dreg:$0x0];
	s2 =	stileid.u32  }
0x25d: {  	s1 =	rddreg [dreg:$0x1];
	p0 =	sne.s32 s2, $0x0  }
0x25e: {  	s3 =	rddreg [dreg:$0x2];
	[bflag:$0x3] =	sbarrier.arrive $0xFFFF;
	s2 =	simm.s32 @!p0 $0x1C03  }
0x25f: {  	[timem:s3], [sflag:s2] =	dma.local @!p0 [hbm:s0], s1  }
0x260: {  	s0 =	simm.s32 @!p0 $0x3  }
0x261: {  	_ =	swait.ge @!p0 [sflag:s0], s1  }
0x262: {  	s1 =	ssub.s32 @!p0 $0x0, s1;
	[sflag:s0] =	ssyncset.done @!p0 $0x0  }
0x263: {  	[sflag:s0] =	ssyncadd.s32 @!p0 s1  }
0x264: {  	[bflag:$0x3] =	sbarrier.arrive $0xFFFF  }
0x265: {  	_ =	shalt  }

</sc_bundles>
